<compile_context>
chip_gen: v7x
topology: tpu7x:2x2x1
jax: 0.10.2.dev20260603
libtpu: 0.0.44.dev20260713+nightly
codegen_flags: <defaults>
</compile_context>

<pallas_src>
import functools

import jax
import jax.numpy as jnp
from jax import lax
from jax.experimental import pallas as pl
from jax.experimental.pallas import tpu as pltpu
from jax.experimental.pallas import tpu_sc as plsc

RADIUS2 = 0.4 * 0.4
NSAMPLE = 32
NS1 = NSAMPLE + 1
B, N, NP, C = 8, 8192, 1024, 128
JT = 256
FLAT = JT * NS1
FLAT16 = FLAT + 16
BLK = 8
NBLK = N // (16 * BLK)
CPT = C // 4
OROW = NP * NS1
OUTC = 6 + C

_mesh = plsc.VectorSubcoreMesh(
    core_axis_name="c", subcore_axis_name="s", num_cores=2, num_subcores=16
)

_SPEC = dict(
    out_type=(
        jax.ShapeDtypeStruct((B * OUTC * OROW,), jnp.float32),
        jax.ShapeDtypeStruct((32 * FLAT16,), jnp.int32),
    ),
    mesh=_mesh,
    compiler_params=pltpu.CompilerParams(needs_layout_passes=False),
    scratch_types=[
        pltpu.VMEM((N,), jnp.float32),
        pltpu.VMEM((N,), jnp.float32),
        pltpu.VMEM((N,), jnp.float32),
        pltpu.VMEM((JT,), jnp.float32),
        pltpu.VMEM((JT,), jnp.float32),
        pltpu.VMEM((JT,), jnp.float32),
        pltpu.VMEM((JT,), jnp.int32),
        pltpu.VMEM((192,), jnp.int32),
        pltpu.VMEM((FLAT16,), jnp.int32),
        pltpu.VMEM((FLAT16,), jnp.int32),
        pltpu.VMEM((4 * FLAT16,), jnp.int32),
        pltpu.VMEM((FLAT,), jnp.float32),
        pltpu.VMEM((N,), jnp.float32),
        pltpu.VMEM((OROW,), jnp.float32),
        pltpu.VMEM((3072,), jnp.float32),
    ],
)


def _qag_body(
    xyz_r, new_r, feat, fps, out, xout,
    xs, ys, zs, cxr, cyr, czr, fpsr, cand, idxf, jidx, idxb, gbuf, frow,
    obuf, xtmp,
):
    s = lax.axis_index("s")
    cid = lax.axis_index("c")
    wid = cid * 16 + s
    b = wid // 4
    q = wid % 4
    jbase = q * JT
    obase = jbase * NS1

    lanes = lax.iota(jnp.int32, 16)

    pltpu.sync_copy(fps.at[pl.ds(b * NP + jbase, JT)], fpsr)
    for blkr in range(8):
        pltpu.sync_copy(xyz_r.at[pl.ds(b * N * 3 + blkr * 3072, 3072)], xtmp)

        def deint(t, carry):
            off = t * 16
            src = off * 3 + lanes * 3
            g = blkr * 1024 + off
            xs[pl.ds(g, 16)] = plsc.load_gather(xtmp, [src])
            ys[pl.ds(g, 16)] = plsc.load_gather(xtmp, [src + 1])
            zs[pl.ds(g, 16)] = plsc.load_gather(xtmp, [src + 2])
            return carry

        lax.fori_loop(0, 64, deint, 0, unroll=4)

    pltpu.sync_copy(new_r.at[pl.ds((b * NP + jbase) * 3, 768)], xtmp.at[pl.ds(0, 768)])

    def deint_c(t, carry):
        off = t * 16
        src = off * 3 + lanes * 3
        cxr[pl.ds(off, 16)] = plsc.load_gather(xtmp, [src])
        cyr[pl.ds(off, 16)] = plsc.load_gather(xtmp, [src + 1])
        czr[pl.ds(off, 16)] = plsc.load_gather(xtmp, [src + 2])
        return carry

    lax.fori_loop(0, 16, deint_c, 0)

    def select_one(j, carry):
        jv = jnp.zeros((16,), jnp.int32) + j
        fpsj = plsc.load_gather(fpsr, [jv])
        cx = plsc.load_gather(cxr, [jv])
        cy = plsc.load_gather(cyr, [jv])
        cz = plsc.load_gather(czr, [jv])

        def cond(st):
            blk, cnt = st
            return (blk < NBLK) & (cnt < NSAMPLE)

        def body(st):
            blk, cnt = st
            for k in range(BLK):
                base = (blk * BLK + k) * 16
                dx = xs[pl.ds(base, 16)] - cx
                dy = ys[pl.ds(base, 16)] - cy
                dz = zs[pl.ds(base, 16)] - cz
                d2 = dx * dx + dy * dy + dz * dz
                ii = base + lanes
                m = (d2 < RADIUS2) & (ii != fpsj)
                plsc.store_compressed(cand.at[pl.ds(cnt, 16)], ii, mask=m)
                pc = plsc.all_reduce_population_count(m)
                cnt = cnt + pc[0]
            return blk + 1, cnt

        _, cnt = lax.while_loop(cond, body, (jnp.int32(0), jnp.int32(0)))

        cntv = jnp.zeros((16,), jnp.int32) + cnt
        mcl = jnp.minimum(cntv, NSAMPLE)
        cv = cand[pl.ds(0, 16)]
        padv = jnp.where(cntv > 0, jnp.zeros((16,), jnp.int32) + cv[0], 0)

        k0 = lanes - 1
        g0 = plsc.load_gather(cand, [jnp.maximum(k0, 0)])
        v0 = jnp.where(k0 < 0, fpsj, jnp.where(k0 < mcl, g0, padv))
        k1 = lanes + 15
        g1 = plsc.load_gather(cand, [k1])
        v1 = jnp.where(k1 < mcl, g1, padv)
        k2 = lanes + 31
        g2 = plsc.load_gather(cand, [k2])
        v2 = jnp.where(k2 < mcl, g2, padv)

        p = j * NS1
        m2 = lanes < 1
        plsc.store_scatter(idxf, [p + lanes], v0)
        plsc.store_scatter(idxf, [p + 16 + lanes], v1)
        plsc.store_scatter(idxf, [p + 32 + lanes], v2, mask=m2)
        plsc.store_scatter(jidx, [p + lanes], jv)
        plsc.store_scatter(jidx, [p + 16 + lanes], jv)
        plsc.store_scatter(jidx, [p + 32 + lanes], jv, mask=m2)
        return carry

    lax.fori_loop(0, JT, select_one, 0)

    def dump_idx(t, carry):
        gbuf[pl.ds(t * 16, 16)] = idxf[pl.ds(t * 16, 16)].astype(jnp.float32)
        return carry

    lax.fori_loop(0, FLAT // 16, dump_idx, 0)
    pltpu.sync_copy(gbuf, out.at[pl.ds((b * OUTC) * OROW + obase, FLAT)])
    pltpu.sync_copy(idxf, xout.at[pl.ds(wid * FLAT16, FLAT16)])
    return

    pltpu.sync_copy(idxf, xout.at[pl.ds(wid * FLAT16, FLAT16)])
    plsc.subcore_barrier()
    pltpu.sync_copy(xout.at[pl.ds(b * 4 * FLAT16, 4 * FLAT16)], idxb)

    def center_channel(src, cref, ch):
        def gather_chunk(t, carry):
            p = t * 16
            iv = idxf[pl.ds(p, 16)]
            jv = jidx[pl.ds(p, 16)]
            g = plsc.load_gather(src, [iv])
            cc = plsc.load_gather(cref, [jv])
            gbuf[pl.ds(p, 16)] = g - cc
            return carry

        lax.fori_loop(0, FLAT // 16, gather_chunk, 0, unroll=8)
        pltpu.sync_copy(gbuf, out.at[pl.ds((b * OUTC + ch) * OROW + obase, FLAT)])
        pltpu.sync_copy(gbuf, out.at[pl.ds((b * OUTC + ch + 3) * OROW + obase, FLAT)])

    center_channel(xs, cxr, 0)
    center_channel(ys, cyr, 1)
    center_channel(zs, czr, 2)

    def feat_channel(ci, carry):
        c = q * CPT + ci
        pltpu.sync_copy(feat.at[pl.ds((b * C + c) * N, N)], frow)
        for qq in range(4):
            def gather_chunk(t, inner):
                p = t * 16
                iv = idxb[pl.ds(qq * FLAT16 + p, 16)]
                obuf[pl.ds(qq * FLAT + p, 16)] = plsc.load_gather(frow, [iv])
                return inner

            lax.fori_loop(0, FLAT // 16, gather_chunk, 0, unroll=8)
        pltpu.sync_copy(obuf, out.at[pl.ds((b * OUTC + 6 + c) * OROW, OROW)])
        return carry

    lax.fori_loop(0, CPT, feat_channel, 0)


_query_and_group = pl.kernel(_qag_body, **_SPEC)


def kernel(xyz, new_xyz, features, fps_idx):
    out, _ = _query_and_group(
        xyz.reshape(-1), new_xyz.reshape(-1), features.reshape(-1),
        fps_idx.reshape(-1)
    )
    return out.reshape(B, OUTC, NP, NS1)

# --- scband reference (transcript-rebuilt; emitter-appended) ---
"""Pipeline reference for scband-query-and-group-10574209482754 (READ-ONLY COPY).

The authoritative reference and input builder live on the scoring server;
editing this copy changes nothing except your own understanding.
"""

import jax, jax.numpy as jnp
import numpy as np

RADIUS = 0.4
NSAMPLE = 32


def setup_inputs(seed: int = 0) -> dict:
    key = jax.random.key(seed)
    k1, k2, k3, k4 = jax.random.split(key, 4)
    xyz = jax.random.normal(k1, (8, 8192, 3), dtype=jnp.float32)
    new_xyz = jax.random.normal(k2, (8, 1024, 3), dtype=jnp.float32)
    features = jax.random.normal(k3, (8, 128, 8192), dtype=jnp.float32)
    fps_idx = jax.random.randint(k4, (8, 1024), 0, 8192, dtype=jnp.int32)
    return {"xyz": xyz, "new_xyz": new_xyz, "features": features, "fps_idx": fps_idx}


def _ball_query(xyz, new_xyz, fps_idx):
    # xyz: (B, N, 3), new_xyz: (B, npoint, 3), fps_idx: (B, npoint) int32
    B, N, _ = xyz.shape
    d2 = jnp.sum((new_xyz[:, :, None, :] - xyz[:, None, :, :]) ** 2, axis=-1)  # (B, npoint, N)
    ar = jnp.arange(N, dtype=jnp.int32)
    # CUDA kernel takes the first `nsample` points inside the ball, skipping the FPS center itself
    mask = (d2 < RADIUS * RADIUS) & (ar[None, None, :] != fps_idx[:, :, None])
    cand = jnp.where(mask, ar[None, None, :], N).astype(jnp.int32)
    sortd = jnp.sort(cand, axis=-1)[:, :, :NSAMPLE]  # first nsample valid indices, N-padded
    first = jnp.where(sortd[:, :, 0] == N, 0, sortd[:, :, 0])  # pad value = first found (0 if empty)
    idx = jnp.where(sortd == N, first[:, :, None], sortd)
    # BallQuery.forward concatenates fps_idx in front -> (B, npoint, nsample + 1)
    return jnp.concatenate([fps_idx[:, :, None], idx.astype(jnp.int32)], axis=-1)


def _group(feat, idx):
    # feat: (B, C, N), idx: (B, npoint, ns) -> (B, C, npoint, ns)
    return jnp.take_along_axis(feat[:, :, None, :], idx[:, None, :, :], axis=3)


def reference(xyz, new_xyz, features, fps_idx):
    idx = _ball_query(xyz, new_xyz, fps_idx)  # (B, npoint, nsample+1)
    xyz_trans = jnp.transpose(xyz, (0, 2, 1))  # (B, 3, N)
    grouped_xyz = _group(xyz_trans, idx)  # (B, 3, npoint, nsample+1)
    # NOTE: the torch code does an IN-PLACE subtraction, so raw_grouped_xyz aliases the
    # centered tensor. Faithful translation: both concatenated copies are centered.
    centered = grouped_xyz - jnp.transpose(new_xyz, (0, 2, 1))[:, :, :, None]
    grouped_features = _group(features, idx)  # (B, C, npoint, nsample+1)
    new_features = jnp.concatenate([centered, centered, grouped_features], axis=1)
    return new_features  # (B, 3+3+C, npoint, nsample+1)

if __name__ == "__main__":
    import jax
    _d = setup_inputs()
    print(jax.jit(kernel)(*tuple(_d.values())))

</pallas_src>

<mosaic_0001>
#map = affine_map<(d0, d1) -> (0)>
module attributes {stable_mosaic.version = 14 : i64} {
  func.func @_qag_body(%arg0: i32, %arg1: i32, %arg2: memref<196608xf32, #tpu.memory_space<hbm>>, %arg3: memref<24576xf32, #tpu.memory_space<hbm>>, %arg4: memref<8388608xf32, #tpu.memory_space<hbm>>, %arg5: memref<8192xi32, #tpu.memory_space<hbm>>, %arg6: memref<36225024xf32, #tpu.memory_space<hbm>>, %arg7: memref<270848xi32, #tpu.memory_space<hbm>>, %arg8: memref<8192xf32, #tpu.memory_space<vmem>>, %arg9: memref<8192xf32, #tpu.memory_space<vmem>>, %arg10: memref<8192xf32, #tpu.memory_space<vmem>>, %arg11: memref<256xf32, #tpu.memory_space<vmem>>, %arg12: memref<256xf32, #tpu.memory_space<vmem>>, %arg13: memref<256xf32, #tpu.memory_space<vmem>>, %arg14: memref<256xi32, #tpu.memory_space<vmem>>, %arg15: memref<192xi32, #tpu.memory_space<vmem>>, %arg16: memref<8464xi32, #tpu.memory_space<vmem>>, %arg17: memref<8464xi32, #tpu.memory_space<vmem>>, %arg18: memref<33856xi32, #tpu.memory_space<vmem>>, %arg19: memref<8448xf32, #tpu.memory_space<vmem>>, %arg20: memref<8192xf32, #tpu.memory_space<vmem>>, %arg21: memref<33792xf32, #tpu.memory_space<vmem>>, %arg22: memref<3072xf32, #tpu.memory_space<vmem>>) attributes {dimension_semantics = [#tpu.dimension_semantics<core_parallel>, #tpu.dimension_semantics<subcore_parallel>], iteration_bounds = array<i64: 2, 16>, scalar_prefetch = 0 : i64, scratch_operands = 15 : i64, tpu.core_type = #tpu.core_type<sc_vector_subcore>, window_params = [{transform_indices = #map}, {transform_indices = #map}, {transform_indices = #map}, {transform_indices = #map}, {transform_indices = #map}, {transform_indices = #map}]} {
    %mul3A = arith.constant 16 : i32
    %mul3A_0 = arith.muli %arg0, %mul3A : i32
    %add3A = arith.addi %mul3A_0, %arg1 : i32
    %jit3A = arith.constant 4 : i32
    %div3A = arith.divsi %add3A, %jit3A : i32
    %sign3A = arith.constant 0 : i32
    %sign3A_1 = arith.cmpi sgt, %add3A, %sign3A : i32
    %sign3A_2 = arith.extui %sign3A_1 : i1 to i32
    %sign3A_3 = arith.constant 0 : i32
    %sign3A_4 = arith.cmpi slt, %add3A, %sign3A_3 : i32
    %sign3A_5 = arith.extui %sign3A_4 : i1 to i32
    %sign3A_6 = arith.subi %sign3A_2, %sign3A_5 : i32
    %sign3A_7 = arith.constant 0 : i32
    %sign3A_8 = arith.cmpi sgt, %jit3A, %sign3A_7 : i32
    %sign3A_9 = arith.extui %sign3A_8 : i1 to i32
    %sign3A_10 = arith.constant 0 : i32
    %sign3A_11 = arith.cmpi slt, %jit3A, %sign3A_10 : i32
    %sign3A_12 = arith.extui %sign3A_11 : i1 to i32
    %sign3A_13 = arith.subi %sign3A_9, %sign3A_12 : i32
    %ne3A = arith.cmpi ne, %sign3A_6, %sign3A_13 : i32
    %rem3A = arith.remsi %add3A, %jit3A : i32
    %ne3A_14 = arith.constant 0 : i32
    %ne3A_15 = arith.cmpi ne, %rem3A, %ne3A_14 : i32
    %and3A = arith.andi %ne3A, %ne3A_15 : i1
    %sub3A = arith.constant 1 : i32
    %sub3A_16 = arith.subi %div3A, %sub3A : i32
    %select_n3A = arith.select %and3A, %sub3A_16, %div3A : i32
    %jit3A_17 = arith.constant 4 : i32
    %eq3A = arith.constant 0 : i32
    %eq3A_18 = arith.cmpi eq, %jit3A_17, %eq3A : i32
    %jit3A_19 = arith.constant 1 : i32
    %select_n3A_20 = arith.select %eq3A_18, %jit3A_19, %jit3A_17 : i32
    %rem3A_21 = arith.remsi %add3A, %select_n3A_20 : i32
    %ne3A_22 = arith.constant 0 : i32
    %ne3A_23 = arith.cmpi ne, %rem3A_21, %ne3A_22 : i32
    %lt3A = arith.constant 0 : i32
    %lt3A_24 = arith.cmpi slt, %rem3A_21, %lt3A : i32
    %lt3A_25 = arith.constant 0 : i32
    %lt3A_26 = arith.cmpi slt, %select_n3A_20, %lt3A_25 : i32
    %ne3A_27 = arith.xori %lt3A_24, %lt3A_26 : i1
    %and3A_28 = arith.andi %ne3A_27, %ne3A_23 : i1
    %add3A_29 = arith.addi %rem3A_21, %select_n3A_20 : i32
    %select_n3A_30 = arith.select %and3A_28, %add3A_29, %rem3A_21 : i32
    %mul3A_31 = arith.constant 256 : i32
    %mul3A_32 = arith.muli %select_n3A_30, %mul3A_31 : i32
    %mul3A_33 = arith.constant 33 : i32
    %mul3A_34 = arith.muli %mul3A_32, %mul3A_33 : i32
    %iota3A = tpu.iota {dimensions = array<i32: 0>} : vector<16xi32>
    %mul3A_35 = arith.constant 1024 : i32
    %mul3A_36 = arith.muli %select_n3A, %mul3A_35 : i32
    %add3A_37 = arith.addi %mul3A_36, %mul3A_32 : i32
    "tpu.region"() ({
      %run_scoped3A = tpu.sem_alloc : memref<!tpu.dma_semaphore, #tpu.memory_space<semaphore_mem>>
      %dma_start3A = tpu.memref_slice %arg5[%add3A_37] : memref<8192xi32, #tpu.memory_space<hbm>> -> memref<256xi32, #tpu.memory_space<hbm>>
      %dma_start3A_163 = tpu.memref_slice %arg5[%add3A_37] : memref<8192xi32, #tpu.memory_space<hbm>> -> memref<256xi32, #tpu.memory_space<hbm>>
      tpu.enqueue_dma source(%dma_start3A_163 : memref<256xi32, #tpu.memory_space<hbm>>) target(%arg14 : memref<256xi32, #tpu.memory_space<vmem>>) target_semaphore(%run_scoped3A : memref<!tpu.dma_semaphore, #tpu.memory_space<semaphore_mem>>)
      %dma_wait3A = tpu.memref_slice %arg5[%add3A_37] : memref<8192xi32, #tpu.memory_space<hbm>> -> memref<256xi32, #tpu.memory_space<hbm>>
      %dma_wait3A_164 = tpu.memref_slice %arg5[%add3A_37] : memref<8192xi32, #tpu.memory_space<hbm>> -> memref<256xi32, #tpu.memory_space<hbm>>
      tpu.wait_dma2 semaphore(%run_scoped3A : memref<!tpu.dma_semaphore, #tpu.memory_space<semaphore_mem>>) src(%dma_wait3A_164 : memref<256xi32, #tpu.memory_space<hbm>>) dst(%arg14 : memref<256xi32, #tpu.memory_space<vmem>>)
      tpu.yield
    }) : () -> ()
    %mul3A_38 = arith.constant 8192 : i32
    %mul3A_39 = arith.muli %select_n3A, %mul3A_38 : i32
    %mul3A_40 = arith.constant 3 : i32
    %mul3A_41 = arith.muli %mul3A_39, %mul3A_40 : i32
    %add3A_42 = arith.constant 0 : i32
    %add3A_43 = arith.addi %mul3A_41, %add3A_42 : i32
    "tpu.region"() ({
      %run_scoped3A = tpu.sem_alloc : memref<!tpu.dma_semaphore, #tpu.memory_space<semaphore_mem>>
      %dma_start3A = tpu.memref_slice %arg2[%add3A_43] : memref<196608xf32, #tpu.memory_space<hbm>> -> memref<3072xf32, #tpu.memory_space<hbm>>
      %dma_start3A_163 = tpu.memref_slice %arg2[%add3A_43] : memref<196608xf32, #tpu.memory_space<hbm>> -> memref<3072xf32, #tpu.memory_space<hbm>>
      tpu.enqueue_dma source(%dma_start3A_163 : memref<3072xf32, #tpu.memory_space<hbm>>) target(%arg22 : memref<3072xf32, #tpu.memory_space<vmem>>) target_semaphore(%run_scoped3A : memref<!tpu.dma_semaphore, #tpu.memory_space<semaphore_mem>>)
      %dma_wait3A = tpu.memref_slice %arg2[%add3A_43] : memref<196608xf32, #tpu.memory_space<hbm>> -> memref<3072xf32, #tpu.memory_space<hbm>>
      %dma_wait3A_164 = tpu.memref_slice %arg2[%add3A_43] : memref<196608xf32, #tpu.memory_space<hbm>> -> memref<3072xf32, #tpu.memory_space<hbm>>
      tpu.wait_dma2 semaphore(%run_scoped3A : memref<!tpu.dma_semaphore, #tpu.memory_space<semaphore_mem>>) src(%dma_wait3A_164 : memref<3072xf32, #tpu.memory_space<hbm>>) dst(%arg22 : memref<3072xf32, #tpu.memory_space<vmem>>)
      tpu.yield
    }) : () -> ()
    %scan3A = arith.constant 0 : i32
    %scan3A_44 = arith.constant 0 : i32
    %scan3A_45 = arith.constant 64 : i32
    %scan3A_46 = arith.addi %scan3A_44, %scan3A_45 : i32
    %scan3A_47 = arith.constant 4 : i32
    scf.for %scan3A_163 = %scan3A_44 to %scan3A_46 step %scan3A_47  : i32 {
      %mul3A_164 = arith.constant 16 : i32
      %mul3A_165 = arith.muli %scan3A_163, %mul3A_164 : i32
      %mul3A_166 = arith.constant 3 : i32
      %mul3A_167 = arith.muli %mul3A_165, %mul3A_166 : i32
      %mul3A_168 = arith.constant 3 : i32
      %mul3A_169 = vector.broadcast %mul3A_168 : i32 to vector<16xi32>
      %mul3A_170 = arith.muli %iota3A, %mul3A_169 : vector<16xi32>
      %add3A_171 = vector.broadcast %mul3A_167 : i32 to vector<16xi32>
      %add3A_172 = arith.addi %add3A_171, %mul3A_170 : vector<16xi32>
      %add3A_173 = arith.constant 0 : i32
      %add3A_174 = arith.addi %add3A_173, %mul3A_165 : i32
      %gather3A = tpu.vector_load_idx %arg22[%add3A_172] : memref<3072xf32, #tpu.memory_space<vmem>>[vector<16xi32>], vector<16xf32>,
      %swap3A = arith.index_cast %add3A_174 : i32 to index
      %swap3A_175 = tpu.vector_load %arg8[%swap3A] {strides = array<i32>} : memref<8192xf32, #tpu.memory_space<vmem>>, vector<16xf32>,
      tpu.vector_store %arg8[%swap3A], %gather3A {strides = array<i32>} : memref<8192xf32, #tpu.memory_space<vmem>>, vector<16xf32>,
      %add3A_176 = arith.constant 1 : i32
      %add3A_177 = vector.broadcast %add3A_176 : i32 to vector<16xi32>
      %add3A_178 = arith.addi %add3A_172, %add3A_177 : vector<16xi32>
      %gather3A_179 = tpu.vector_load_idx %arg22[%add3A_178] : memref<3072xf32, #tpu.memory_space<vmem>>[vector<16xi32>], vector<16xf32>,
      %swap3A_180 = arith.index_cast %add3A_174 : i32 to index
      %swap3A_181 = tpu.vector_load %arg9[%swap3A_180] {strides = array<i32>} : memref<8192xf32, #tpu.memory_space<vmem>>, vector<16xf32>,
      tpu.vector_store %arg9[%swap3A_180], %gather3A_179 {strides = array<i32>} : memref<8192xf32, #tpu.memory_space<vmem>>, vector<16xf32>,
      %add3A_182 = arith.constant 2 : i32
      %add3A_183 = vector.broadcast %add3A_182 : i32 to vector<16xi32>
      %add3A_184 = arith.addi %add3A_172, %add3A_183 : vector<16xi32>
      %gather3A_185 = tpu.vector_load_idx %arg22[%add3A_184] : memref<3072xf32, #tpu.memory_space<vmem>>[vector<16xi32>], vector<16xf32>,
      %swap3A_186 = arith.index_cast %add3A_174 : i32 to index
      %swap3A_187 = tpu.vector_load %arg10[%swap3A_186] {strides = array<i32>} : memref<8192xf32, #tpu.memory_space<vmem>>, vector<16xf32>,
      tpu.vector_store %arg10[%swap3A_186], %gather3A_185 {strides = array<i32>} : memref<8192xf32, #tpu.memory_space<vmem>>, vector<16xf32>,
      %scan3A_188 = arith.constant 1 : i32
      %scan3A_189 = arith.addi %scan3A_163, %scan3A_188 : i32
      %mul3A_190 = arith.constant 16 : i32
      %mul3A_191 = arith.muli %scan3A_189, %mul3A_190 : i32
      %mul3A_192 = arith.constant 3 : i32
      %mul3A_193 = arith.muli %mul3A_191, %mul3A_192 : i32
      %mul3A_194 = arith.constant 3 : i32
      %mul3A_195 = vector.broadcast %mul3A_194 : i32 to vector<16xi32>
      %mul3A_196 = arith.muli %iota3A, %mul3A_195 : vector<16xi32>
      %add3A_197 = vector.broadcast %mul3A_193 : i32 to vector<16xi32>
      %add3A_198 = arith.addi %add3A_197, %mul3A_196 : vector<16xi32>
      %add3A_199 = arith.constant 0 : i32
      %add3A_200 = arith.addi %add3A_199, %mul3A_191 : i32
      %gather3A_201 = tpu.vector_load_idx %arg22[%add3A_198] : memref<3072xf32, #tpu.memory_space<vmem>>[vector<16xi32>], vector<16xf32>,
      %swap3A_202 = arith.index_cast %add3A_200 : i32 to index
      %swap3A_203 = tpu.vector_load %arg8[%swap3A_202] {strides = array<i32>} : memref<8192xf32, #tpu.memory_space<vmem>>, vector<16xf32>,
      tpu.vector_store %arg8[%swap3A_202], %gather3A_201 {strides = array<i32>} : memref<8192xf32, #tpu.memory_space<vmem>>, vector<16xf32>,
      %add3A_204 = arith.constant 1 : i32
      %add3A_205 = vector.broadcast %add3A_204 : i32 to vector<16xi32>
      %add3A_206 = arith.addi %add3A_198, %add3A_205 : vector<16xi32>
      %gather3A_207 = tpu.vector_load_idx %arg22[%add3A_206] : memref<3072xf32, #tpu.memory_space<vmem>>[vector<16xi32>], vector<16xf32>,
      %swap3A_208 = arith.index_cast %add3A_200 : i32 to index
      %swap3A_209 = tpu.vector_load %arg9[%swap3A_208] {strides = array<i32>} : memref<8192xf32, #tpu.memory_space<vmem>>, vector<16xf32>,
      tpu.vector_store %arg9[%swap3A_208], %gather3A_207 {strides = array<i32>} : memref<8192xf32, #tpu.memory_space<vmem>>, vector<16xf32>,
      %add3A_210 = arith.constant 2 : i32
      %add3A_211 = vector.broadcast %add3A_210 : i32 to vector<16xi32>
      %add3A_212 = arith.addi %add3A_198, %add3A_211 : vector<16xi32>
      %gather3A_213 = tpu.vector_load_idx %arg22[%add3A_212] : memref<3072xf32, #tpu.memory_space<vmem>>[vector<16xi32>], vector<16xf32>,
      %swap3A_214 = arith.index_cast %add3A_200 : i32 to index
      %swap3A_215 = tpu.vector_load %arg10[%swap3A_214] {strides = array<i32>} : memref<8192xf32, #tpu.memory_space<vmem>>, vector<16xf32>,
      tpu.vector_store %arg10[%swap3A_214], %gather3A_213 {strides = array<i32>} : memref<8192xf32, #tpu.memory_space<vmem>>, vector<16xf32>,
      %scan3A_216 = arith.constant 2 : i32
      %scan3A_217 = arith.addi %scan3A_163, %scan3A_216 : i32
      %mul3A_218 = arith.constant 16 : i32
      %mul3A_219 = arith.muli %scan3A_217, %mul3A_218 : i32
      %mul3A_220 = arith.constant 3 : i32
      %mul3A_221 = arith.muli %mul3A_219, %mul3A_220 : i32
      %mul3A_222 = arith.constant 3 : i32
      %mul3A_223 = vector.broadcast %mul3A_222 : i32 to vector<16xi32>
      %mul3A_224 = arith.muli %iota3A, %mul3A_223 : vector<16xi32>
      %add3A_225 = vector.broadcast %mul3A_221 : i32 to vector<16xi32>
      %add3A_226 = arith.addi %add3A_225, %mul3A_224 : vector<16xi32>
      %add3A_227 = arith.constant 0 : i32
      %add3A_228 = arith.addi %add3A_227, %mul3A_219 : i32
      %gather3A_229 = tpu.vector_load_idx %arg22[%add3A_226] : memref<3072xf32, #tpu.memory_space<vmem>>[vector<16xi32>], vector<16xf32>,
      %swap3A_230 = arith.index_cast %add3A_228 : i32 to index
      %swap3A_231 = tpu.vector_load %arg8[%swap3A_230] {strides = array<i32>} : memref<8192xf32, #tpu.memory_space<vmem>>, vector<16xf32>,
      tpu.vector_store %arg8[%swap3A_230], %gather3A_229 {strides = array<i32>} : memref<8192xf32, #tpu.memory_space<vmem>>, vector<16xf32>,
      %add3A_232 = arith.constant 1 : i32
      %add3A_233 = vector.broadcast %add3A_232 : i32 to vector<16xi32>
      %add3A_234 = arith.addi %add3A_226, %add3A_233 : vector<16xi32>
      %gather3A_235 = tpu.vector_load_idx %arg22[%add3A_234] : memref<3072xf32, #tpu.memory_space<vmem>>[vector<16xi32>], vector<16xf32>,
      %swap3A_236 = arith.index_cast %add3A_228 : i32 to index
      %swap3A_237 = tpu.vector_load %arg9[%swap3A_236] {strides = array<i32>} : memref<8192xf32, #tpu.memory_space<vmem>>, vector<16xf32>,
      tpu.vector_store %arg9[%swap3A_236], %gather3A_235 {strides = array<i32>} : memref<8192xf32, #tpu.memory_space<vmem>>, vector<16xf32>,
      %add3A_238 = arith.constant 2 : i32
      %add3A_239 = vector.broadcast %add3A_238 : i32 to vector<16xi32>
      %add3A_240 = arith.addi %add3A_226, %add3A_239 : vector<16xi32>
      %gather3A_241 = tpu.vector_load_idx %arg22[%add3A_240] : memref<3072xf32, #tpu.memory_space<vmem>>[vector<16xi32>], vector<16xf32>,
      %swap3A_242 = arith.index_cast %add3A_228 : i32 to index
      %swap3A_243 = tpu.vector_load %arg10[%swap3A_242] {strides = array<i32>} : memref<8192xf32, #tpu.memory_space<vmem>>, vector<16xf32>,
      tpu.vector_store %arg10[%swap3A_242], %gather3A_241 {strides = array<i32>} : memref<8192xf32, #tpu.memory_space<vmem>>, vector<16xf32>,
      %scan3A_244 = arith.constant 3 : i32
      %scan3A_245 = arith.addi %scan3A_163, %scan3A_244 : i32
      %mul3A_246 = arith.constant 16 : i32
      %mul3A_247 = arith.muli %scan3A_245, %mul3A_246 : i32
      %mul3A_248 = arith.constant 3 : i32
      %mul3A_249 = arith.muli %mul3A_247, %mul3A_248 : i32
      %mul3A_250 = arith.constant 3 : i32
      %mul3A_251 = vector.broadcast %mul3A_250 : i32 to vector<16xi32>
      %mul3A_252 = arith.muli %iota3A, %mul3A_251 : vector<16xi32>
      %add3A_253 = vector.broadcast %mul3A_249 : i32 to vector<16xi32>
      %add3A_254 = arith.addi %add3A_253, %mul3A_252 : vector<16xi32>
      %add3A_255 = arith.constant 0 : i32
      %add3A_256 = arith.addi %add3A_255, %mul3A_247 : i32
      %gather3A_257 = tpu.vector_load_idx %arg22[%add3A_254] : memref<3072xf32, #tpu.memory_space<vmem>>[vector<16xi32>], vector<16xf32>,
      %swap3A_258 = arith.index_cast %add3A_256 : i32 to index
      %swap3A_259 = tpu.vector_load %arg8[%swap3A_258] {strides = array<i32>} : memref<8192xf32, #tpu.memory_space<vmem>>, vector<16xf32>,
      tpu.vector_store %arg8[%swap3A_258], %gather3A_257 {strides = array<i32>} : memref<8192xf32, #tpu.memory_space<vmem>>, vector<16xf32>,
      %add3A_260 = arith.constant 1 : i32
      %add3A_261 = vector.broadcast %add3A_260 : i32 to vector<16xi32>
      %add3A_262 = arith.addi %add3A_254, %add3A_261 : vector<16xi32>
      %gather3A_263 = tpu.vector_load_idx %arg22[%add3A_262] : memref<3072xf32, #tpu.memory_space<vmem>>[vector<16xi32>], vector<16xf32>,
      %swap3A_264 = arith.index_cast %add3A_256 : i32 to index
      %swap3A_265 = tpu.vector_load %arg9[%swap3A_264] {strides = array<i32>} : memref<8192xf32, #tpu.memory_space<vmem>>, vector<16xf32>,
      tpu.vector_store %arg9[%swap3A_264], %gather3A_263 {strides = array<i32>} : memref<8192xf32, #tpu.memory_space<vmem>>, vector<16xf32>,
      %add3A_266 = arith.constant 2 : i32
      %add3A_267 = vector.broadcast %add3A_266 : i32 to vector<16xi32>
      %add3A_268 = arith.addi %add3A_254, %add3A_267 : vector<16xi32>
      %gather3A_269 = tpu.vector_load_idx %arg22[%add3A_268] : memref<3072xf32, #tpu.memory_space<vmem>>[vector<16xi32>], vector<16xf32>,
      %swap3A_270 = arith.index_cast %add3A_256 : i32 to index
      %swap3A_271 = tpu.vector_load %arg10[%swap3A_270] {strides = array<i32>} : memref<8192xf32, #tpu.memory_space<vmem>>, vector<16xf32>,
      tpu.vector_store %arg10[%swap3A_270], %gather3A_269 {strides = array<i32>} : memref<8192xf32, #tpu.memory_space<vmem>>, vector<16xf32>,
    }
    %scan3A_48 = arith.constant 64 : i32
    %mul3A_49 = arith.constant 8192 : i32
    %mul3A_50 = arith.muli %select_n3A, %mul3A_49 : i32
    %mul3A_51 = arith.constant 3 : i32
    %mul3A_52 = arith.muli %mul3A_50, %mul3A_51 : i32
    %add3A_53 = arith.constant 3072 : i32
    %add3A_54 = arith.addi %mul3A_52, %add3A_53 : i32
    "tpu.region"() ({
      %run_scoped3A = tpu.sem_alloc : memref<!tpu.dma_semaphore, #tpu.memory_space<semaphore_mem>>
      %dma_start3A = tpu.memref_slice %arg2[%add3A_54] : memref<196608xf32, #tpu.memory_space<hbm>> -> memref<3072xf32, #tpu.memory_space<hbm>>
      %dma_start3A_163 = tpu.memref_slice %arg2[%add3A_54] : memref<196608xf32, #tpu.memory_space<hbm>> -> memref<3072xf32, #tpu.memory_space<hbm>>
      tpu.enqueue_dma source(%dma_start3A_163 : memref<3072xf32, #tpu.memory_space<hbm>>) target(%arg22 : memref<3072xf32, #tpu.memory_space<vmem>>) target_semaphore(%run_scoped3A : memref<!tpu.dma_semaphore, #tpu.memory_space<semaphore_mem>>)
      %dma_wait3A = tpu.memref_slice %arg2[%add3A_54] : memref<196608xf32, #tpu.memory_space<hbm>> -> memref<3072xf32, #tpu.memory_space<hbm>>
      %dma_wait3A_164 = tpu.memref_slice %arg2[%add3A_54] : memref<196608xf32, #tpu.memory_space<hbm>> -> memref<3072xf32, #tpu.memory_space<hbm>>
      tpu.wait_dma2 semaphore(%run_scoped3A : memref<!tpu.dma_semaphore, #tpu.memory_space<semaphore_mem>>) src(%dma_wait3A_164 : memref<3072xf32, #tpu.memory_space<hbm>>) dst(%arg22 : memref<3072xf32, #tpu.memory_space<vmem>>)
      tpu.yield
    }) : () -> ()
    %scan3A_55 = arith.constant 0 : i32
    %scan3A_56 = arith.constant 0 : i32
    %scan3A_57 = arith.constant 64 : i32
    %scan3A_58 = arith.addi %scan3A_56, %scan3A_57 : i32
    %scan3A_59 = arith.constant 4 : i32
    scf.for %scan3A_163 = %scan3A_56 to %scan3A_58 step %scan3A_59  : i32 {
      %mul3A_164 = arith.constant 16 : i32
      %mul3A_165 = arith.muli %scan3A_163, %mul3A_164 : i32
      %mul3A_166 = arith.constant 3 : i32
      %mul3A_167 = arith.muli %mul3A_165, %mul3A_166 : i32
      %mul3A_168 = arith.constant 3 : i32
      %mul3A_169 = vector.broadcast %mul3A_168 : i32 to vector<16xi32>
      %mul3A_170 = arith.muli %iota3A, %mul3A_169 : vector<16xi32>
      %add3A_171 = vector.broadcast %mul3A_167 : i32 to vector<16xi32>
      %add3A_172 = arith.addi %add3A_171, %mul3A_170 : vector<16xi32>
      %add3A_173 = arith.constant 1024 : i32
      %add3A_174 = arith.addi %add3A_173, %mul3A_165 : i32
      %gather3A = tpu.vector_load_idx %arg22[%add3A_172] : memref<3072xf32, #tpu.memory_space<vmem>>[vector<16xi32>], vector<16xf32>,
      %swap3A = arith.index_cast %add3A_174 : i32 to index
      %swap3A_175 = tpu.vector_load %arg8[%swap3A] {strides = array<i32>} : memref<8192xf32, #tpu.memory_space<vmem>>, vector<16xf32>,
      tpu.vector_store %arg8[%swap3A], %gather3A {strides = array<i32>} : memref<8192xf32, #tpu.memory_space<vmem>>, vector<16xf32>,
      %add3A_176 = arith.constant 1 : i32
      %add3A_177 = vector.broadcast %add3A_176 : i32 to vector<16xi32>
      %add3A_178 = arith.addi %add3A_172, %add3A_177 : vector<16xi32>
      %gather3A_179 = tpu.vector_load_idx %arg22[%add3A_178] : memref<3072xf32, #tpu.memory_space<vmem>>[vector<16xi32>], vector<16xf32>,
      %swap3A_180 = arith.index_cast %add3A_174 : i32 to index
      %swap3A_181 = tpu.vector_load %arg9[%swap3A_180] {strides = array<i32>} : memref<8192xf32, #tpu.memory_space<vmem>>, vector<16xf32>,
      tpu.vector_store %arg9[%swap3A_180], %gather3A_179 {strides = array<i32>} : memref<8192xf32, #tpu.memory_space<vmem>>, vector<16xf32>,
      %add3A_182 = arith.constant 2 : i32
      %add3A_183 = vector.broadcast %add3A_182 : i32 to vector<16xi32>
      %add3A_184 = arith.addi %add3A_172, %add3A_183 : vector<16xi32>
      %gather3A_185 = tpu.vector_load_idx %arg22[%add3A_184] : memref<3072xf32, #tpu.memory_space<vmem>>[vector<16xi32>], vector<16xf32>,
      %swap3A_186 = arith.index_cast %add3A_174 : i32 to index
      %swap3A_187 = tpu.vector_load %arg10[%swap3A_186] {strides = array<i32>} : memref<8192xf32, #tpu.memory_space<vmem>>, vector<16xf32>,
      tpu.vector_store %arg10[%swap3A_186], %gather3A_185 {strides = array<i32>} : memref<8192xf32, #tpu.memory_space<vmem>>, vector<16xf32>,
      %scan3A_188 = arith.constant 1 : i32
      %scan3A_189 = arith.addi %scan3A_163, %scan3A_188 : i32
      %mul3A_190 = arith.constant 16 : i32
      %mul3A_191 = arith.muli %scan3A_189, %mul3A_190 : i32
      %mul3A_192 = arith.constant 3 : i32
      %mul3A_193 = arith.muli %mul3A_191, %mul3A_192 : i32
      %mul3A_194 = arith.constant 3 : i32
      %mul3A_195 = vector.broadcast %mul3A_194 : i32 to vector<16xi32>
      %mul3A_196 = arith.muli %iota3A, %mul3A_195 : vector<16xi32>
      %add3A_197 = vector.broadcast %mul3A_193 : i32 to vector<16xi32>
      %add3A_198 = arith.addi %add3A_197, %mul3A_196 : vector<16xi32>
      %add3A_199 = arith.constant 1024 : i32
      %add3A_200 = arith.addi %add3A_199, %mul3A_191 : i32
      %gather3A_201 = tpu.vector_load_idx %arg22[%add3A_198] : memref<3072xf32, #tpu.memory_space<vmem>>[vector<16xi32>], vector<16xf32>,
      %swap3A_202 = arith.index_cast %add3A_200 : i32 to index
      %swap3A_203 = tpu.vector_load %arg8[%swap3A_202] {strides = array<i32>} : memref<8192xf32, #tpu.memory_space<vmem>>, vector<16xf32>,
      tpu.vector_store %arg8[%swap3A_202], %gather3A_201 {strides = array<i32>} : memref<8192xf32, #tpu.memory_space<vmem>>, vector<16xf32>,
      %add3A_204 = arith.constant 1 : i32
      %add3A_205 = vector.broadcast %add3A_204 : i32 to vector<16xi32>
      %add3A_206 = arith.addi %add3A_198, %add3A_205 : vector<16xi32>
      %gather3A_207 = tpu.vector_load_idx %arg22[%add3A_206] : memref<3072xf32, #tpu.memory_space<vmem>>[vector<16xi32>], vector<16xf32>,
      %swap3A_208 = arith.index_cast %add3A_200 : i32 to index
      %swap3A_209 = tpu.vector_load %arg9[%swap3A_208] {strides = array<i32>} : memref<8192xf32, #tpu.memory_space<vmem>>, vector<16xf32>,
      tpu.vector_store %arg9[%swap3A_208], %gather3A_207 {strides = array<i32>} : memref<8192xf32, #tpu.memory_space<vmem>>, vector<16xf32>,
      %add3A_210 = arith.constant 2 : i32
      %add3A_211 = vector.broadcast %add3A_210 : i32 to vector<16xi32>
      %add3A_212 = arith.addi %add3A_198, %add3A_211 : vector<16xi32>
      %gather3A_213 = tpu.vector_load_idx %arg22[%add3A_212] : memref<3072xf32, #tpu.memory_space<vmem>>[vector<16xi32>], vector<16xf32>,
      %swap3A_214 = arith.index_cast %add3A_200 : i32 to index
      %swap3A_215 = tpu.vector_load %arg10[%swap3A_214] {strides = array<i32>} : memref<8192xf32, #tpu.memory_space<vmem>>, vector<16xf32>,
      tpu.vector_store %arg10[%swap3A_214], %gather3A_213 {strides = array<i32>} : memref<8192xf32, #tpu.memory_space<vmem>>, vector<16xf32>,
      %scan3A_216 = arith.constant 2 : i32
      %scan3A_217 = arith.addi %scan3A_163, %scan3A_216 : i32
      %mul3A_218 = arith.constant 16 : i32
      %mul3A_219 = arith.muli %scan3A_217, %mul3A_218 : i32
      %mul3A_220 = arith.constant 3 : i32
      %mul3A_221 = arith.muli %mul3A_219, %mul3A_220 : i32
      %mul3A_222 = arith.constant 3 : i32
      %mul3A_223 = vector.broadcast %mul3A_222 : i32 to vector<16xi32>
      %mul3A_224 = arith.muli %iota3A, %mul3A_223 : vector<16xi32>
      %add3A_225 = vector.broadcast %mul3A_221 : i32 to vector<16xi32>
      %add3A_226 = arith.addi %add3A_225, %mul3A_224 : vector<16xi32>
      %add3A_227 = arith.constant 1024 : i32
      %add3A_228 = arith.addi %add3A_227, %mul3A_219 : i32
      %gather3A_229 = tpu.vector_load_idx %arg22[%add3A_226] : memref<3072xf32, #tpu.memory_space<vmem>>[vector<16xi32>], vector<16xf32>,
      %swap3A_230 = arith.index_cast %add3A_228 : i32 to index
      %swap3A_231 = tpu.vector_load %arg8[%swap3A_230] {strides = array<i32>} : memref<8192xf32, #tpu.memory_space<vmem>>, vector<16xf32>,
      tpu.vector_store %arg8[%swap3A_230], %gather3A_229 {strides = array<i32>} : memref<8192xf32, #tpu.memory_space<vmem>>, vector<16xf32>,
      %add3A_232 = arith.constant 1 : i32
      %add3A_233 = vector.broadcast %add3A_232 : i32 to vector<16xi32>
      %add3A_234 = arith.addi %add3A_226, %add3A_233 : vector<16xi32>
      %gather3A_235 = tpu.vector_load_idx %arg22[%add3A_234] : memref<3072xf32, #tpu.memory_space<vmem>>[vector<16xi32>], vector<16xf32>,
      %swap3A_236 = arith.index_cast %add3A_228 : i32 to index
      %swap3A_237 = tpu.vector_load %arg9[%swap3A_236] {strides = array<i32>} : memref<8192xf32, #tpu.memory_space<vmem>>, vector<16xf32>,
      tpu.vector_store %arg9[%swap3A_236], %gather3A_235 {strides = array<i32>} : memref<8192xf32, #tpu.memory_space<vmem>>, vector<16xf32>,
      %add3A_238 = arith.constant 2 : i32
      %add3A_239 = vector.broadcast %add3A_238 : i32 to vector<16xi32>
      %add3A_240 = arith.addi %add3A_226, %add3A_239 : vector<16xi32>
      %gather3A_241 = tpu.vector_load_idx %arg22[%add3A_240] : memref<3072xf32, #tpu.memory_space<vmem>>[vector<16xi32>], vector<16xf32>,
      %swap3A_242 = arith.index_cast %add3A_228 : i32 to index
      %swap3A_243 = tpu.vector_load %arg10[%swap3A_242] {strides = array<i32>} : memref<8192xf32, #tpu.memory_space<vmem>>, vector<16xf32>,
      tpu.vector_store %arg10[%swap3A_242], %gather3A_241 {strides = array<i32>} : memref<8192xf32, #tpu.memory_space<vmem>>, vector<16xf32>,
      %scan3A_244 = arith.constant 3 : i32
      %scan3A_245 = arith.addi %scan3A_163, %scan3A_244 : i32
      %mul3A_246 = arith.constant 16 : i32
      %mul3A_247 = arith.muli %scan3A_245, %mul3A_246 : i32
      %mul3A_248 = arith.constant 3 : i32
      %mul3A_249 = arith.muli %mul3A_247, %mul3A_248 : i32
      %mul3A_250 = arith.constant 3 : i32
      %mul3A_251 = vector.broadcast %mul3A_250 : i32 to vector<16xi32>
      %mul3A_252 = arith.muli %iota3A, %mul3A_251 : vector<16xi32>
      %add3A_253 = vector.broadcast %mul3A_249 : i32 to vector<16xi32>
      %add3A_254 = arith.addi %add3A_253, %mul3A_252 : vector<16xi32>
      %add3A_255 = arith.constant 1024 : i32
      %add3A_256 = arith.addi %add3A_255, %mul3A_247 : i32
      %gather3A_257 = tpu.vector_load_idx %arg22[%add3A_254] : memref<3072xf32, #tpu.memory_space<vmem>>[vector<16xi32>], vector<16xf32>,
      %swap3A_258 = arith.index_cast %add3A_256 : i32 to index
      %swap3A_259 = tpu.vector_load %arg8[%swap3A_258] {strides = array<i32>} : memref<8192xf32, #tpu.memory_space<vmem>>, vector<16xf32>,
      tpu.vector_store %arg8[%swap3A_258], %gather3A_257 {strides = array<i32>} : memref<8192xf32, #tpu.memory_space<vmem>>, vector<16xf32>,
      %add3A_260 = arith.constant 1 : i32
      %add3A_261 = vector.broadcast %add3A_260 : i32 to vector<16xi32>
      %add3A_262 = arith.addi %add3A_254, %add3A_261 : vector<16xi32>
      %gather3A_263 = tpu.vector_load_idx %arg22[%add3A_262] : memref<3072xf32, #tpu.memory_space<vmem>>[vector<16xi32>], vector<16xf32>,
      %swap3A_264 = arith.index_cast %add3A_256 : i32 to index
      %swap3A_265 = tpu.vector_load %arg9[%swap3A_264] {strides = array<i32>} : memref<8192xf32, #tpu.memory_space<vmem>>, vector<16xf32>,
      tpu.vector_store %arg9[%swap3A_264], %gather3A_263 {strides = array<i32>} : memref<8192xf32, #tpu.memory_space<vmem>>, vector<16xf32>,
      %add3A_266 = arith.constant 2 : i32
      %add3A_267 = vector.broadcast %add3A_266 : i32 to vector<16xi32>
      %add3A_268 = arith.addi %add3A_254, %add3A_267 : vector<16xi32>
      %gather3A_269 = tpu.vector_load_idx %arg22[%add3A_268] : memref<3072xf32, #tpu.memory_space<vmem>>[vector<16xi32>], vector<16xf32>,
      %swap3A_270 = arith.index_cast %add3A_256 : i32 to index
      %swap3A_271 = tpu.vector_load %arg10[%swap3A_270] {strides = array<i32>} : memref<8192xf32, #tpu.memory_space<vmem>>, vector<16xf32>,
      tpu.vector_store %arg10[%swap3A_270], %gather3A_269 {strides = array<i32>} : memref<8192xf32, #tpu.memory_space<vmem>>, vector<16xf32>,
    }
    %scan3A_60 = arith.constant 64 : i32
    %mul3A_61 = arith.constant 8192 : i32
    %mul3A_62 = arith.muli %select_n3A, %mul3A_61 : i32
    %mul3A_63 = arith.constant 3 : i32
    %mul3A_64 = arith.muli %mul3A_62, %mul3A_63 : i32
    %add3A_65 = arith.constant 6144 : i32
    %add3A_66 = arith.addi %mul3A_64, %add3A_65 : i32
    "tpu.region"() ({
      %run_scoped3A = tpu.sem_alloc : memref<!tpu.dma_semaphore, #tpu.memory_space<semaphore_mem>>
      %dma_start3A = tpu.memref_slice %arg2[%add3A_66] : memref<196608xf32, #tpu.memory_space<hbm>> -> memref<3072xf32, #tpu.memory_space<hbm>>
      %dma_start3A_163 = tpu.memref_slice %arg2[%add3A_66] : memref<196608xf32, #tpu.memory_space<hbm>> -> memref<3072xf32, #tpu.memory_space<hbm>>
      tpu.enqueue_dma source(%dma_start3A_163 : memref<3072xf32, #tpu.memory_space<hbm>>) target(%arg22 : memref<3072xf32, #tpu.memory_space<vmem>>) target_semaphore(%run_scoped3A : memref<!tpu.dma_semaphore, #tpu.memory_space<semaphore_mem>>)
      %dma_wait3A = tpu.memref_slice %arg2[%add3A_66] : memref<196608xf32, #tpu.memory_space<hbm>> -> memref<3072xf32, #tpu.memory_space<hbm>>
      %dma_wait3A_164 = tpu.memref_slice %arg2[%add3A_66] : memref<196608xf32, #tpu.memory_space<hbm>> -> memref<3072xf32, #tpu.memory_space<hbm>>
      tpu.wait_dma2 semaphore(%run_scoped3A : memref<!tpu.dma_semaphore, #tpu.memory_space<semaphore_mem>>) src(%dma_wait3A_164 : memref<3072xf32, #tpu.memory_space<hbm>>) dst(%arg22 : memref<3072xf32, #tpu.memory_space<vmem>>)
      tpu.yield
    }) : () -> ()
    %scan3A_67 = arith.constant 0 : i32
    %scan3A_68 = arith.constant 0 : i32
    %scan3A_69 = arith.constant 64 : i32
    %scan3A_70 = arith.addi %scan3A_68, %scan3A_69 : i32
    %scan3A_71 = arith.constant 4 : i32
    scf.for %scan3A_163 = %scan3A_68 to %scan3A_70 step %scan3A_71  : i32 {
      %mul3A_164 = arith.constant 16 : i32
      %mul3A_165 = arith.muli %scan3A_163, %mul3A_164 : i32
      %mul3A_166 = arith.constant 3 : i32
      %mul3A_167 = arith.muli %mul3A_165, %mul3A_166 : i32
      %mul3A_168 = arith.constant 3 : i32
      %mul3A_169 = vector.broadcast %mul3A_168 : i32 to vector<16xi32>
      %mul3A_170 = arith.muli %iota3A, %mul3A_169 : vector<16xi32>
      %add3A_171 = vector.broadcast %mul3A_167 : i32 to vector<16xi32>
      %add3A_172 = arith.addi %add3A_171, %mul3A_170 : vector<16xi32>
      %add3A_173 = arith.constant 2048 : i32
      %add3A_174 = arith.addi %add3A_173, %mul3A_165 : i32
      %gather3A = tpu.vector_load_idx %arg22[%add3A_172] : memref<3072xf32, #tpu.memory_space<vmem>>[vector<16xi32>], vector<16xf32>,
      %swap3A = arith.index_cast %add3A_174 : i32 to index
      %swap3A_175 = tpu.vector_load %arg8[%swap3A] {strides = array<i32>} : memref<8192xf32, #tpu.memory_space<vmem>>, vector<16xf32>,
      tpu.vector_store %arg8[%swap3A], %gather3A {strides = array<i32>} : memref<8192xf32, #tpu.memory_space<vmem>>, vector<16xf32>,
      %add3A_176 = arith.constant 1 : i32
      %add3A_177 = vector.broadcast %add3A_176 : i32 to vector<16xi32>
      %add3A_178 = arith.addi %add3A_172, %add3A_177 : vector<16xi32>
      %gather3A_179 = tpu.vector_load_idx %arg22[%add3A_178] : memref<3072xf32, #tpu.memory_space<vmem>>[vector<16xi32>], vector<16xf32>,
      %swap3A_180 = arith.index_cast %add3A_174 : i32 to index
      %swap3A_181 = tpu.vector_load %arg9[%swap3A_180] {strides = array<i32>} : memref<8192xf32, #tpu.memory_space<vmem>>, vector<16xf32>,
      tpu.vector_store %arg9[%swap3A_180], %gather3A_179 {strides = array<i32>} : memref<8192xf32, #tpu.memory_space<vmem>>, vector<16xf32>,
      %add3A_182 = arith.constant 2 : i32
      %add3A_183 = vector.broadcast %add3A_182 : i32 to vector<16xi32>
      %add3A_184 = arith.addi %add3A_172, %add3A_183 : vector<16xi32>
      %gather3A_185 = tpu.vector_load_idx %arg22[%add3A_184] : memref<3072xf32, #tpu.memory_space<vmem>>[vector<16xi32>], vector<16xf32>,
      %swap3A_186 = arith.index_cast %add3A_174 : i32 to index
      %swap3A_187 = tpu.vector_load %arg10[%swap3A_186] {strides = array<i32>} : memref<8192xf32, #tpu.memory_space<vmem>>, vector<16xf32>,
      tpu.vector_store %arg10[%swap3A_186], %gather3A_185 {strides = array<i32>} : memref<8192xf32, #tpu.memory_space<vmem>>, vector<16xf32>,
      %scan3A_188 = arith.constant 1 : i32
      %scan3A_189 = arith.addi %scan3A_163, %scan3A_188 : i32
      %mul3A_190 = arith.constant 16 : i32
      %mul3A_191 = arith.muli %scan3A_189, %mul3A_190 : i32
      %mul3A_192 = arith.constant 3 : i32
      %mul3A_193 = arith.muli %mul3A_191, %mul3A_192 : i32
      %mul3A_194 = arith.constant 3 : i32
      %mul3A_195 = vector.broadcast %mul3A_194 : i32 to vector<16xi32>
      %mul3A_196 = arith.muli %iota3A, %mul3A_195 : vector<16xi32>
      %add3A_197 = vector.broadcast %mul3A_193 : i32 to vector<16xi32>
      %add3A_198 = arith.addi %add3A_197, %mul3A_196 : vector<16xi32>
      %add3A_199 = arith.constant 2048 : i32
      %add3A_200 = arith.addi %add3A_199, %mul3A_191 : i32
      %gather3A_201 = tpu.vector_load_idx %arg22[%add3A_198] : memref<3072xf32, #tpu.memory_space<vmem>>[vector<16xi32>], vector<16xf32>,
      %swap3A_202 = arith.index_cast %add3A_200 : i32 to index
      %swap3A_203 = tpu.vector_load %arg8[%swap3A_202] {strides = array<i32>} : memref<8192xf32, #tpu.memory_space<vmem>>, vector<16xf32>,
      tpu.vector_store %arg8[%swap3A_202], %gather3A_201 {strides = array<i32>} : memref<8192xf32, #tpu.memory_space<vmem>>, vector<16xf32>,
      %add3A_204 = arith.constant 1 : i32
      %add3A_205 = vector.broadcast %add3A_204 : i32 to vector<16xi32>
      %add3A_206 = arith.addi %add3A_198, %add3A_205 : vector<16xi32>
      %gather3A_207 = tpu.vector_load_idx %arg22[%add3A_206] : memref<3072xf32, #tpu.memory_space<vmem>>[vector<16xi32>], vector<16xf32>,
      %swap3A_208 = arith.index_cast %add3A_200 : i32 to index
      %swap3A_209 = tpu.vector_load %arg9[%swap3A_208] {strides = array<i32>} : memref<8192xf32, #tpu.memory_space<vmem>>, vector<16xf32>,
      tpu.vector_store %arg9[%swap3A_208], %gather3A_207 {strides = array<i32>} : memref<8192xf32, #tpu.memory_space<vmem>>, vector<16xf32>,
      %add3A_210 = arith.constant 2 : i32
      %add3A_211 = vector.broadcast %add3A_210 : i32 to vector<16xi32>
      %add3A_212 = arith.addi %add3A_198, %add3A_211 : vector<16xi32>
      %gather3A_213 = tpu.vector_load_idx %arg22[%add3A_212] : memref<3072xf32, #tpu.memory_space<vmem>>[vector<16xi32>], vector<16xf32>,
      %swap3A_214 = arith.index_cast %add3A_200 : i32 to index
      %swap3A_215 = tpu.vector_load %arg10[%swap3A_214] {strides = array<i32>} : memref<8192xf32, #tpu.memory_space<vmem>>, vector<16xf32>,
      tpu.vector_store %arg10[%swap3A_214], %gather3A_213 {strides = array<i32>} : memref<8192xf32, #tpu.memory_space<vmem>>, vector<16xf32>,
      %scan3A_216 = arith.constant 2 : i32
      %scan3A_217 = arith.addi %scan3A_163, %scan3A_216 : i32
      %mul3A_218 = arith.constant 16 : i32
      %mul3A_219 = arith.muli %scan3A_217, %mul3A_218 : i32
      %mul3A_220 = arith.constant 3 : i32
      %mul3A_221 = arith.muli %mul3A_219, %mul3A_220 : i32
      %mul3A_222 = arith.constant 3 : i32
      %mul3A_223 = vector.broadcast %mul3A_222 : i32 to vector<16xi32>
      %mul3A_224 = arith.muli %iota3A, %mul3A_223 : vector<16xi32>
      %add3A_225 = vector.broadcast %mul3A_221 : i32 to vector<16xi32>
      %add3A_226 = arith.addi %add3A_225, %mul3A_224 : vector<16xi32>
      %add3A_227 = arith.constant 2048 : i32
      %add3A_228 = arith.addi %add3A_227, %mul3A_219 : i32
      %gather3A_229 = tpu.vector_load_idx %arg22[%add3A_226] : memref<3072xf32, #tpu.memory_space<vmem>>[vector<16xi32>], vector<16xf32>,
      %swap3A_230 = arith.index_cast %add3A_228 : i32 to index
      %swap3A_231 = tpu.vector_load %arg8[%swap3A_230] {strides = array<i32>} : memref<8192xf32, #tpu.memory_space<vmem>>, vector<16xf32>,
      tpu.vector_store %arg8[%swap3A_230], %gather3A_229 {strides = array<i32>} : memref<8192xf32, #tpu.memory_space<vmem>>, vector<16xf32>,
      %add3A_232 = arith.constant 1 : i32
      %add3A_233 = vector.broadcast %add3A_232 : i32 to vector<16xi32>
      %add3A_234 = arith.addi %add3A_226, %add3A_233 : vector<16xi32>
      %gather3A_235 = tpu.vector_load_idx %arg22[%add3A_234] : memref<3072xf32, #tpu.memory_space<vmem>>[vector<16xi32>], vector<16xf32>,
      %swap3A_236 = arith.index_cast %add3A_228 : i32 to index
      %swap3A_237 = tpu.vector_load %arg9[%swap3A_236] {strides = array<i32>} : memref<8192xf32, #tpu.memory_space<vmem>>, vector<16xf32>,
      tpu.vector_store %arg9[%swap3A_236], %gather3A_235 {strides = array<i32>} : memref<8192xf32, #tpu.memory_space<vmem>>, vector<16xf32>,
      %add3A_238 = arith.constant 2 : i32
      %add3A_239 = vector.broadcast %add3A_238 : i32 to vector<16xi32>
      %add3A_240 = arith.addi %add3A_226, %add3A_239 : vector<16xi32>
      %gather3A_241 = tpu.vector_load_idx %arg22[%add3A_240] : memref<3072xf32, #tpu.memory_space<vmem>>[vector<16xi32>], vector<16xf32>,
      %swap3A_242 = arith.index_cast %add3A_228 : i32 to index
      %swap3A_243 = tpu.vector_load %arg10[%swap3A_242] {strides = array<i32>} : memref<8192xf32, #tpu.memory_space<vmem>>, vector<16xf32>,
      tpu.vector_store %arg10[%swap3A_242], %gather3A_241 {strides = array<i32>} : memref<8192xf32, #tpu.memory_space<vmem>>, vector<16xf32>,
      %scan3A_244 = arith.constant 3 : i32
      %scan3A_245 = arith.addi %scan3A_163, %scan3A_244 : i32
      %mul3A_246 = arith.constant 16 : i32
      %mul3A_247 = arith.muli %scan3A_245, %mul3A_246 : i32
      %mul3A_248 = arith.constant 3 : i32
      %mul3A_249 = arith.muli %mul3A_247, %mul3A_248 : i32
      %mul3A_250 = arith.constant 3 : i32
      %mul3A_251 = vector.broadcast %mul3A_250 : i32 to vector<16xi32>
      %mul3A_252 = arith.muli %iota3A, %mul3A_251 : vector<16xi32>
      %add3A_253 = vector.broadcast %mul3A_249 : i32 to vector<16xi32>
      %add3A_254 = arith.addi %add3A_253, %mul3A_252 : vector<16xi32>
      %add3A_255 = arith.constant 2048 : i32
      %add3A_256 = arith.addi %add3A_255, %mul3A_247 : i32
      %gather3A_257 = tpu.vector_load_idx %arg22[%add3A_254] : memref<3072xf32, #tpu.memory_space<vmem>>[vector<16xi32>], vector<16xf32>,
      %swap3A_258 = arith.index_cast %add3A_256 : i32 to index
      %swap3A_259 = tpu.vector_load %arg8[%swap3A_258] {strides = array<i32>} : memref<8192xf32, #tpu.memory_space<vmem>>, vector<16xf32>,
      tpu.vector_store %arg8[%swap3A_258], %gather3A_257 {strides = array<i32>} : memref<8192xf32, #tpu.memory_space<vmem>>, vector<16xf32>,
      %add3A_260 = arith.constant 1 : i32
      %add3A_261 = vector.broadcast %add3A_260 : i32 to vector<16xi32>
      %add3A_262 = arith.addi %add3A_254, %add3A_261 : vector<16xi32>
      %gather3A_263 = tpu.vector_load_idx %arg22[%add3A_262] : memref<3072xf32, #tpu.memory_space<vmem>>[vector<16xi32>], vector<16xf32>,
      %swap3A_264 = arith.index_cast %add3A_256 : i32 to index
      %swap3A_265 = tpu.vector_load %arg9[%swap3A_264] {strides = array<i32>} : memref<8192xf32, #tpu.memory_space<vmem>>, vector<16xf32>,
      tpu.vector_store %arg9[%swap3A_264], %gather3A_263 {strides = array<i32>} : memref<8192xf32, #tpu.memory_space<vmem>>, vector<16xf32>,
      %add3A_266 = arith.constant 2 : i32
      %add3A_267 = vector.broadcast %add3A_266 : i32 to vector<16xi32>
      %add3A_268 = arith.addi %add3A_254, %add3A_267 : vector<16xi32>
      %gather3A_269 = tpu.vector_load_idx %arg22[%add3A_268] : memref<3072xf32, #tpu.memory_space<vmem>>[vector<16xi32>], vector<16xf32>,
      %swap3A_270 = arith.index_cast %add3A_256 : i32 to index
      %swap3A_271 = tpu.vector_load %arg10[%swap3A_270] {strides = array<i32>} : memref<8192xf32, #tpu.memory_space<vmem>>, vector<16xf32>,
      tpu.vector_store %arg10[%swap3A_270], %gather3A_269 {strides = array<i32>} : memref<8192xf32, #tpu.memory_space<vmem>>, vector<16xf32>,
    }
    %scan3A_72 = arith.constant 64 : i32
    %mul3A_73 = arith.constant 8192 : i32
    %mul3A_74 = arith.muli %select_n3A, %mul3A_73 : i32
    %mul3A_75 = arith.constant 3 : i32
    %mul3A_76 = arith.muli %mul3A_74, %mul3A_75 : i32
    %add3A_77 = arith.constant 9216 : i32
    %add3A_78 = arith.addi %mul3A_76, %add3A_77 : i32
    "tpu.region"() ({
      %run_scoped3A = tpu.sem_alloc : memref<!tpu.dma_semaphore, #tpu.memory_space<semaphore_mem>>
      %dma_start3A = tpu.memref_slice %arg2[%add3A_78] : memref<196608xf32, #tpu.memory_space<hbm>> -> memref<3072xf32, #tpu.memory_space<hbm>>
      %dma_start3A_163 = tpu.memref_slice %arg2[%add3A_78] : memref<196608xf32, #tpu.memory_space<hbm>> -> memref<3072xf32, #tpu.memory_space<hbm>>
      tpu.enqueue_dma source(%dma_start3A_163 : memref<3072xf32, #tpu.memory_space<hbm>>) target(%arg22 : memref<3072xf32, #tpu.memory_space<vmem>>) target_semaphore(%run_scoped3A : memref<!tpu.dma_semaphore, #tpu.memory_space<semaphore_mem>>)
      %dma_wait3A = tpu.memref_slice %arg2[%add3A_78] : memref<196608xf32, #tpu.memory_space<hbm>> -> memref<3072xf32, #tpu.memory_space<hbm>>
      %dma_wait3A_164 = tpu.memref_slice %arg2[%add3A_78] : memref<196608xf32, #tpu.memory_space<hbm>> -> memref<3072xf32, #tpu.memory_space<hbm>>
      tpu.wait_dma2 semaphore(%run_scoped3A : memref<!tpu.dma_semaphore, #tpu.memory_space<semaphore_mem>>) src(%dma_wait3A_164 : memref<3072xf32, #tpu.memory_space<hbm>>) dst(%arg22 : memref<3072xf32, #tpu.memory_space<vmem>>)
      tpu.yield
    }) : () -> ()
    %scan3A_79 = arith.constant 0 : i32
    %scan3A_80 = arith.constant 0 : i32
    %scan3A_81 = arith.constant 64 : i32
    %scan3A_82 = arith.addi %scan3A_80, %scan3A_81 : i32
    %scan3A_83 = arith.constant 4 : i32
    scf.for %scan3A_163 = %scan3A_80 to %scan3A_82 step %scan3A_83  : i32 {
      %mul3A_164 = arith.constant 16 : i32
      %mul3A_165 = arith.muli %scan3A_163, %mul3A_164 : i32
      %mul3A_166 = arith.constant 3 : i32
      %mul3A_167 = arith.muli %mul3A_165, %mul3A_166 : i32
      %mul3A_168 = arith.constant 3 : i32
      %mul3A_169 = vector.broadcast %mul3A_168 : i32 to vector<16xi32>
      %mul3A_170 = arith.muli %iota3A, %mul3A_169 : vector<16xi32>
      %add3A_171 = vector.broadcast %mul3A_167 : i32 to vector<16xi32>
      %add3A_172 = arith.addi %add3A_171, %mul3A_170 : vector<16xi32>
      %add3A_173 = arith.constant 3072 : i32
      %add3A_174 = arith.addi %add3A_173, %mul3A_165 : i32
      %gather3A = tpu.vector_load_idx %arg22[%add3A_172] : memref<3072xf32, #tpu.memory_space<vmem>>[vector<16xi32>], vector<16xf32>,
      %swap3A = arith.index_cast %add3A_174 : i32 to index
      %swap3A_175 = tpu.vector_load %arg8[%swap3A] {strides = array<i32>} : memref<8192xf32, #tpu.memory_space<vmem>>, vector<16xf32>,
      tpu.vector_store %arg8[%swap3A], %gather3A {strides = array<i32>} : memref<8192xf32, #tpu.memory_space<vmem>>, vector<16xf32>,
      %add3A_176 = arith.constant 1 : i32
      %add3A_177 = vector.broadcast %add3A_176 : i32 to vector<16xi32>
      %add3A_178 = arith.addi %add3A_172, %add3A_177 : vector<16xi32>
      %gather3A_179 = tpu.vector_load_idx %arg22[%add3A_178] : memref<3072xf32, #tpu.memory_space<vmem>>[vector<16xi32>], vector<16xf32>,
      %swap3A_180 = arith.index_cast %add3A_174 : i32 to index
      %swap3A_181 = tpu.vector_load %arg9[%swap3A_180] {strides = array<i32>} : memref<8192xf32, #tpu.memory_space<vmem>>, vector<16xf32>,
      tpu.vector_store %arg9[%swap3A_180], %gather3A_179 {strides = array<i32>} : memref<8192xf32, #tpu.memory_space<vmem>>, vector<16xf32>,
      %add3A_182 = arith.constant 2 : i32
      %add3A_183 = vector.broadcast %add3A_182 : i32 to vector<16xi32>
      %add3A_184 = arith.addi %add3A_172, %add3A_183 : vector<16xi32>
      %gather3A_185 = tpu.vector_load_idx %arg22[%add3A_184] : memref<3072xf32, #tpu.memory_space<vmem>>[vector<16xi32>], vector<16xf32>,
      %swap3A_186 = arith.index_cast %add3A_174 : i32 to index
      %swap3A_187 = tpu.vector_load %arg10[%swap3A_186] {strides = array<i32>} : memref<8192xf32, #tpu.memory_space<vmem>>, vector<16xf32>,
      tpu.vector_store %arg10[%swap3A_186], %gather3A_185 {strides = array<i32>} : memref<8192xf32, #tpu.memory_space<vmem>>, vector<16xf32>,
      %scan3A_188 = arith.constant 1 : i32
      %scan3A_189 = arith.addi %scan3A_163, %scan3A_188 : i32
      %mul3A_190 = arith.constant 16 : i32
      %mul3A_191 = arith.muli %scan3A_189, %mul3A_190 : i32
      %mul3A_192 = arith.constant 3 : i32
      %mul3A_193 = arith.muli %mul3A_191, %mul3A_192 : i32
      %mul3A_194 = arith.constant 3 : i32
      %mul3A_195 = vector.broadcast %mul3A_194 : i32 to vector<16xi32>
      %mul3A_196 = arith.muli %iota3A, %mul3A_195 : vector<16xi32>
      %add3A_197 = vector.broadcast %mul3A_193 : i32 to vector<16xi32>
      %add3A_198 = arith.addi %add3A_197, %mul3A_196 : vector<16xi32>
      %add3A_199 = arith.constant 3072 : i32
      %add3A_200 = arith.addi %add3A_199, %mul3A_191 : i32
      %gather3A_201 = tpu.vector_load_idx %arg22[%add3A_198] : memref<3072xf32, #tpu.memory_space<vmem>>[vector<16xi32>], vector<16xf32>,
      %swap3A_202 = arith.index_cast %add3A_200 : i32 to index
      %swap3A_203 = tpu.vector_load %arg8[%swap3A_202] {strides = array<i32>} : memref<8192xf32, #tpu.memory_space<vmem>>, vector<16xf32>,
      tpu.vector_store %arg8[%swap3A_202], %gather3A_201 {strides = array<i32>} : memref<8192xf32, #tpu.memory_space<vmem>>, vector<16xf32>,
      %add3A_204 = arith.constant 1 : i32
      %add3A_205 = vector.broadcast %add3A_204 : i32 to vector<16xi32>
      %add3A_206 = arith.addi %add3A_198, %add3A_205 : vector<16xi32>
      %gather3A_207 = tpu.vector_load_idx %arg22[%add3A_206] : memref<3072xf32, #tpu.memory_space<vmem>>[vector<16xi32>], vector<16xf32>,
      %swap3A_208 = arith.index_cast %add3A_200 : i32 to index
      %swap3A_209 = tpu.vector_load %arg9[%swap3A_208] {strides = array<i32>} : memref<8192xf32, #tpu.memory_space<vmem>>, vector<16xf32>,
      tpu.vector_store %arg9[%swap3A_208], %gather3A_207 {strides = array<i32>} : memref<8192xf32, #tpu.memory_space<vmem>>, vector<16xf32>,
      %add3A_210 = arith.constant 2 : i32
      %add3A_211 = vector.broadcast %add3A_210 : i32 to vector<16xi32>
      %add3A_212 = arith.addi %add3A_198, %add3A_211 : vector<16xi32>
      %gather3A_213 = tpu.vector_load_idx %arg22[%add3A_212] : memref<3072xf32, #tpu.memory_space<vmem>>[vector<16xi32>], vector<16xf32>,
      %swap3A_214 = arith.index_cast %add3A_200 : i32 to index
      %swap3A_215 = tpu.vector_load %arg10[%swap3A_214] {strides = array<i32>} : memref<8192xf32, #tpu.memory_space<vmem>>, vector<16xf32>,
      tpu.vector_store %arg10[%swap3A_214], %gather3A_213 {strides = array<i32>} : memref<8192xf32, #tpu.memory_space<vmem>>, vector<16xf32>,
      %scan3A_216 = arith.constant 2 : i32
      %scan3A_217 = arith.addi %scan3A_163, %scan3A_216 : i32
      %mul3A_218 = arith.constant 16 : i32
      %mul3A_219 = arith.muli %scan3A_217, %mul3A_218 : i32
      %mul3A_220 = arith.constant 3 : i32
      %mul3A_221 = arith.muli %mul3A_219, %mul3A_220 : i32
      %mul3A_222 = arith.constant 3 : i32
      %mul3A_223 = vector.broadcast %mul3A_222 : i32 to vector<16xi32>
      %mul3A_224 = arith.muli %iota3A, %mul3A_223 : vector<16xi32>
      %add3A_225 = vector.broadcast %mul3A_221 : i32 to vector<16xi32>
      %add3A_226 = arith.addi %add3A_225, %mul3A_224 : vector<16xi32>
      %add3A_227 = arith.constant 3072 : i32
      %add3A_228 = arith.addi %add3A_227, %mul3A_219 : i32
      %gather3A_229 = tpu.vector_load_idx %arg22[%add3A_226] : memref<3072xf32, #tpu.memory_space<vmem>>[vector<16xi32>], vector<16xf32>,
      %swap3A_230 = arith.index_cast %add3A_228 : i32 to index
      %swap3A_231 = tpu.vector_load %arg8[%swap3A_230] {strides = array<i32>} : memref<8192xf32, #tpu.memory_space<vmem>>, vector<16xf32>,
      tpu.vector_store %arg8[%swap3A_230], %gather3A_229 {strides = array<i32>} : memref<8192xf32, #tpu.memory_space<vmem>>, vector<16xf32>,
      %add3A_232 = arith.constant 1 : i32
      %add3A_233 = vector.broadcast %add3A_232 : i32 to vector<16xi32>
      %add3A_234 = arith.addi %add3A_226, %add3A_233 : vector<16xi32>
      %gather3A_235 = tpu.vector_load_idx %arg22[%add3A_234] : memref<3072xf32, #tpu.memory_space<vmem>>[vector<16xi32>], vector<16xf32>,
      %swap3A_236 = arith.index_cast %add3A_228 : i32 to index
      %swap3A_237 = tpu.vector_load %arg9[%swap3A_236] {strides = array<i32>} : memref<8192xf32, #tpu.memory_space<vmem>>, vector<16xf32>,
      tpu.vector_store %arg9[%swap3A_236], %gather3A_235 {strides = array<i32>} : memref<8192xf32, #tpu.memory_space<vmem>>, vector<16xf32>,
      %add3A_238 = arith.constant 2 : i32
      %add3A_239 = vector.broadcast %add3A_238 : i32 to vector<16xi32>
      %add3A_240 = arith.addi %add3A_226, %add3A_239 : vector<16xi32>
      %gather3A_241 = tpu.vector_load_idx %arg22[%add3A_240] : memref<3072xf32, #tpu.memory_space<vmem>>[vector<16xi32>], vector<16xf32>,
      %swap3A_242 = arith.index_cast %add3A_228 : i32 to index
      %swap3A_243 = tpu.vector_load %arg10[%swap3A_242] {strides = array<i32>} : memref<8192xf32, #tpu.memory_space<vmem>>, vector<16xf32>,
      tpu.vector_store %arg10[%swap3A_242], %gather3A_241 {strides = array<i32>} : memref<8192xf32, #tpu.memory_space<vmem>>, vector<16xf32>,
      %scan3A_244 = arith.constant 3 : i32
      %scan3A_245 = arith.addi %scan3A_163, %scan3A_244 : i32
      %mul3A_246 = arith.constant 16 : i32
      %mul3A_247 = arith.muli %scan3A_245, %mul3A_246 : i32
      %mul3A_248 = arith.constant 3 : i32
      %mul3A_249 = arith.muli %mul3A_247, %mul3A_248 : i32
      %mul3A_250 = arith.constant 3 : i32
      %mul3A_251 = vector.broadcast %mul3A_250 : i32 to vector<16xi32>
      %mul3A_252 = arith.muli %iota3A, %mul3A_251 : vector<16xi32>
      %add3A_253 = vector.broadcast %mul3A_249 : i32 to vector<16xi32>
      %add3A_254 = arith.addi %add3A_253, %mul3A_252 : vector<16xi32>
      %add3A_255 = arith.constant 3072 : i32
      %add3A_256 = arith.addi %add3A_255, %mul3A_247 : i32
      %gather3A_257 = tpu.vector_load_idx %arg22[%add3A_254] : memref<3072xf32, #tpu.memory_space<vmem>>[vector<16xi32>], vector<16xf32>,
      %swap3A_258 = arith.index_cast %add3A_256 : i32 to index
      %swap3A_259 = tpu.vector_load %arg8[%swap3A_258] {strides = array<i32>} : memref<8192xf32, #tpu.memory_space<vmem>>, vector<16xf32>,
      tpu.vector_store %arg8[%swap3A_258], %gather3A_257 {strides = array<i32>} : memref<8192xf32, #tpu.memory_space<vmem>>, vector<16xf32>,
      %add3A_260 = arith.constant 1 : i32
      %add3A_261 = vector.broadcast %add3A_260 : i32 to vector<16xi32>
      %add3A_262 = arith.addi %add3A_254, %add3A_261 : vector<16xi32>
      %gather3A_263 = tpu.vector_load_idx %arg22[%add3A_262] : memref<3072xf32, #tpu.memory_space<vmem>>[vector<16xi32>], vector<16xf32>,
      %swap3A_264 = arith.index_cast %add3A_256 : i32 to index
      %swap3A_265 = tpu.vector_load %arg9[%swap3A_264] {strides = array<i32>} : memref<8192xf32, #tpu.memory_space<vmem>>, vector<16xf32>,
      tpu.vector_store %arg9[%swap3A_264], %gather3A_263 {strides = array<i32>} : memref<8192xf32, #tpu.memory_space<vmem>>, vector<16xf32>,
      %add3A_266 = arith.constant 2 : i32
      %add3A_267 = vector.broadcast %add3A_266 : i32 to vector<16xi32>
      %add3A_268 = arith.addi %add3A_254, %add3A_267 : vector<16xi32>
      %gather3A_269 = tpu.vector_load_idx %arg22[%add3A_268] : memref<3072xf32, #tpu.memory_space<vmem>>[vector<16xi32>], vector<16xf32>,
      %swap3A_270 = arith.index_cast %add3A_256 : i32 to index
      %swap3A_271 = tpu.vector_load %arg10[%swap3A_270] {strides = array<i32>} : memref<8192xf32, #tpu.memory_space<vmem>>, vector<16xf32>,
      tpu.vector_store %arg10[%swap3A_270], %gather3A_269 {strides = array<i32>} : memref<8192xf32, #tpu.memory_space<vmem>>, vector<16xf32>,
    }
    %scan3A_84 = arith.constant 64 : i32
    %mul3A_85 = arith.constant 8192 : i32
    %mul3A_86 = arith.muli %select_n3A, %mul3A_85 : i32
    %mul3A_87 = arith.constant 3 : i32
    %mul3A_88 = arith.muli %mul3A_86, %mul3A_87 : i32
    %add3A_89 = arith.constant 12288 : i32
    %add3A_90 = arith.addi %mul3A_88, %add3A_89 : i32
    "tpu.region"() ({
      %run_scoped3A = tpu.sem_alloc : memref<!tpu.dma_semaphore, #tpu.memory_space<semaphore_mem>>
      %dma_start3A = tpu.memref_slice %arg2[%add3A_90] : memref<196608xf32, #tpu.memory_space<hbm>> -> memref<3072xf32, #tpu.memory_space<hbm>>
      %dma_start3A_163 = tpu.memref_slice %arg2[%add3A_90] : memref<196608xf32, #tpu.memory_space<hbm>> -> memref<3072xf32, #tpu.memory_space<hbm>>
      tpu.enqueue_dma source(%dma_start3A_163 : memref<3072xf32, #tpu.memory_space<hbm>>) target(%arg22 : memref<3072xf32, #tpu.memory_space<vmem>>) target_semaphore(%run_scoped3A : memref<!tpu.dma_semaphore, #tpu.memory_space<semaphore_mem>>)
      %dma_wait3A = tpu.memref_slice %arg2[%add3A_90] : memref<196608xf32, #tpu.memory_space<hbm>> -> memref<3072xf32, #tpu.memory_space<hbm>>
      %dma_wait3A_164 = tpu.memref_slice %arg2[%add3A_90] : memref<196608xf32, #tpu.memory_space<hbm>> -> memref<3072xf32, #tpu.memory_space<hbm>>
      tpu.wait_dma2 semaphore(%run_scoped3A : memref<!tpu.dma_semaphore, #tpu.memory_space<semaphore_mem>>) src(%dma_wait3A_164 : memref<3072xf32, #tpu.memory_space<hbm>>) dst(%arg22 : memref<3072xf32, #tpu.memory_space<vmem>>)
      tpu.yield
    }) : () -> ()
    %scan3A_91 = arith.constant 0 : i32
    %scan3A_92 = arith.constant 0 : i32
    %scan3A_93 = arith.constant 64 : i32
    %scan3A_94 = arith.addi %scan3A_92, %scan3A_93 : i32
    %scan3A_95 = arith.constant 4 : i32
    scf.for %scan3A_163 = %scan3A_92 to %scan3A_94 step %scan3A_95  : i32 {
      %mul3A_164 = arith.constant 16 : i32
      %mul3A_165 = arith.muli %scan3A_163, %mul3A_164 : i32
      %mul3A_166 = arith.constant 3 : i32
      %mul3A_167 = arith.muli %mul3A_165, %mul3A_166 : i32
      %mul3A_168 = arith.constant 3 : i32
      %mul3A_169 = vector.broadcast %mul3A_168 : i32 to vector<16xi32>
      %mul3A_170 = arith.muli %iota3A, %mul3A_169 : vector<16xi32>
      %add3A_171 = vector.broadcast %mul3A_167 : i32 to vector<16xi32>
      %add3A_172 = arith.addi %add3A_171, %mul3A_170 : vector<16xi32>
      %add3A_173 = arith.constant 4096 : i32
      %add3A_174 = arith.addi %add3A_173, %mul3A_165 : i32
      %gather3A = tpu.vector_load_idx %arg22[%add3A_172] : memref<3072xf32, #tpu.memory_space<vmem>>[vector<16xi32>], vector<16xf32>,
      %swap3A = arith.index_cast %add3A_174 : i32 to index
      %swap3A_175 = tpu.vector_load %arg8[%swap3A] {strides = array<i32>} : memref<8192xf32, #tpu.memory_space<vmem>>, vector<16xf32>,
      tpu.vector_store %arg8[%swap3A], %gather3A {strides = array<i32>} : memref<8192xf32, #tpu.memory_space<vmem>>, vector<16xf32>,
      %add3A_176 = arith.constant 1 : i32
      %add3A_177 = vector.broadcast %add3A_176 : i32 to vector<16xi32>
      %add3A_178 = arith.addi %add3A_172, %add3A_177 : vector<16xi32>
      %gather3A_179 = tpu.vector_load_idx %arg22[%add3A_178] : memref<3072xf32, #tpu.memory_space<vmem>>[vector<16xi32>], vector<16xf32>,
      %swap3A_180 = arith.index_cast %add3A_174 : i32 to index
      %swap3A_181 = tpu.vector_load %arg9[%swap3A_180] {strides = array<i32>} : memref<8192xf32, #tpu.memory_space<vmem>>, vector<16xf32>,
      tpu.vector_store %arg9[%swap3A_180], %gather3A_179 {strides = array<i32>} : memref<8192xf32, #tpu.memory_space<vmem>>, vector<16xf32>,
      %add3A_182 = arith.constant 2 : i32
      %add3A_183 = vector.broadcast %add3A_182 : i32 to vector<16xi32>
      %add3A_184 = arith.addi %add3A_172, %add3A_183 : vector<16xi32>
      %gather3A_185 = tpu.vector_load_idx %arg22[%add3A_184] : memref<3072xf32, #tpu.memory_space<vmem>>[vector<16xi32>], vector<16xf32>,
      %swap3A_186 = arith.index_cast %add3A_174 : i32 to index
      %swap3A_187 = tpu.vector_load %arg10[%swap3A_186] {strides = array<i32>} : memref<8192xf32, #tpu.memory_space<vmem>>, vector<16xf32>,
      tpu.vector_store %arg10[%swap3A_186], %gather3A_185 {strides = array<i32>} : memref<8192xf32, #tpu.memory_space<vmem>>, vector<16xf32>,
      %scan3A_188 = arith.constant 1 : i32
      %scan3A_189 = arith.addi %scan3A_163, %scan3A_188 : i32
      %mul3A_190 = arith.constant 16 : i32
      %mul3A_191 = arith.muli %scan3A_189, %mul3A_190 : i32
      %mul3A_192 = arith.constant 3 : i32
      %mul3A_193 = arith.muli %mul3A_191, %mul3A_192 : i32
      %mul3A_194 = arith.constant 3 : i32
      %mul3A_195 = vector.broadcast %mul3A_194 : i32 to vector<16xi32>
      %mul3A_196 = arith.muli %iota3A, %mul3A_195 : vector<16xi32>
      %add3A_197 = vector.broadcast %mul3A_193 : i32 to vector<16xi32>
      %add3A_198 = arith.addi %add3A_197, %mul3A_196 : vector<16xi32>
      %add3A_199 = arith.constant 4096 : i32
      %add3A_200 = arith.addi %add3A_199, %mul3A_191 : i32
      %gather3A_201 = tpu.vector_load_idx %arg22[%add3A_198] : memref<3072xf32, #tpu.memory_space<vmem>>[vector<16xi32>], vector<16xf32>,
      %swap3A_202 = arith.index_cast %add3A_200 : i32 to index
      %swap3A_203 = tpu.vector_load %arg8[%swap3A_202] {strides = array<i32>} : memref<8192xf32, #tpu.memory_space<vmem>>, vector<16xf32>,
      tpu.vector_store %arg8[%swap3A_202], %gather3A_201 {strides = array<i32>} : memref<8192xf32, #tpu.memory_space<vmem>>, vector<16xf32>,
      %add3A_204 = arith.constant 1 : i32
      %add3A_205 = vector.broadcast %add3A_204 : i32 to vector<16xi32>
      %add3A_206 = arith.addi %add3A_198, %add3A_205 : vector<16xi32>
      %gather3A_207 = tpu.vector_load_idx %arg22[%add3A_206] : memref<3072xf32, #tpu.memory_space<vmem>>[vector<16xi32>], vector<16xf32>,
      %swap3A_208 = arith.index_cast %add3A_200 : i32 to index
      %swap3A_209 = tpu.vector_load %arg9[%swap3A_208] {strides = array<i32>} : memref<8192xf32, #tpu.memory_space<vmem>>, vector<16xf32>,
      tpu.vector_store %arg9[%swap3A_208], %gather3A_207 {strides = array<i32>} : memref<8192xf32, #tpu.memory_space<vmem>>, vector<16xf32>,
      %add3A_210 = arith.constant 2 : i32
      %add3A_211 = vector.broadcast %add3A_210 : i32 to vector<16xi32>
      %add3A_212 = arith.addi %add3A_198, %add3A_211 : vector<16xi32>
      %gather3A_213 = tpu.vector_load_idx %arg22[%add3A_212] : memref<3072xf32, #tpu.memory_space<vmem>>[vector<16xi32>], vector<16xf32>,
      %swap3A_214 = arith.index_cast %add3A_200 : i32 to index
      %swap3A_215 = tpu.vector_load %arg10[%swap3A_214] {strides = array<i32>} : memref<8192xf32, #tpu.memory_space<vmem>>, vector<16xf32>,
      tpu.vector_store %arg10[%swap3A_214], %gather3A_213 {strides = array<i32>} : memref<8192xf32, #tpu.memory_space<vmem>>, vector<16xf32>,
      %scan3A_216 = arith.constant 2 : i32
      %scan3A_217 = arith.addi %scan3A_163, %scan3A_216 : i32
      %mul3A_218 = arith.constant 16 : i32
      %mul3A_219 = arith.muli %scan3A_217, %mul3A_218 : i32
      %mul3A_220 = arith.constant 3 : i32
      %mul3A_221 = arith.muli %mul3A_219, %mul3A_220 : i32
      %mul3A_222 = arith.constant 3 : i32
      %mul3A_223 = vector.broadcast %mul3A_222 : i32 to vector<16xi32>
      %mul3A_224 = arith.muli %iota3A, %mul3A_223 : vector<16xi32>
      %add3A_225 = vector.broadcast %mul3A_221 : i32 to vector<16xi32>
      %add3A_226 = arith.addi %add3A_225, %mul3A_224 : vector<16xi32>
      %add3A_227 = arith.constant 4096 : i32
      %add3A_228 = arith.addi %add3A_227, %mul3A_219 : i32
      %gather3A_229 = tpu.vector_load_idx %arg22[%add3A_226] : memref<3072xf32, #tpu.memory_space<vmem>>[vector<16xi32>], vector<16xf32>,
      %swap3A_230 = arith.index_cast %add3A_228 : i32 to index
      %swap3A_231 = tpu.vector_load %arg8[%swap3A_230] {strides = array<i32>} : memref<8192xf32, #tpu.memory_space<vmem>>, vector<16xf32>,
      tpu.vector_store %arg8[%swap3A_230], %gather3A_229 {strides = array<i32>} : memref<8192xf32, #tpu.memory_space<vmem>>, vector<16xf32>,
      %add3A_232 = arith.constant 1 : i32
      %add3A_233 = vector.broadcast %add3A_232 : i32 to vector<16xi32>
      %add3A_234 = arith.addi %add3A_226, %add3A_233 : vector<16xi32>
      %gather3A_235 = tpu.vector_load_idx %arg22[%add3A_234] : memref<3072xf32, #tpu.memory_space<vmem>>[vector<16xi32>], vector<16xf32>,
      %swap3A_236 = arith.index_cast %add3A_228 : i32 to index
      %swap3A_237 = tpu.vector_load %arg9[%swap3A_236] {strides = array<i32>} : memref<8192xf32, #tpu.memory_space<vmem>>, vector<16xf32>,
      tpu.vector_store %arg9[%swap3A_236], %gather3A_235 {strides = array<i32>} : memref<8192xf32, #tpu.memory_space<vmem>>, vector<16xf32>,
      %add3A_238 = arith.constant 2 : i32
      %add3A_239 = vector.broadcast %add3A_238 : i32 to vector<16xi32>
      %add3A_240 = arith.addi %add3A_226, %add3A_239 : vector<16xi32>
      %gather3A_241 = tpu.vector_load_idx %arg22[%add3A_240] : memref<3072xf32, #tpu.memory_space<vmem>>[vector<16xi32>], vector<16xf32>,
      %swap3A_242 = arith.index_cast %add3A_228 : i32 to index
      %swap3A_243 = tpu.vector_load %arg10[%swap3A_242] {strides = array<i32>} : memref<8192xf32, #tpu.memory_space<vmem>>, vector<16xf32>,
      tpu.vector_store %arg10[%swap3A_242], %gather3A_241 {strides = array<i32>} : memref<8192xf32, #tpu.memory_space<vmem>>, vector<16xf32>,
      %scan3A_244 = arith.constant 3 : i32
      %scan3A_245 = arith.addi %scan3A_163, %scan3A_244 : i32
      %mul3A_246 = arith.constant 16 : i32
      %mul3A_247 = arith.muli %scan3A_245, %mul3A_246 : i32
      %mul3A_248 = arith.constant 3 : i32
      %mul3A_249 = arith.muli %mul3A_247, %mul3A_248 : i32
      %mul3A_250 = arith.constant 3 : i32
      %mul3A_251 = vector.broadcast %mul3A_250 : i32 to vector<16xi32>
      %mul3A_252 = arith.muli %iota3A, %mul3A_251 : vector<16xi32>
      %add3A_253 = vector.broadcast %mul3A_249 : i32 to vector<16xi32>
      %add3A_254 = arith.addi %add3A_253, %mul3A_252 : vector<16xi32>
      %add3A_255 = arith.constant 4096 : i32
      %add3A_256 = arith.addi %add3A_255, %mul3A_247 : i32
      %gather3A_257 = tpu.vector_load_idx %arg22[%add3A_254] : memref<3072xf32, #tpu.memory_space<vmem>>[vector<16xi32>], vector<16xf32>,
      %swap3A_258 = arith.index_cast %add3A_256 : i32 to index
      %swap3A_259 = tpu.vector_load %arg8[%swap3A_258] {strides = array<i32>} : memref<8192xf32, #tpu.memory_space<vmem>>, vector<16xf32>,
      tpu.vector_store %arg8[%swap3A_258], %gather3A_257 {strides = array<i32>} : memref<8192xf32, #tpu.memory_space<vmem>>, vector<16xf32>,
      %add3A_260 = arith.constant 1 : i32
      %add3A_261 = vector.broadcast %add3A_260 : i32 to vector<16xi32>
      %add3A_262 = arith.addi %add3A_254, %add3A_261 : vector<16xi32>
      %gather3A_263 = tpu.vector_load_idx %arg22[%add3A_262] : memref<3072xf32, #tpu.memory_space<vmem>>[vector<16xi32>], vector<16xf32>,
      %swap3A_264 = arith.index_cast %add3A_256 : i32 to index
      %swap3A_265 = tpu.vector_load %arg9[%swap3A_264] {strides = array<i32>} : memref<8192xf32, #tpu.memory_space<vmem>>, vector<16xf32>,
      tpu.vector_store %arg9[%swap3A_264], %gather3A_263 {strides = array<i32>} : memref<8192xf32, #tpu.memory_space<vmem>>, vector<16xf32>,
      %add3A_266 = arith.constant 2 : i32
      %add3A_267 = vector.broadcast %add3A_266 : i32 to vector<16xi32>
      %add3A_268 = arith.addi %add3A_254, %add3A_267 : vector<16xi32>
      %gather3A_269 = tpu.vector_load_idx %arg22[%add3A_268] : memref<3072xf32, #tpu.memory_space<vmem>>[vector<16xi32>], vector<16xf32>,
      %swap3A_270 = arith.index_cast %add3A_256 : i32 to index
      %swap3A_271 = tpu.vector_load %arg10[%swap3A_270] {strides = array<i32>} : memref<8192xf32, #tpu.memory_space<vmem>>, vector<16xf32>,
      tpu.vector_store %arg10[%swap3A_270], %gather3A_269 {strides = array<i32>} : memref<8192xf32, #tpu.memory_space<vmem>>, vector<16xf32>,
    }
    %scan3A_96 = arith.constant 64 : i32
    %mul3A_97 = arith.constant 8192 : i32
    %mul3A_98 = arith.muli %select_n3A, %mul3A_97 : i32
    %mul3A_99 = arith.constant 3 : i32
    %mul3A_100 = arith.muli %mul3A_98, %mul3A_99 : i32
    %add3A_101 = arith.constant 15360 : i32
    %add3A_102 = arith.addi %mul3A_100, %add3A_101 : i32
    "tpu.region"() ({
      %run_scoped3A = tpu.sem_alloc : memref<!tpu.dma_semaphore, #tpu.memory_space<semaphore_mem>>
      %dma_start3A = tpu.memref_slice %arg2[%add3A_102] : memref<196608xf32, #tpu.memory_space<hbm>> -> memref<3072xf32, #tpu.memory_space<hbm>>
      %dma_start3A_163 = tpu.memref_slice %arg2[%add3A_102] : memref<196608xf32, #tpu.memory_space<hbm>> -> memref<3072xf32, #tpu.memory_space<hbm>>
      tpu.enqueue_dma source(%dma_start3A_163 : memref<3072xf32, #tpu.memory_space<hbm>>) target(%arg22 : memref<3072xf32, #tpu.memory_space<vmem>>) target_semaphore(%run_scoped3A : memref<!tpu.dma_semaphore, #tpu.memory_space<semaphore_mem>>)
      %dma_wait3A = tpu.memref_slice %arg2[%add3A_102] : memref<196608xf32, #tpu.memory_space<hbm>> -> memref<3072xf32, #tpu.memory_space<hbm>>
      %dma_wait3A_164 = tpu.memref_slice %arg2[%add3A_102] : memref<196608xf32, #tpu.memory_space<hbm>> -> memref<3072xf32, #tpu.memory_space<hbm>>
      tpu.wait_dma2 semaphore(%run_scoped3A : memref<!tpu.dma_semaphore, #tpu.memory_space<semaphore_mem>>) src(%dma_wait3A_164 : memref<3072xf32, #tpu.memory_space<hbm>>) dst(%arg22 : memref<3072xf32, #tpu.memory_space<vmem>>)
      tpu.yield
    }) : () -> ()
    %scan3A_103 = arith.constant 0 : i32
    %scan3A_104 = arith.constant 0 : i32
    %scan3A_105 = arith.constant 64 : i32
    %scan3A_106 = arith.addi %scan3A_104, %scan3A_105 : i32
    %scan3A_107 = arith.constant 4 : i32
    scf.for %scan3A_163 = %scan3A_104 to %scan3A_106 step %scan3A_107  : i32 {
      %mul3A_164 = arith.constant 16 : i32
      %mul3A_165 = arith.muli %scan3A_163, %mul3A_164 : i32
      %mul3A_166 = arith.constant 3 : i32
      %mul3A_167 = arith.muli %mul3A_165, %mul3A_166 : i32
      %mul3A_168 = arith.constant 3 : i32
      %mul3A_169 = vector.broadcast %mul3A_168 : i32 to vector<16xi32>
      %mul3A_170 = arith.muli %iota3A, %mul3A_169 : vector<16xi32>
      %add3A_171 = vector.broadcast %mul3A_167 : i32 to vector<16xi32>
      %add3A_172 = arith.addi %add3A_171, %mul3A_170 : vector<16xi32>
      %add3A_173 = arith.constant 5120 : i32
      %add3A_174 = arith.addi %add3A_173, %mul3A_165 : i32
      %gather3A = tpu.vector_load_idx %arg22[%add3A_172] : memref<3072xf32, #tpu.memory_space<vmem>>[vector<16xi32>], vector<16xf32>,
      %swap3A = arith.index_cast %add3A_174 : i32 to index
      %swap3A_175 = tpu.vector_load %arg8[%swap3A] {strides = array<i32>} : memref<8192xf32, #tpu.memory_space<vmem>>, vector<16xf32>,
      tpu.vector_store %arg8[%swap3A], %gather3A {strides = array<i32>} : memref<8192xf32, #tpu.memory_space<vmem>>, vector<16xf32>,
      %add3A_176 = arith.constant 1 : i32
      %add3A_177 = vector.broadcast %add3A_176 : i32 to vector<16xi32>
      %add3A_178 = arith.addi %add3A_172, %add3A_177 : vector<16xi32>
      %gather3A_179 = tpu.vector_load_idx %arg22[%add3A_178] : memref<3072xf32, #tpu.memory_space<vmem>>[vector<16xi32>], vector<16xf32>,
      %swap3A_180 = arith.index_cast %add3A_174 : i32 to index
      %swap3A_181 = tpu.vector_load %arg9[%swap3A_180] {strides = array<i32>} : memref<8192xf32, #tpu.memory_space<vmem>>, vector<16xf32>,
      tpu.vector_store %arg9[%swap3A_180], %gather3A_179 {strides = array<i32>} : memref<8192xf32, #tpu.memory_space<vmem>>, vector<16xf32>,
      %add3A_182 = arith.constant 2 : i32
      %add3A_183 = vector.broadcast %add3A_182 : i32 to vector<16xi32>
      %add3A_184 = arith.addi %add3A_172, %add3A_183 : vector<16xi32>
      %gather3A_185 = tpu.vector_load_idx %arg22[%add3A_184] : memref<3072xf32, #tpu.memory_space<vmem>>[vector<16xi32>], vector<16xf32>,
      %swap3A_186 = arith.index_cast %add3A_174 : i32 to index
      %swap3A_187 = tpu.vector_load %arg10[%swap3A_186] {strides = array<i32>} : memref<8192xf32, #tpu.memory_space<vmem>>, vector<16xf32>,
      tpu.vector_store %arg10[%swap3A_186], %gather3A_185 {strides = array<i32>} : memref<8192xf32, #tpu.memory_space<vmem>>, vector<16xf32>,
      %scan3A_188 = arith.constant 1 : i32
      %scan3A_189 = arith.addi %scan3A_163, %scan3A_188 : i32
      %mul3A_190 = arith.constant 16 : i32
      %mul3A_191 = arith.muli %scan3A_189, %mul3A_190 : i32
      %mul3A_192 = arith.constant 3 : i32
      %mul3A_193 = arith.muli %mul3A_191, %mul3A_192 : i32
      %mul3A_194 = arith.constant 3 : i32
      %mul3A_195 = vector.broadcast %mul3A_194 : i32 to vector<16xi32>
      %mul3A_196 = arith.muli %iota3A, %mul3A_195 : vector<16xi32>
      %add3A_197 = vector.broadcast %mul3A_193 : i32 to vector<16xi32>
      %add3A_198 = arith.addi %add3A_197, %mul3A_196 : vector<16xi32>
      %add3A_199 = arith.constant 5120 : i32
      %add3A_200 = arith.addi %add3A_199, %mul3A_191 : i32
      %gather3A_201 = tpu.vector_load_idx %arg22[%add3A_198] : memref<3072xf32, #tpu.memory_space<vmem>>[vector<16xi32>], vector<16xf32>,
      %swap3A_202 = arith.index_cast %add3A_200 : i32 to index
      %swap3A_203 = tpu.vector_load %arg8[%swap3A_202] {strides = array<i32>} : memref<8192xf32, #tpu.memory_space<vmem>>, vector<16xf32>,
      tpu.vector_store %arg8[%swap3A_202], %gather3A_201 {strides = array<i32>} : memref<8192xf32, #tpu.memory_space<vmem>>, vector<16xf32>,
      %add3A_204 = arith.constant 1 : i32
      %add3A_205 = vector.broadcast %add3A_204 : i32 to vector<16xi32>
      %add3A_206 = arith.addi %add3A_198, %add3A_205 : vector<16xi32>
      %gather3A_207 = tpu.vector_load_idx %arg22[%add3A_206] : memref<3072xf32, #tpu.memory_space<vmem>>[vector<16xi32>], vector<16xf32>,
      %swap3A_208 = arith.index_cast %add3A_200 : i32 to index
      %swap3A_209 = tpu.vector_load %arg9[%swap3A_208] {strides = array<i32>} : memref<8192xf32, #tpu.memory_space<vmem>>, vector<16xf32>,
      tpu.vector_store %arg9[%swap3A_208], %gather3A_207 {strides = array<i32>} : memref<8192xf32, #tpu.memory_space<vmem>>, vector<16xf32>,
      %add3A_210 = arith.constant 2 : i32
      %add3A_211 = vector.broadcast %add3A_210 : i32 to vector<16xi32>
      %add3A_212 = arith.addi %add3A_198, %add3A_211 : vector<16xi32>
      %gather3A_213 = tpu.vector_load_idx %arg22[%add3A_212] : memref<3072xf32, #tpu.memory_space<vmem>>[vector<16xi32>], vector<16xf32>,
      %swap3A_214 = arith.index_cast %add3A_200 : i32 to index
      %swap3A_215 = tpu.vector_load %arg10[%swap3A_214] {strides = array<i32>} : memref<8192xf32, #tpu.memory_space<vmem>>, vector<16xf32>,
      tpu.vector_store %arg10[%swap3A_214], %gather3A_213 {strides = array<i32>} : memref<8192xf32, #tpu.memory_space<vmem>>, vector<16xf32>,
      %scan3A_216 = arith.constant 2 : i32
      %scan3A_217 = arith.addi %scan3A_163, %scan3A_216 : i32
      %mul3A_218 = arith.constant 16 : i32
      %mul3A_219 = arith.muli %scan3A_217, %mul3A_218 : i32
      %mul3A_220 = arith.constant 3 : i32
      %mul3A_221 = arith.muli %mul3A_219, %mul3A_220 : i32
      %mul3A_222 = arith.constant 3 : i32
      %mul3A_223 = vector.broadcast %mul3A_222 : i32 to vector<16xi32>
      %mul3A_224 = arith.muli %iota3A, %mul3A_223 : vector<16xi32>
      %add3A_225 = vector.broadcast %mul3A_221 : i32 to vector<16xi32>
      %add3A_226 = arith.addi %add3A_225, %mul3A_224 : vector<16xi32>
      %add3A_227 = arith.constant 5120 : i32
      %add3A_228 = arith.addi %add3A_227, %mul3A_219 : i32
      %gather3A_229 = tpu.vector_load_idx %arg22[%add3A_226] : memref<3072xf32, #tpu.memory_space<vmem>>[vector<16xi32>], vector<16xf32>,
      %swap3A_230 = arith.index_cast %add3A_228 : i32 to index
      %swap3A_231 = tpu.vector_load %arg8[%swap3A_230] {strides = array<i32>} : memref<8192xf32, #tpu.memory_space<vmem>>, vector<16xf32>,
      tpu.vector_store %arg8[%swap3A_230], %gather3A_229 {strides = array<i32>} : memref<8192xf32, #tpu.memory_space<vmem>>, vector<16xf32>,
      %add3A_232 = arith.constant 1 : i32
      %add3A_233 = vector.broadcast %add3A_232 : i32 to vector<16xi32>
      %add3A_234 = arith.addi %add3A_226, %add3A_233 : vector<16xi32>
      %gather3A_235 = tpu.vector_load_idx %arg22[%add3A_234] : memref<3072xf32, #tpu.memory_space<vmem>>[vector<16xi32>], vector<16xf32>,
      %swap3A_236 = arith.index_cast %add3A_228 : i32 to index
      %swap3A_237 = tpu.vector_load %arg9[%swap3A_236] {strides = array<i32>} : memref<8192xf32, #tpu.memory_space<vmem>>, vector<16xf32>,
      tpu.vector_store %arg9[%swap3A_236], %gather3A_235 {strides = array<i32>} : memref<8192xf32, #tpu.memory_space<vmem>>, vector<16xf32>,
      %add3A_238 = arith.constant 2 : i32
      %add3A_239 = vector.broadcast %add3A_238 : i32 to vector<16xi32>
      %add3A_240 = arith.addi %add3A_226, %add3A_239 : vector<16xi32>
      %gather3A_241 = tpu.vector_load_idx %arg22[%add3A_240] : memref<3072xf32, #tpu.memory_space<vmem>>[vector<16xi32>], vector<16xf32>,
      %swap3A_242 = arith.index_cast %add3A_228 : i32 to index
      %swap3A_243 = tpu.vector_load %arg10[%swap3A_242] {strides = array<i32>} : memref<8192xf32, #tpu.memory_space<vmem>>, vector<16xf32>,
      tpu.vector_store %arg10[%swap3A_242], %gather3A_241 {strides = array<i32>} : memref<8192xf32, #tpu.memory_space<vmem>>, vector<16xf32>,
      %scan3A_244 = arith.constant 3 : i32
      %scan3A_245 = arith.addi %scan3A_163, %scan3A_244 : i32
      %mul3A_246 = arith.constant 16 : i32
      %mul3A_247 = arith.muli %scan3A_245, %mul3A_246 : i32
      %mul3A_248 = arith.constant 3 : i32
      %mul3A_249 = arith.muli %mul3A_247, %mul3A_248 : i32
      %mul3A_250 = arith.constant 3 : i32
      %mul3A_251 = vector.broadcast %mul3A_250 : i32 to vector<16xi32>
      %mul3A_252 = arith.muli %iota3A, %mul3A_251 : vector<16xi32>
      %add3A_253 = vector.broadcast %mul3A_249 : i32 to vector<16xi32>
      %add3A_254 = arith.addi %add3A_253, %mul3A_252 : vector<16xi32>
      %add3A_255 = arith.constant 5120 : i32
      %add3A_256 = arith.addi %add3A_255, %mul3A_247 : i32
      %gather3A_257 = tpu.vector_load_idx %arg22[%add3A_254] : memref<3072xf32, #tpu.memory_space<vmem>>[vector<16xi32>], vector<16xf32>,
      %swap3A_258 = arith.index_cast %add3A_256 : i32 to index
      %swap3A_259 = tpu.vector_load %arg8[%swap3A_258] {strides = array<i32>} : memref<8192xf32, #tpu.memory_space<vmem>>, vector<16xf32>,
      tpu.vector_store %arg8[%swap3A_258], %gather3A_257 {strides = array<i32>} : memref<8192xf32, #tpu.memory_space<vmem>>, vector<16xf32>,
      %add3A_260 = arith.constant 1 : i32
      %add3A_261 = vector.broadcast %add3A_260 : i32 to vector<16xi32>
      %add3A_262 = arith.addi %add3A_254, %add3A_261 : vector<16xi32>
      %gather3A_263 = tpu.vector_load_idx %arg22[%add3A_262] : memref<3072xf32, #tpu.memory_space<vmem>>[vector<16xi32>], vector<16xf32>,
      %swap3A_264 = arith.index_cast %add3A_256 : i32 to index
      %swap3A_265 = tpu.vector_load %arg9[%swap3A_264] {strides = array<i32>} : memref<8192xf32, #tpu.memory_space<vmem>>, vector<16xf32>,
      tpu.vector_store %arg9[%swap3A_264], %gather3A_263 {strides = array<i32>} : memref<8192xf32, #tpu.memory_space<vmem>>, vector<16xf32>,
      %add3A_266 = arith.constant 2 : i32
      %add3A_267 = vector.broadcast %add3A_266 : i32 to vector<16xi32>
      %add3A_268 = arith.addi %add3A_254, %add3A_267 : vector<16xi32>
      %gather3A_269 = tpu.vector_load_idx %arg22[%add3A_268] : memref<3072xf32, #tpu.memory_space<vmem>>[vector<16xi32>], vector<16xf32>,
      %swap3A_270 = arith.index_cast %add3A_256 : i32 to index
      %swap3A_271 = tpu.vector_load %arg10[%swap3A_270] {strides = array<i32>} : memref<8192xf32, #tpu.memory_space<vmem>>, vector<16xf32>,
      tpu.vector_store %arg10[%swap3A_270], %gather3A_269 {strides = array<i32>} : memref<8192xf32, #tpu.memory_space<vmem>>, vector<16xf32>,
    }
    %scan3A_108 = arith.constant 64 : i32
    %mul3A_109 = arith.constant 8192 : i32
    %mul3A_110 = arith.muli %select_n3A, %mul3A_109 : i32
    %mul3A_111 = arith.constant 3 : i32
    %mul3A_112 = arith.muli %mul3A_110, %mul3A_111 : i32
    %add3A_113 = arith.constant 18432 : i32
    %add3A_114 = arith.addi %mul3A_112, %add3A_113 : i32
    "tpu.region"() ({
      %run_scoped3A = tpu.sem_alloc : memref<!tpu.dma_semaphore, #tpu.memory_space<semaphore_mem>>
      %dma_start3A = tpu.memref_slice %arg2[%add3A_114] : memref<196608xf32, #tpu.memory_space<hbm>> -> memref<3072xf32, #tpu.memory_space<hbm>>
      %dma_start3A_163 = tpu.memref_slice %arg2[%add3A_114] : memref<196608xf32, #tpu.memory_space<hbm>> -> memref<3072xf32, #tpu.memory_space<hbm>>
      tpu.enqueue_dma source(%dma_start3A_163 : memref<3072xf32, #tpu.memory_space<hbm>>) target(%arg22 : memref<3072xf32, #tpu.memory_space<vmem>>) target_semaphore(%run_scoped3A : memref<!tpu.dma_semaphore, #tpu.memory_space<semaphore_mem>>)
      %dma_wait3A = tpu.memref_slice %arg2[%add3A_114] : memref<196608xf32, #tpu.memory_space<hbm>> -> memref<3072xf32, #tpu.memory_space<hbm>>
      %dma_wait3A_164 = tpu.memref_slice %arg2[%add3A_114] : memref<196608xf32, #tpu.memory_space<hbm>> -> memref<3072xf32, #tpu.memory_space<hbm>>
      tpu.wait_dma2 semaphore(%run_scoped3A : memref<!tpu.dma_semaphore, #tpu.memory_space<semaphore_mem>>) src(%dma_wait3A_164 : memref<3072xf32, #tpu.memory_space<hbm>>) dst(%arg22 : memref<3072xf32, #tpu.memory_space<vmem>>)
      tpu.yield
    }) : () -> ()
    %scan3A_115 = arith.constant 0 : i32
    %scan3A_116 = arith.constant 0 : i32
    %scan3A_117 = arith.constant 64 : i32
    %scan3A_118 = arith.addi %scan3A_116, %scan3A_117 : i32
    %scan3A_119 = arith.constant 4 : i32
    scf.for %scan3A_163 = %scan3A_116 to %scan3A_118 step %scan3A_119  : i32 {
      %mul3A_164 = arith.constant 16 : i32
      %mul3A_165 = arith.muli %scan3A_163, %mul3A_164 : i32
      %mul3A_166 = arith.constant 3 : i32
      %mul3A_167 = arith.muli %mul3A_165, %mul3A_166 : i32
      %mul3A_168 = arith.constant 3 : i32
      %mul3A_169 = vector.broadcast %mul3A_168 : i32 to vector<16xi32>
      %mul3A_170 = arith.muli %iota3A, %mul3A_169 : vector<16xi32>
      %add3A_171 = vector.broadcast %mul3A_167 : i32 to vector<16xi32>
      %add3A_172 = arith.addi %add3A_171, %mul3A_170 : vector<16xi32>
      %add3A_173 = arith.constant 6144 : i32
      %add3A_174 = arith.addi %add3A_173, %mul3A_165 : i32
      %gather3A = tpu.vector_load_idx %arg22[%add3A_172] : memref<3072xf32, #tpu.memory_space<vmem>>[vector<16xi32>], vector<16xf32>,
      %swap3A = arith.index_cast %add3A_174 : i32 to index
      %swap3A_175 = tpu.vector_load %arg8[%swap3A] {strides = array<i32>} : memref<8192xf32, #tpu.memory_space<vmem>>, vector<16xf32>,
      tpu.vector_store %arg8[%swap3A], %gather3A {strides = array<i32>} : memref<8192xf32, #tpu.memory_space<vmem>>, vector<16xf32>,
      %add3A_176 = arith.constant 1 : i32
      %add3A_177 = vector.broadcast %add3A_176 : i32 to vector<16xi32>
      %add3A_178 = arith.addi %add3A_172, %add3A_177 : vector<16xi32>
      %gather3A_179 = tpu.vector_load_idx %arg22[%add3A_178] : memref<3072xf32, #tpu.memory_space<vmem>>[vector<16xi32>], vector<16xf32>,
      %swap3A_180 = arith.index_cast %add3A_174 : i32 to index
      %swap3A_181 = tpu.vector_load %arg9[%swap3A_180] {strides = array<i32>} : memref<8192xf32, #tpu.memory_space<vmem>>, vector<16xf32>,
      tpu.vector_store %arg9[%swap3A_180], %gather3A_179 {strides = array<i32>} : memref<8192xf32, #tpu.memory_space<vmem>>, vector<16xf32>,
      %add3A_182 = arith.constant 2 : i32
      %add3A_183 = vector.broadcast %add3A_182 : i32 to vector<16xi32>
      %add3A_184 = arith.addi %add3A_172, %add3A_183 : vector<16xi32>
      %gather3A_185 = tpu.vector_load_idx %arg22[%add3A_184] : memref<3072xf32, #tpu.memory_space<vmem>>[vector<16xi32>], vector<16xf32>,
      %swap3A_186 = arith.index_cast %add3A_174 : i32 to index
      %swap3A_187 = tpu.vector_load %arg10[%swap3A_186] {strides = array<i32>} : memref<8192xf32, #tpu.memory_space<vmem>>, vector<16xf32>,
      tpu.vector_store %arg10[%swap3A_186], %gather3A_185 {strides = array<i32>} : memref<8192xf32, #tpu.memory_space<vmem>>, vector<16xf32>,
      %scan3A_188 = arith.constant 1 : i32
      %scan3A_189 = arith.addi %scan3A_163, %scan3A_188 : i32
      %mul3A_190 = arith.constant 16 : i32
      %mul3A_191 = arith.muli %scan3A_189, %mul3A_190 : i32
      %mul3A_192 = arith.constant 3 : i32
      %mul3A_193 = arith.muli %mul3A_191, %mul3A_192 : i32
      %mul3A_194 = arith.constant 3 : i32
      %mul3A_195 = vector.broadcast %mul3A_194 : i32 to vector<16xi32>
      %mul3A_196 = arith.muli %iota3A, %mul3A_195 : vector<16xi32>
      %add3A_197 = vector.broadcast %mul3A_193 : i32 to vector<16xi32>
      %add3A_198 = arith.addi %add3A_197, %mul3A_196 : vector<16xi32>
      %add3A_199 = arith.constant 6144 : i32
      %add3A_200 = arith.addi %add3A_199, %mul3A_191 : i32
      %gather3A_201 = tpu.vector_load_idx %arg22[%add3A_198] : memref<3072xf32, #tpu.memory_space<vmem>>[vector<16xi32>], vector<16xf32>,
      %swap3A_202 = arith.index_cast %add3A_200 : i32 to index
      %swap3A_203 = tpu.vector_load %arg8[%swap3A_202] {strides = array<i32>} : memref<8192xf32, #tpu.memory_space<vmem>>, vector<16xf32>,
      tpu.vector_store %arg8[%swap3A_202], %gather3A_201 {strides = array<i32>} : memref<8192xf32, #tpu.memory_space<vmem>>, vector<16xf32>,
      %add3A_204 = arith.constant 1 : i32
      %add3A_205 = vector.broadcast %add3A_204 : i32 to vector<16xi32>
      %add3A_206 = arith.addi %add3A_198, %add3A_205 : vector<16xi32>
      %gather3A_207 = tpu.vector_load_idx %arg22[%add3A_206] : memref<3072xf32, #tpu.memory_space<vmem>>[vector<16xi32>], vector<16xf32>,
      %swap3A_208 = arith.index_cast %add3A_200 : i32 to index
      %swap3A_209 = tpu.vector_load %arg9[%swap3A_208] {strides = array<i32>} : memref<8192xf32, #tpu.memory_space<vmem>>, vector<16xf32>,
      tpu.vector_store %arg9[%swap3A_208], %gather3A_207 {strides = array<i32>} : memref<8192xf32, #tpu.memory_space<vmem>>, vector<16xf32>,
      %add3A_210 = arith.constant 2 : i32
      %add3A_211 = vector.broadcast %add3A_210 : i32 to vector<16xi32>
      %add3A_212 = arith.addi %add3A_198, %add3A_211 : vector<16xi32>
      %gather3A_213 = tpu.vector_load_idx %arg22[%add3A_212] : memref<3072xf32, #tpu.memory_space<vmem>>[vector<16xi32>], vector<16xf32>,
      %swap3A_214 = arith.index_cast %add3A_200 : i32 to index
      %swap3A_215 = tpu.vector_load %arg10[%swap3A_214] {strides = array<i32>} : memref<8192xf32, #tpu.memory_space<vmem>>, vector<16xf32>,
      tpu.vector_store %arg10[%swap3A_214], %gather3A_213 {strides = array<i32>} : memref<8192xf32, #tpu.memory_space<vmem>>, vector<16xf32>,
      %scan3A_216 = arith.constant 2 : i32
      %scan3A_217 = arith.addi %scan3A_163, %scan3A_216 : i32
      %mul3A_218 = arith.constant 16 : i32
      %mul3A_219 = arith.muli %scan3A_217, %mul3A_218 : i32
      %mul3A_220 = arith.constant 3 : i32
      %mul3A_221 = arith.muli %mul3A_219, %mul3A_220 : i32
      %mul3A_222 = arith.constant 3 : i32
      %mul3A_223 = vector.broadcast %mul3A_222 : i32 to vector<16xi32>
      %mul3A_224 = arith.muli %iota3A, %mul3A_223 : vector<16xi32>
      %add3A_225 = vector.broadcast %mul3A_221 : i32 to vector<16xi32>
      %add3A_226 = arith.addi %add3A_225, %mul3A_224 : vector<16xi32>
      %add3A_227 = arith.constant 6144 : i32
      %add3A_228 = arith.addi %add3A_227, %mul3A_219 : i32
      %gather3A_229 = tpu.vector_load_idx %arg22[%add3A_226] : memref<3072xf32, #tpu.memory_space<vmem>>[vector<16xi32>], vector<16xf32>,
      %swap3A_230 = arith.index_cast %add3A_228 : i32 to index
      %swap3A_231 = tpu.vector_load %arg8[%swap3A_230] {strides = array<i32>} : memref<8192xf32, #tpu.memory_space<vmem>>, vector<16xf32>,
      tpu.vector_store %arg8[%swap3A_230], %gather3A_229 {strides = array<i32>} : memref<8192xf32, #tpu.memory_space<vmem>>, vector<16xf32>,
      %add3A_232 = arith.constant 1 : i32
      %add3A_233 = vector.broadcast %add3A_232 : i32 to vector<16xi32>
      %add3A_234 = arith.addi %add3A_226, %add3A_233 : vector<16xi32>
      %gather3A_235 = tpu.vector_load_idx %arg22[%add3A_234] : memref<3072xf32, #tpu.memory_space<vmem>>[vector<16xi32>], vector<16xf32>,
      %swap3A_236 = arith.index_cast %add3A_228 : i32 to index
      %swap3A_237 = tpu.vector_load %arg9[%swap3A_236] {strides = array<i32>} : memref<8192xf32, #tpu.memory_space<vmem>>, vector<16xf32>,
      tpu.vector_store %arg9[%swap3A_236], %gather3A_235 {strides = array<i32>} : memref<8192xf32, #tpu.memory_space<vmem>>, vector<16xf32>,
      %add3A_238 = arith.constant 2 : i32
      %add3A_239 = vector.broadcast %add3A_238 : i32 to vector<16xi32>
      %add3A_240 = arith.addi %add3A_226, %add3A_239 : vector<16xi32>
      %gather3A_241 = tpu.vector_load_idx %arg22[%add3A_240] : memref<3072xf32, #tpu.memory_space<vmem>>[vector<16xi32>], vector<16xf32>,
      %swap3A_242 = arith.index_cast %add3A_228 : i32 to index
      %swap3A_243 = tpu.vector_load %arg10[%swap3A_242] {strides = array<i32>} : memref<8192xf32, #tpu.memory_space<vmem>>, vector<16xf32>,
      tpu.vector_store %arg10[%swap3A_242], %gather3A_241 {strides = array<i32>} : memref<8192xf32, #tpu.memory_space<vmem>>, vector<16xf32>,
      %scan3A_244 = arith.constant 3 : i32
      %scan3A_245 = arith.addi %scan3A_163, %scan3A_244 : i32
      %mul3A_246 = arith.constant 16 : i32
      %mul3A_247 = arith.muli %scan3A_245, %mul3A_246 : i32
      %mul3A_248 = arith.constant 3 : i32
      %mul3A_249 = arith.muli %mul3A_247, %mul3A_248 : i32
      %mul3A_250 = arith.constant 3 : i32
      %mul3A_251 = vector.broadcast %mul3A_250 : i32 to vector<16xi32>
      %mul3A_252 = arith.muli %iota3A, %mul3A_251 : vector<16xi32>
      %add3A_253 = vector.broadcast %mul3A_249 : i32 to vector<16xi32>
      %add3A_254 = arith.addi %add3A_253, %mul3A_252 : vector<16xi32>
      %add3A_255 = arith.constant 6144 : i32
      %add3A_256 = arith.addi %add3A_255, %mul3A_247 : i32
      %gather3A_257 = tpu.vector_load_idx %arg22[%add3A_254] : memref<3072xf32, #tpu.memory_space<vmem>>[vector<16xi32>], vector<16xf32>,
      %swap3A_258 = arith.index_cast %add3A_256 : i32 to index
      %swap3A_259 = tpu.vector_load %arg8[%swap3A_258] {strides = array<i32>} : memref<8192xf32, #tpu.memory_space<vmem>>, vector<16xf32>,
      tpu.vector_store %arg8[%swap3A_258], %gather3A_257 {strides = array<i32>} : memref<8192xf32, #tpu.memory_space<vmem>>, vector<16xf32>,
      %add3A_260 = arith.constant 1 : i32
      %add3A_261 = vector.broadcast %add3A_260 : i32 to vector<16xi32>
      %add3A_262 = arith.addi %add3A_254, %add3A_261 : vector<16xi32>
      %gather3A_263 = tpu.vector_load_idx %arg22[%add3A_262] : memref<3072xf32, #tpu.memory_space<vmem>>[vector<16xi32>], vector<16xf32>,
      %swap3A_264 = arith.index_cast %add3A_256 : i32 to index
      %swap3A_265 = tpu.vector_load %arg9[%swap3A_264] {strides = array<i32>} : memref<8192xf32, #tpu.memory_space<vmem>>, vector<16xf32>,
      tpu.vector_store %arg9[%swap3A_264], %gather3A_263 {strides = array<i32>} : memref<8192xf32, #tpu.memory_space<vmem>>, vector<16xf32>,
      %add3A_266 = arith.constant 2 : i32
      %add3A_267 = vector.broadcast %add3A_266 : i32 to vector<16xi32>
      %add3A_268 = arith.addi %add3A_254, %add3A_267 : vector<16xi32>
      %gather3A_269 = tpu.vector_load_idx %arg22[%add3A_268] : memref<3072xf32, #tpu.memory_space<vmem>>[vector<16xi32>], vector<16xf32>,
      %swap3A_270 = arith.index_cast %add3A_256 : i32 to index
      %swap3A_271 = tpu.vector_load %arg10[%swap3A_270] {strides = array<i32>} : memref<8192xf32, #tpu.memory_space<vmem>>, vector<16xf32>,
      tpu.vector_store %arg10[%swap3A_270], %gather3A_269 {strides = array<i32>} : memref<8192xf32, #tpu.memory_space<vmem>>, vector<16xf32>,
    }
    %scan3A_120 = arith.constant 64 : i32
    %mul3A_121 = arith.constant 8192 : i32
    %mul3A_122 = arith.muli %select_n3A, %mul3A_121 : i32
    %mul3A_123 = arith.constant 3 : i32
    %mul3A_124 = arith.muli %mul3A_122, %mul3A_123 : i32
    %add3A_125 = arith.constant 21504 : i32
    %add3A_126 = arith.addi %mul3A_124, %add3A_125 : i32
    "tpu.region"() ({
      %run_scoped3A = tpu.sem_alloc : memref<!tpu.dma_semaphore, #tpu.memory_space<semaphore_mem>>
      %dma_start3A = tpu.memref_slice %arg2[%add3A_126] : memref<196608xf32, #tpu.memory_space<hbm>> -> memref<3072xf32, #tpu.memory_space<hbm>>
      %dma_start3A_163 = tpu.memref_slice %arg2[%add3A_126] : memref<196608xf32, #tpu.memory_space<hbm>> -> memref<3072xf32, #tpu.memory_space<hbm>>
      tpu.enqueue_dma source(%dma_start3A_163 : memref<3072xf32, #tpu.memory_space<hbm>>) target(%arg22 : memref<3072xf32, #tpu.memory_space<vmem>>) target_semaphore(%run_scoped3A : memref<!tpu.dma_semaphore, #tpu.memory_space<semaphore_mem>>)
      %dma_wait3A = tpu.memref_slice %arg2[%add3A_126] : memref<196608xf32, #tpu.memory_space<hbm>> -> memref<3072xf32, #tpu.memory_space<hbm>>
      %dma_wait3A_164 = tpu.memref_slice %arg2[%add3A_126] : memref<196608xf32, #tpu.memory_space<hbm>> -> memref<3072xf32, #tpu.memory_space<hbm>>
      tpu.wait_dma2 semaphore(%run_scoped3A : memref<!tpu.dma_semaphore, #tpu.memory_space<semaphore_mem>>) src(%dma_wait3A_164 : memref<3072xf32, #tpu.memory_space<hbm>>) dst(%arg22 : memref<3072xf32, #tpu.memory_space<vmem>>)
      tpu.yield
    }) : () -> ()
    %scan3A_127 = arith.constant 0 : i32
    %scan3A_128 = arith.constant 0 : i32
    %scan3A_129 = arith.constant 64 : i32
    %scan3A_130 = arith.addi %scan3A_128, %scan3A_129 : i32
    %scan3A_131 = arith.constant 4 : i32
    scf.for %scan3A_163 = %scan3A_128 to %scan3A_130 step %scan3A_131  : i32 {
      %mul3A_164 = arith.constant 16 : i32
      %mul3A_165 = arith.muli %scan3A_163, %mul3A_164 : i32
      %mul3A_166 = arith.constant 3 : i32
      %mul3A_167 = arith.muli %mul3A_165, %mul3A_166 : i32
      %mul3A_168 = arith.constant 3 : i32
      %mul3A_169 = vector.broadcast %mul3A_168 : i32 to vector<16xi32>
      %mul3A_170 = arith.muli %iota3A, %mul3A_169 : vector<16xi32>
      %add3A_171 = vector.broadcast %mul3A_167 : i32 to vector<16xi32>
      %add3A_172 = arith.addi %add3A_171, %mul3A_170 : vector<16xi32>
      %add3A_173 = arith.constant 7168 : i32
      %add3A_174 = arith.addi %add3A_173, %mul3A_165 : i32
      %gather3A = tpu.vector_load_idx %arg22[%add3A_172] : memref<3072xf32, #tpu.memory_space<vmem>>[vector<16xi32>], vector<16xf32>,
      %swap3A = arith.index_cast %add3A_174 : i32 to index
      %swap3A_175 = tpu.vector_load %arg8[%swap3A] {strides = array<i32>} : memref<8192xf32, #tpu.memory_space<vmem>>, vector<16xf32>,
      tpu.vector_store %arg8[%swap3A], %gather3A {strides = array<i32>} : memref<8192xf32, #tpu.memory_space<vmem>>, vector<16xf32>,
      %add3A_176 = arith.constant 1 : i32
      %add3A_177 = vector.broadcast %add3A_176 : i32 to vector<16xi32>
      %add3A_178 = arith.addi %add3A_172, %add3A_177 : vector<16xi32>
      %gather3A_179 = tpu.vector_load_idx %arg22[%add3A_178] : memref<3072xf32, #tpu.memory_space<vmem>>[vector<16xi32>], vector<16xf32>,
      %swap3A_180 = arith.index_cast %add3A_174 : i32 to index
      %swap3A_181 = tpu.vector_load %arg9[%swap3A_180] {strides = array<i32>} : memref<8192xf32, #tpu.memory_space<vmem>>, vector<16xf32>,
      tpu.vector_store %arg9[%swap3A_180], %gather3A_179 {strides = array<i32>} : memref<8192xf32, #tpu.memory_space<vmem>>, vector<16xf32>,
      %add3A_182 = arith.constant 2 : i32
      %add3A_183 = vector.broadcast %add3A_182 : i32 to vector<16xi32>
      %add3A_184 = arith.addi %add3A_172, %add3A_183 : vector<16xi32>
      %gather3A_185 = tpu.vector_load_idx %arg22[%add3A_184] : memref<3072xf32, #tpu.memory_space<vmem>>[vector<16xi32>], vector<16xf32>,
      %swap3A_186 = arith.index_cast %add3A_174 : i32 to index
      %swap3A_187 = tpu.vector_load %arg10[%swap3A_186] {strides = array<i32>} : memref<8192xf32, #tpu.memory_space<vmem>>, vector<16xf32>,
      tpu.vector_store %arg10[%swap3A_186], %gather3A_185 {strides = array<i32>} : memref<8192xf32, #tpu.memory_space<vmem>>, vector<16xf32>,
      %scan3A_188 = arith.constant 1 : i32
      %scan3A_189 = arith.addi %scan3A_163, %scan3A_188 : i32
      %mul3A_190 = arith.constant 16 : i32
      %mul3A_191 = arith.muli %scan3A_189, %mul3A_190 : i32
      %mul3A_192 = arith.constant 3 : i32
      %mul3A_193 = arith.muli %mul3A_191, %mul3A_192 : i32
      %mul3A_194 = arith.constant 3 : i32
      %mul3A_195 = vector.broadcast %mul3A_194 : i32 to vector<16xi32>
      %mul3A_196 = arith.muli %iota3A, %mul3A_195 : vector<16xi32>
      %add3A_197 = vector.broadcast %mul3A_193 : i32 to vector<16xi32>
      %add3A_198 = arith.addi %add3A_197, %mul3A_196 : vector<16xi32>
      %add3A_199 = arith.constant 7168 : i32
      %add3A_200 = arith.addi %add3A_199, %mul3A_191 : i32
      %gather3A_201 = tpu.vector_load_idx %arg22[%add3A_198] : memref<3072xf32, #tpu.memory_space<vmem>>[vector<16xi32>], vector<16xf32>,
      %swap3A_202 = arith.index_cast %add3A_200 : i32 to index
      %swap3A_203 = tpu.vector_load %arg8[%swap3A_202] {strides = array<i32>} : memref<8192xf32, #tpu.memory_space<vmem>>, vector<16xf32>,
      tpu.vector_store %arg8[%swap3A_202], %gather3A_201 {strides = array<i32>} : memref<8192xf32, #tpu.memory_space<vmem>>, vector<16xf32>,
      %add3A_204 = arith.constant 1 : i32
      %add3A_205 = vector.broadcast %add3A_204 : i32 to vector<16xi32>
      %add3A_206 = arith.addi %add3A_198, %add3A_205 : vector<16xi32>
      %gather3A_207 = tpu.vector_load_idx %arg22[%add3A_206] : memref<3072xf32, #tpu.memory_space<vmem>>[vector<16xi32>], vector<16xf32>,
      %swap3A_208 = arith.index_cast %add3A_200 : i32 to index
      %swap3A_209 = tpu.vector_load %arg9[%swap3A_208] {strides = array<i32>} : memref<8192xf32, #tpu.memory_space<vmem>>, vector<16xf32>,
      tpu.vector_store %arg9[%swap3A_208], %gather3A_207 {strides = array<i32>} : memref<8192xf32, #tpu.memory_space<vmem>>, vector<16xf32>,
      %add3A_210 = arith.constant 2 : i32
      %add3A_211 = vector.broadcast %add3A_210 : i32 to vector<16xi32>
      %add3A_212 = arith.addi %add3A_198, %add3A_211 : vector<16xi32>
      %gather3A_213 = tpu.vector_load_idx %arg22[%add3A_212] : memref<3072xf32, #tpu.memory_space<vmem>>[vector<16xi32>], vector<16xf32>,
      %swap3A_214 = arith.index_cast %add3A_200 : i32 to index
      %swap3A_215 = tpu.vector_load %arg10[%swap3A_214] {strides = array<i32>} : memref<8192xf32, #tpu.memory_space<vmem>>, vector<16xf32>,
      tpu.vector_store %arg10[%swap3A_214], %gather3A_213 {strides = array<i32>} : memref<8192xf32, #tpu.memory_space<vmem>>, vector<16xf32>,
      %scan3A_216 = arith.constant 2 : i32
      %scan3A_217 = arith.addi %scan3A_163, %scan3A_216 : i32
      %mul3A_218 = arith.constant 16 : i32
      %mul3A_219 = arith.muli %scan3A_217, %mul3A_218 : i32
      %mul3A_220 = arith.constant 3 : i32
      %mul3A_221 = arith.muli %mul3A_219, %mul3A_220 : i32
      %mul3A_222 = arith.constant 3 : i32
      %mul3A_223 = vector.broadcast %mul3A_222 : i32 to vector<16xi32>
      %mul3A_224 = arith.muli %iota3A, %mul3A_223 : vector<16xi32>
      %add3A_225 = vector.broadcast %mul3A_221 : i32 to vector<16xi32>
      %add3A_226 = arith.addi %add3A_225, %mul3A_224 : vector<16xi32>
      %add3A_227 = arith.constant 7168 : i32
      %add3A_228 = arith.addi %add3A_227, %mul3A_219 : i32
      %gather3A_229 = tpu.vector_load_idx %arg22[%add3A_226] : memref<3072xf32, #tpu.memory_space<vmem>>[vector<16xi32>], vector<16xf32>,
      %swap3A_230 = arith.index_cast %add3A_228 : i32 to index
      %swap3A_231 = tpu.vector_load %arg8[%swap3A_230] {strides = array<i32>} : memref<8192xf32, #tpu.memory_space<vmem>>, vector<16xf32>,
      tpu.vector_store %arg8[%swap3A_230], %gather3A_229 {strides = array<i32>} : memref<8192xf32, #tpu.memory_space<vmem>>, vector<16xf32>,
      %add3A_232 = arith.constant 1 : i32
      %add3A_233 = vector.broadcast %add3A_232 : i32 to vector<16xi32>
      %add3A_234 = arith.addi %add3A_226, %add3A_233 : vector<16xi32>
      %gather3A_235 = tpu.vector_load_idx %arg22[%add3A_234] : memref<3072xf32, #tpu.memory_space<vmem>>[vector<16xi32>], vector<16xf32>,
      %swap3A_236 = arith.index_cast %add3A_228 : i32 to index
      %swap3A_237 = tpu.vector_load %arg9[%swap3A_236] {strides = array<i32>} : memref<8192xf32, #tpu.memory_space<vmem>>, vector<16xf32>,
      tpu.vector_store %arg9[%swap3A_236], %gather3A_235 {strides = array<i32>} : memref<8192xf32, #tpu.memory_space<vmem>>, vector<16xf32>,
      %add3A_238 = arith.constant 2 : i32
      %add3A_239 = vector.broadcast %add3A_238 : i32 to vector<16xi32>
      %add3A_240 = arith.addi %add3A_226, %add3A_239 : vector<16xi32>
      %gather3A_241 = tpu.vector_load_idx %arg22[%add3A_240] : memref<3072xf32, #tpu.memory_space<vmem>>[vector<16xi32>], vector<16xf32>,
      %swap3A_242 = arith.index_cast %add3A_228 : i32 to index
      %swap3A_243 = tpu.vector_load %arg10[%swap3A_242] {strides = array<i32>} : memref<8192xf32, #tpu.memory_space<vmem>>, vector<16xf32>,
      tpu.vector_store %arg10[%swap3A_242], %gather3A_241 {strides = array<i32>} : memref<8192xf32, #tpu.memory_space<vmem>>, vector<16xf32>,
      %scan3A_244 = arith.constant 3 : i32
      %scan3A_245 = arith.addi %scan3A_163, %scan3A_244 : i32
      %mul3A_246 = arith.constant 16 : i32
      %mul3A_247 = arith.muli %scan3A_245, %mul3A_246 : i32
      %mul3A_248 = arith.constant 3 : i32
      %mul3A_249 = arith.muli %mul3A_247, %mul3A_248 : i32
      %mul3A_250 = arith.constant 3 : i32
      %mul3A_251 = vector.broadcast %mul3A_250 : i32 to vector<16xi32>
      %mul3A_252 = arith.muli %iota3A, %mul3A_251 : vector<16xi32>
      %add3A_253 = vector.broadcast %mul3A_249 : i32 to vector<16xi32>
      %add3A_254 = arith.addi %add3A_253, %mul3A_252 : vector<16xi32>
      %add3A_255 = arith.constant 7168 : i32
      %add3A_256 = arith.addi %add3A_255, %mul3A_247 : i32
      %gather3A_257 = tpu.vector_load_idx %arg22[%add3A_254] : memref<3072xf32, #tpu.memory_space<vmem>>[vector<16xi32>], vector<16xf32>,
      %swap3A_258 = arith.index_cast %add3A_256 : i32 to index
      %swap3A_259 = tpu.vector_load %arg8[%swap3A_258] {strides = array<i32>} : memref<8192xf32, #tpu.memory_space<vmem>>, vector<16xf32>,
      tpu.vector_store %arg8[%swap3A_258], %gather3A_257 {strides = array<i32>} : memref<8192xf32, #tpu.memory_space<vmem>>, vector<16xf32>,
      %add3A_260 = arith.constant 1 : i32
      %add3A_261 = vector.broadcast %add3A_260 : i32 to vector<16xi32>
      %add3A_262 = arith.addi %add3A_254, %add3A_261 : vector<16xi32>
      %gather3A_263 = tpu.vector_load_idx %arg22[%add3A_262] : memref<3072xf32, #tpu.memory_space<vmem>>[vector<16xi32>], vector<16xf32>,
      %swap3A_264 = arith.index_cast %add3A_256 : i32 to index
      %swap3A_265 = tpu.vector_load %arg9[%swap3A_264] {strides = array<i32>} : memref<8192xf32, #tpu.memory_space<vmem>>, vector<16xf32>,
      tpu.vector_store %arg9[%swap3A_264], %gather3A_263 {strides = array<i32>} : memref<8192xf32, #tpu.memory_space<vmem>>, vector<16xf32>,
      %add3A_266 = arith.constant 2 : i32
      %add3A_267 = vector.broadcast %add3A_266 : i32 to vector<16xi32>
      %add3A_268 = arith.addi %add3A_254, %add3A_267 : vector<16xi32>
      %gather3A_269 = tpu.vector_load_idx %arg22[%add3A_268] : memref<3072xf32, #tpu.memory_space<vmem>>[vector<16xi32>], vector<16xf32>,
      %swap3A_270 = arith.index_cast %add3A_256 : i32 to index
      %swap3A_271 = tpu.vector_load %arg10[%swap3A_270] {strides = array<i32>} : memref<8192xf32, #tpu.memory_space<vmem>>, vector<16xf32>,
      tpu.vector_store %arg10[%swap3A_270], %gather3A_269 {strides = array<i32>} : memref<8192xf32, #tpu.memory_space<vmem>>, vector<16xf32>,
    }
    %scan3A_132 = arith.constant 64 : i32
    %mul3A_133 = arith.constant 1024 : i32
    %mul3A_134 = arith.muli %select_n3A, %mul3A_133 : i32
    %add3A_135 = arith.addi %mul3A_134, %mul3A_32 : i32
    %mul3A_136 = arith.constant 3 : i32
    %mul3A_137 = arith.muli %add3A_135, %mul3A_136 : i32
    "tpu.region"() ({
      %run_scoped3A = tpu.sem_alloc : memref<!tpu.dma_semaphore, #tpu.memory_space<semaphore_mem>>
      %dma_start3A = arith.constant 0 : i32
      %dma_start3A_163 = tpu.memref_slice %arg22[%dma_start3A] : memref<3072xf32, #tpu.memory_space<vmem>> -> memref<768xf32, #tpu.memory_space<vmem>>
      %dma_start3A_164 = tpu.memref_slice %arg3[%mul3A_137] : memref<24576xf32, #tpu.memory_space<hbm>> -> memref<768xf32, #tpu.memory_space<hbm>>
      %dma_start3A_165 = arith.constant 0 : i32
      %dma_start3A_166 = tpu.memref_slice %arg22[%dma_start3A_165] : memref<3072xf32, #tpu.memory_space<vmem>> -> memref<768xf32, #tpu.memory_space<vmem>>
      %dma_start3A_167 = tpu.memref_slice %arg3[%mul3A_137] : memref<24576xf32, #tpu.memory_space<hbm>> -> memref<768xf32, #tpu.memory_space<hbm>>
      tpu.enqueue_dma source(%dma_start3A_167 : memref<768xf32, #tpu.memory_space<hbm>>) target(%dma_start3A_166 : memref<768xf32, #tpu.memory_space<vmem>>) target_semaphore(%run_scoped3A : memref<!tpu.dma_semaphore, #tpu.memory_space<semaphore_mem>>)
      %dma_wait3A = arith.constant 0 : i32
      %dma_wait3A_168 = tpu.memref_slice %arg22[%dma_wait3A] : memref<3072xf32, #tpu.memory_space<vmem>> -> memref<768xf32, #tpu.memory_space<vmem>>
      %dma_wait3A_169 = tpu.memref_slice %arg3[%mul3A_137] : memref<24576xf32, #tpu.memory_space<hbm>> -> memref<768xf32, #tpu.memory_space<hbm>>
      %dma_wait3A_170 = arith.constant 0 : i32
      %dma_wait3A_171 = tpu.memref_slice %arg22[%dma_wait3A_170] : memref<3072xf32, #tpu.memory_space<vmem>> -> memref<768xf32, #tpu.memory_space<vmem>>
      %dma_wait3A_172 = tpu.memref_slice %arg3[%mul3A_137] : memref<24576xf32, #tpu.memory_space<hbm>> -> memref<768xf32, #tpu.memory_space<hbm>>
      tpu.wait_dma2 semaphore(%run_scoped3A : memref<!tpu.dma_semaphore, #tpu.memory_space<semaphore_mem>>) src(%dma_wait3A_172 : memref<768xf32, #tpu.memory_space<hbm>>) dst(%dma_wait3A_171 : memref<768xf32, #tpu.memory_space<vmem>>)
      tpu.yield
    }) : () -> ()
    %scan3A_138 = arith.constant 0 : i32
    %scan3A_139 = arith.constant 0 : i32
    %scan3A_140 = arith.constant 16 : i32
    %scan3A_141 = arith.addi %scan3A_139, %scan3A_140 : i32
    %scan3A_142 = arith.constant 1 : i32
    scf.for %scan3A_163 = %scan3A_139 to %scan3A_141 step %scan3A_142  : i32 {
      %mul3A_164 = arith.constant 16 : i32
      %mul3A_165 = arith.muli %scan3A_163, %mul3A_164 : i32
      %mul3A_166 = arith.constant 3 : i32
      %mul3A_167 = arith.muli %mul3A_165, %mul3A_166 : i32
      %mul3A_168 = arith.constant 3 : i32
      %mul3A_169 = vector.broadcast %mul3A_168 : i32 to vector<16xi32>
      %mul3A_170 = arith.muli %iota3A, %mul3A_169 : vector<16xi32>
      %add3A_171 = vector.broadcast %mul3A_167 : i32 to vector<16xi32>
      %add3A_172 = arith.addi %add3A_171, %mul3A_170 : vector<16xi32>
      %gather3A = tpu.vector_load_idx %arg22[%add3A_172] : memref<3072xf32, #tpu.memory_space<vmem>>[vector<16xi32>], vector<16xf32>,
      %swap3A = arith.index_cast %mul3A_165 : i32 to index
      %swap3A_173 = tpu.vector_load %arg11[%swap3A] {strides = array<i32>} : memref<256xf32, #tpu.memory_space<vmem>>, vector<16xf32>,
      tpu.vector_store %arg11[%swap3A], %gather3A {strides = array<i32>} : memref<256xf32, #tpu.memory_space<vmem>>, vector<16xf32>,
      %add3A_174 = arith.constant 1 : i32
      %add3A_175 = vector.broadcast %add3A_174 : i32 to vector<16xi32>
      %add3A_176 = arith.addi %add3A_172, %add3A_175 : vector<16xi32>
      %gather3A_177 = tpu.vector_load_idx %arg22[%add3A_176] : memref<3072xf32, #tpu.memory_space<vmem>>[vector<16xi32>], vector<16xf32>,
      %swap3A_178 = arith.index_cast %mul3A_165 : i32 to index
      %swap3A_179 = tpu.vector_load %arg12[%swap3A_178] {strides = array<i32>} : memref<256xf32, #tpu.memory_space<vmem>>, vector<16xf32>,
      tpu.vector_store %arg12[%swap3A_178], %gather3A_177 {strides = array<i32>} : memref<256xf32, #tpu.memory_space<vmem>>, vector<16xf32>,
      %add3A_180 = arith.constant 2 : i32
      %add3A_181 = vector.broadcast %add3A_180 : i32 to vector<16xi32>
      %add3A_182 = arith.addi %add3A_172, %add3A_181 : vector<16xi32>
      %gather3A_183 = tpu.vector_load_idx %arg22[%add3A_182] : memref<3072xf32, #tpu.memory_space<vmem>>[vector<16xi32>], vector<16xf32>,
      %swap3A_184 = arith.index_cast %mul3A_165 : i32 to index
      %swap3A_185 = tpu.vector_load %arg13[%swap3A_184] {strides = array<i32>} : memref<256xf32, #tpu.memory_space<vmem>>, vector<16xf32>,
      tpu.vector_store %arg13[%swap3A_184], %gather3A_183 {strides = array<i32>} : memref<256xf32, #tpu.memory_space<vmem>>, vector<16xf32>,
    }
    %scan3A_143 = arith.constant 16 : i32
    %scan3A_144 = arith.constant 0 : i32
    %scan3A_145 = arith.constant 0 : i32
    %scan3A_146 = arith.constant 256 : i32
    %scan3A_147 = arith.addi %scan3A_145, %scan3A_146 : i32
    %scan3A_148 = arith.constant 1 : i32
    scf.for %scan3A_163 = %scan3A_145 to %scan3A_147 step %scan3A_148  : i32 {
      %broadcast_in_dim3A = arith.constant 0 : i32
      %broadcast_in_dim3A_164 = vector.broadcast %broadcast_in_dim3A : i32 to vector<16xi32>
      %add3A_165 = vector.broadcast %scan3A_163 : i32 to vector<16xi32>
      %add3A_166 = arith.addi %broadcast_in_dim3A_164, %add3A_165 : vector<16xi32>
      %gather3A = tpu.vector_load_idx %arg14[%add3A_166] : memref<256xi32, #tpu.memory_space<vmem>>[vector<16xi32>], vector<16xi32>,
      %gather3A_167 = tpu.vector_load_idx %arg11[%add3A_166] : memref<256xf32, #tpu.memory_space<vmem>>[vector<16xi32>], vector<16xf32>,
      %gather3A_168 = tpu.vector_load_idx %arg12[%add3A_166] : memref<256xf32, #tpu.memory_space<vmem>>[vector<16xi32>], vector<16xf32>,
      %gather3A_169 = tpu.vector_load_idx %arg13[%add3A_166] : memref<256xf32, #tpu.memory_space<vmem>>[vector<16xi32>], vector<16xf32>,
      %while3A = arith.constant 0 : i32
      %while3A_170 = arith.constant 0 : i32
      %while3A_171:2 = scf.while (%while3A_237 = %while3A, %while3A_238 = %while3A_170) : (i32, i32) -> (i32, i32) {
        %lt3A_239 = arith.constant 64 : i32
        %lt3A_240 = arith.cmpi slt, %while3A_237, %lt3A_239 : i32
        %lt3A_241 = arith.constant 32 : i32
        %lt3A_242 = arith.cmpi slt, %while3A_238, %lt3A_241 : i32
        %and3A_243 = arith.andi %lt3A_240, %lt3A_242 : i1
        scf.condition(%and3A_243) %while3A_237, %while3A_238 : i32, i32
      } do {
      ^bb0(%while3A_237: i32, %while3A_238: i32):
        %mul3A_239 = arith.constant 8 : i32
        %mul3A_240 = arith.muli %while3A_237, %mul3A_239 : i32
        %add3A_241 = arith.constant 0 : i32
        %add3A_242 = arith.addi %mul3A_240, %add3A_241 : i32
        %mul3A_243 = arith.constant 16 : i32
        %mul3A_244 = arith.muli %add3A_242, %mul3A_243 : i32
        %get3A_245 = arith.index_cast %mul3A_244 : i32 to index
        %get3A_246 = tpu.vector_load %arg8[%get3A_245] {strides = array<i32>} : memref<8192xf32, #tpu.memory_space<vmem>>, vector<16xf32>,
        %sub3A_247 = arith.subf %get3A_246, %gather3A_167 : vector<16xf32>
        %get3A_248 = arith.index_cast %mul3A_244 : i32 to index
        %get3A_249 = tpu.vector_load %arg9[%get3A_248] {strides = array<i32>} : memref<8192xf32, #tpu.memory_space<vmem>>, vector<16xf32>,
        %sub3A_250 = arith.subf %get3A_249, %gather3A_168 : vector<16xf32>
        %get3A_251 = arith.index_cast %mul3A_244 : i32 to index
        %get3A_252 = tpu.vector_load %arg10[%get3A_251] {strides = array<i32>} : memref<8192xf32, #tpu.memory_space<vmem>>, vector<16xf32>,
        %sub3A_253 = arith.subf %get3A_252, %gather3A_169 : vector<16xf32>
        %mul3A_254 = arith.mulf %sub3A_247, %sub3A_247 : vector<16xf32>
        %mul3A_255 = arith.mulf %sub3A_250, %sub3A_250 : vector<16xf32>
        %add3A_256 = arith.addf %mul3A_254, %mul3A_255 : vector<16xf32>
        %mul3A_257 = arith.mulf %sub3A_253, %sub3A_253 : vector<16xf32>
        %add3A_258 = arith.addf %add3A_256, %mul3A_257 : vector<16xf32>
        %add3A_259 = vector.broadcast %mul3A_244 : i32 to vector<16xi32>
        %add3A_260 = arith.addi %add3A_259, %iota3A : vector<16xi32>
        %lt3A_261 = arith.constant 1.600000e-01 : f32
        %lt3A_262 = vector.broadcast %lt3A_261 : f32 to vector<16xf32>
        %lt3A_263 = arith.cmpf olt, %add3A_258, %lt3A_262 : vector<16xf32>
        %ne3A_264 = arith.cmpi ne, %add3A_260, %gather3A : vector<16xi32>
        %and3A_265 = arith.andi %lt3A_263, %ne3A_264 : vector<16xi1>
        %swap3A = arith.index_cast %while3A_238 : i32 to index
        %swap3A_266 = tpu.vector_load %arg15[%swap3A] masked %and3A_265 {strides = array<i32>} : memref<192xi32, #tpu.memory_space<vmem>>, vector<16xi32>, vector<16xi1>
        tpu.vector_store %arg15[%swap3A], %add3A_260 masked %and3A_265 {strides = array<i32>} : memref<192xi32, #tpu.memory_space<vmem>>, vector<16xi32>, vector<16xi1>
        %all_reduce_population_count3A = tpu.all_reduce %and3A_265 {dim = 0 : i64, kind = #tpu.reduction_kind<sum>} : vector<16xi1> -> vector<16xi32>
        %slice3A_267 = vector.extract_strided_slice %all_reduce_population_count3A {offsets = [0], sizes = [1], strides = [1]} : vector<16xi32> to vector<1xi32>
        %squeeze3A_268 = vector.extract %slice3A_267[0] : i32 from vector<1xi32>
        %add3A_269 = arith.addi %while3A_238, %squeeze3A_268 : i32
        %mul3A_270 = arith.constant 8 : i32
        %mul3A_271 = arith.muli %while3A_237, %mul3A_270 : i32
        %add3A_272 = arith.constant 1 : i32
        %add3A_273 = arith.addi %mul3A_271, %add3A_272 : i32
        %mul3A_274 = arith.constant 16 : i32
        %mul3A_275 = arith.muli %add3A_273, %mul3A_274 : i32
        %get3A_276 = arith.index_cast %mul3A_275 : i32 to index
        %get3A_277 = tpu.vector_load %arg8[%get3A_276] {strides = array<i32>} : memref<8192xf32, #tpu.memory_space<vmem>>, vector<16xf32>,
        %sub3A_278 = arith.subf %get3A_277, %gather3A_167 : vector<16xf32>
        %get3A_279 = arith.index_cast %mul3A_275 : i32 to index
        %get3A_280 = tpu.vector_load %arg9[%get3A_279] {strides = array<i32>} : memref<8192xf32, #tpu.memory_space<vmem>>, vector<16xf32>,
        %sub3A_281 = arith.subf %get3A_280, %gather3A_168 : vector<16xf32>
        %get3A_282 = arith.index_cast %mul3A_275 : i32 to index
        %get3A_283 = tpu.vector_load %arg10[%get3A_282] {strides = array<i32>} : memref<8192xf32, #tpu.memory_space<vmem>>, vector<16xf32>,
        %sub3A_284 = arith.subf %get3A_283, %gather3A_169 : vector<16xf32>
        %mul3A_285 = arith.mulf %sub3A_278, %sub3A_278 : vector<16xf32>
        %mul3A_286 = arith.mulf %sub3A_281, %sub3A_281 : vector<16xf32>
        %add3A_287 = arith.addf %mul3A_285, %mul3A_286 : vector<16xf32>
        %mul3A_288 = arith.mulf %sub3A_284, %sub3A_284 : vector<16xf32>
        %add3A_289 = arith.addf %add3A_287, %mul3A_288 : vector<16xf32>
        %add3A_290 = vector.broadcast %mul3A_275 : i32 to vector<16xi32>
        %add3A_291 = arith.addi %add3A_290, %iota3A : vector<16xi32>
        %lt3A_292 = arith.constant 1.600000e-01 : f32
        %lt3A_293 = vector.broadcast %lt3A_292 : f32 to vector<16xf32>
        %lt3A_294 = arith.cmpf olt, %add3A_289, %lt3A_293 : vector<16xf32>
        %ne3A_295 = arith.cmpi ne, %add3A_291, %gather3A : vector<16xi32>
        %and3A_296 = arith.andi %lt3A_294, %ne3A_295 : vector<16xi1>
        %swap3A_297 = arith.index_cast %add3A_269 : i32 to index
        %swap3A_298 = tpu.vector_load %arg15[%swap3A_297] masked %and3A_296 {strides = array<i32>} : memref<192xi32, #tpu.memory_space<vmem>>, vector<16xi32>, vector<16xi1>
        tpu.vector_store %arg15[%swap3A_297], %add3A_291 masked %and3A_296 {strides = array<i32>} : memref<192xi32, #tpu.memory_space<vmem>>, vector<16xi32>, vector<16xi1>
        %all_reduce_population_count3A_299 = tpu.all_reduce %and3A_296 {dim = 0 : i64, kind = #tpu.reduction_kind<sum>} : vector<16xi1> -> vector<16xi32>
        %slice3A_300 = vector.extract_strided_slice %all_reduce_population_count3A_299 {offsets = [0], sizes = [1], strides = [1]} : vector<16xi32> to vector<1xi32>
        %squeeze3A_301 = vector.extract %slice3A_300[0] : i32 from vector<1xi32>
        %add3A_302 = arith.addi %add3A_269, %squeeze3A_301 : i32
        %mul3A_303 = arith.constant 8 : i32
        %mul3A_304 = arith.muli %while3A_237, %mul3A_303 : i32
        %add3A_305 = arith.constant 2 : i32
        %add3A_306 = arith.addi %mul3A_304, %add3A_305 : i32
        %mul3A_307 = arith.constant 16 : i32
        %mul3A_308 = arith.muli %add3A_306, %mul3A_307 : i32
        %get3A_309 = arith.index_cast %mul3A_308 : i32 to index
        %get3A_310 = tpu.vector_load %arg8[%get3A_309] {strides = array<i32>} : memref<8192xf32, #tpu.memory_space<vmem>>, vector<16xf32>,
        %sub3A_311 = arith.subf %get3A_310, %gather3A_167 : vector<16xf32>
        %get3A_312 = arith.index_cast %mul3A_308 : i32 to index
        %get3A_313 = tpu.vector_load %arg9[%get3A_312] {strides = array<i32>} : memref<8192xf32, #tpu.memory_space<vmem>>, vector<16xf32>,
        %sub3A_314 = arith.subf %get3A_313, %gather3A_168 : vector<16xf32>
        %get3A_315 = arith.index_cast %mul3A_308 : i32 to index
        %get3A_316 = tpu.vector_load %arg10[%get3A_315] {strides = array<i32>} : memref<8192xf32, #tpu.memory_space<vmem>>, vector<16xf32>,
        %sub3A_317 = arith.subf %get3A_316, %gather3A_169 : vector<16xf32>
        %mul3A_318 = arith.mulf %sub3A_311, %sub3A_311 : vector<16xf32>
        %mul3A_319 = arith.mulf %sub3A_314, %sub3A_314 : vector<16xf32>
        %add3A_320 = arith.addf %mul3A_318, %mul3A_319 : vector<16xf32>
        %mul3A_321 = arith.mulf %sub3A_317, %sub3A_317 : vector<16xf32>
        %add3A_322 = arith.addf %add3A_320, %mul3A_321 : vector<16xf32>
        %add3A_323 = vector.broadcast %mul3A_308 : i32 to vector<16xi32>
        %add3A_324 = arith.addi %add3A_323, %iota3A : vector<16xi32>
        %lt3A_325 = arith.constant 1.600000e-01 : f32
        %lt3A_326 = vector.broadcast %lt3A_325 : f32 to vector<16xf32>
        %lt3A_327 = arith.cmpf olt, %add3A_322, %lt3A_326 : vector<16xf32>
        %ne3A_328 = arith.cmpi ne, %add3A_324, %gather3A : vector<16xi32>
        %and3A_329 = arith.andi %lt3A_327, %ne3A_328 : vector<16xi1>
        %swap3A_330 = arith.index_cast %add3A_302 : i32 to index
        %swap3A_331 = tpu.vector_load %arg15[%swap3A_330] masked %and3A_329 {strides = array<i32>} : memref<192xi32, #tpu.memory_space<vmem>>, vector<16xi32>, vector<16xi1>
        tpu.vector_store %arg15[%swap3A_330], %add3A_324 masked %and3A_329 {strides = array<i32>} : memref<192xi32, #tpu.memory_space<vmem>>, vector<16xi32>, vector<16xi1>
        %all_reduce_population_count3A_332 = tpu.all_reduce %and3A_329 {dim = 0 : i64, kind = #tpu.reduction_kind<sum>} : vector<16xi1> -> vector<16xi32>
        %slice3A_333 = vector.extract_strided_slice %all_reduce_population_count3A_332 {offsets = [0], sizes = [1], strides = [1]} : vector<16xi32> to vector<1xi32>
        %squeeze3A_334 = vector.extract %slice3A_333[0] : i32 from vector<1xi32>
        %add3A_335 = arith.addi %add3A_302, %squeeze3A_334 : i32
        %mul3A_336 = arith.constant 8 : i32
        %mul3A_337 = arith.muli %while3A_237, %mul3A_336 : i32
        %add3A_338 = arith.constant 3 : i32
        %add3A_339 = arith.addi %mul3A_337, %add3A_338 : i32
        %mul3A_340 = arith.constant 16 : i32
        %mul3A_341 = arith.muli %add3A_339, %mul3A_340 : i32
        %get3A_342 = arith.index_cast %mul3A_341 : i32 to index
        %get3A_343 = tpu.vector_load %arg8[%get3A_342] {strides = array<i32>} : memref<8192xf32, #tpu.memory_space<vmem>>, vector<16xf32>,
        %sub3A_344 = arith.subf %get3A_343, %gather3A_167 : vector<16xf32>
        %get3A_345 = arith.index_cast %mul3A_341 : i32 to index
        %get3A_346 = tpu.vector_load %arg9[%get3A_345] {strides = array<i32>} : memref<8192xf32, #tpu.memory_space<vmem>>, vector<16xf32>,
        %sub3A_347 = arith.subf %get3A_346, %gather3A_168 : vector<16xf32>
        %get3A_348 = arith.index_cast %mul3A_341 : i32 to index
        %get3A_349 = tpu.vector_load %arg10[%get3A_348] {strides = array<i32>} : memref<8192xf32, #tpu.memory_space<vmem>>, vector<16xf32>,
        %sub3A_350 = arith.subf %get3A_349, %gather3A_169 : vector<16xf32>
        %mul3A_351 = arith.mulf %sub3A_344, %sub3A_344 : vector<16xf32>
        %mul3A_352 = arith.mulf %sub3A_347, %sub3A_347 : vector<16xf32>
        %add3A_353 = arith.addf %mul3A_351, %mul3A_352 : vector<16xf32>
        %mul3A_354 = arith.mulf %sub3A_350, %sub3A_350 : vector<16xf32>
        %add3A_355 = arith.addf %add3A_353, %mul3A_354 : vector<16xf32>
        %add3A_356 = vector.broadcast %mul3A_341 : i32 to vector<16xi32>
        %add3A_357 = arith.addi %add3A_356, %iota3A : vector<16xi32>
        %lt3A_358 = arith.constant 1.600000e-01 : f32
        %lt3A_359 = vector.broadcast %lt3A_358 : f32 to vector<16xf32>
        %lt3A_360 = arith.cmpf olt, %add3A_355, %lt3A_359 : vector<16xf32>
        %ne3A_361 = arith.cmpi ne, %add3A_357, %gather3A : vector<16xi32>
        %and3A_362 = arith.andi %lt3A_360, %ne3A_361 : vector<16xi1>
        %swap3A_363 = arith.index_cast %add3A_335 : i32 to index
        %swap3A_364 = tpu.vector_load %arg15[%swap3A_363] masked %and3A_362 {strides = array<i32>} : memref<192xi32, #tpu.memory_space<vmem>>, vector<16xi32>, vector<16xi1>
        tpu.vector_store %arg15[%swap3A_363], %add3A_357 masked %and3A_362 {strides = array<i32>} : memref<192xi32, #tpu.memory_space<vmem>>, vector<16xi32>, vector<16xi1>
        %all_reduce_population_count3A_365 = tpu.all_reduce %and3A_362 {dim = 0 : i64, kind = #tpu.reduction_kind<sum>} : vector<16xi1> -> vector<16xi32>
        %slice3A_366 = vector.extract_strided_slice %all_reduce_population_count3A_365 {offsets = [0], sizes = [1], strides = [1]} : vector<16xi32> to vector<1xi32>
        %squeeze3A_367 = vector.extract %slice3A_366[0] : i32 from vector<1xi32>
        %add3A_368 = arith.addi %add3A_335, %squeeze3A_367 : i32
        %mul3A_369 = arith.constant 8 : i32
        %mul3A_370 = arith.muli %while3A_237, %mul3A_369 : i32
        %add3A_371 = arith.constant 4 : i32
        %add3A_372 = arith.addi %mul3A_370, %add3A_371 : i32
        %mul3A_373 = arith.constant 16 : i32
        %mul3A_374 = arith.muli %add3A_372, %mul3A_373 : i32
        %get3A_375 = arith.index_cast %mul3A_374 : i32 to index
        %get3A_376 = tpu.vector_load %arg8[%get3A_375] {strides = array<i32>} : memref<8192xf32, #tpu.memory_space<vmem>>, vector<16xf32>,
        %sub3A_377 = arith.subf %get3A_376, %gather3A_167 : vector<16xf32>
        %get3A_378 = arith.index_cast %mul3A_374 : i32 to index
        %get3A_379 = tpu.vector_load %arg9[%get3A_378] {strides = array<i32>} : memref<8192xf32, #tpu.memory_space<vmem>>, vector<16xf32>,
        %sub3A_380 = arith.subf %get3A_379, %gather3A_168 : vector<16xf32>
        %get3A_381 = arith.index_cast %mul3A_374 : i32 to index
        %get3A_382 = tpu.vector_load %arg10[%get3A_381] {strides = array<i32>} : memref<8192xf32, #tpu.memory_space<vmem>>, vector<16xf32>,
        %sub3A_383 = arith.subf %get3A_382, %gather3A_169 : vector<16xf32>
        %mul3A_384 = arith.mulf %sub3A_377, %sub3A_377 : vector<16xf32>
        %mul3A_385 = arith.mulf %sub3A_380, %sub3A_380 : vector<16xf32>
        %add3A_386 = arith.addf %mul3A_384, %mul3A_385 : vector<16xf32>
        %mul3A_387 = arith.mulf %sub3A_383, %sub3A_383 : vector<16xf32>
        %add3A_388 = arith.addf %add3A_386, %mul3A_387 : vector<16xf32>
        %add3A_389 = vector.broadcast %mul3A_374 : i32 to vector<16xi32>
        %add3A_390 = arith.addi %add3A_389, %iota3A : vector<16xi32>
        %lt3A_391 = arith.constant 1.600000e-01 : f32
        %lt3A_392 = vector.broadcast %lt3A_391 : f32 to vector<16xf32>
        %lt3A_393 = arith.cmpf olt, %add3A_388, %lt3A_392 : vector<16xf32>
        %ne3A_394 = arith.cmpi ne, %add3A_390, %gather3A : vector<16xi32>
        %and3A_395 = arith.andi %lt3A_393, %ne3A_394 : vector<16xi1>
        %swap3A_396 = arith.index_cast %add3A_368 : i32 to index
        %swap3A_397 = tpu.vector_load %arg15[%swap3A_396] masked %and3A_395 {strides = array<i32>} : memref<192xi32, #tpu.memory_space<vmem>>, vector<16xi32>, vector<16xi1>
        tpu.vector_store %arg15[%swap3A_396], %add3A_390 masked %and3A_395 {strides = array<i32>} : memref<192xi32, #tpu.memory_space<vmem>>, vector<16xi32>, vector<16xi1>
        %all_reduce_population_count3A_398 = tpu.all_reduce %and3A_395 {dim = 0 : i64, kind = #tpu.reduction_kind<sum>} : vector<16xi1> -> vector<16xi32>
        %slice3A_399 = vector.extract_strided_slice %all_reduce_population_count3A_398 {offsets = [0], sizes = [1], strides = [1]} : vector<16xi32> to vector<1xi32>
        %squeeze3A_400 = vector.extract %slice3A_399[0] : i32 from vector<1xi32>
        %add3A_401 = arith.addi %add3A_368, %squeeze3A_400 : i32
        %mul3A_402 = arith.constant 8 : i32
        %mul3A_403 = arith.muli %while3A_237, %mul3A_402 : i32
        %add3A_404 = arith.constant 5 : i32
        %add3A_405 = arith.addi %mul3A_403, %add3A_404 : i32
        %mul3A_406 = arith.constant 16 : i32
        %mul3A_407 = arith.muli %add3A_405, %mul3A_406 : i32
        %get3A_408 = arith.index_cast %mul3A_407 : i32 to index
        %get3A_409 = tpu.vector_load %arg8[%get3A_408] {strides = array<i32>} : memref<8192xf32, #tpu.memory_space<vmem>>, vector<16xf32>,
        %sub3A_410 = arith.subf %get3A_409, %gather3A_167 : vector<16xf32>
        %get3A_411 = arith.index_cast %mul3A_407 : i32 to index
        %get3A_412 = tpu.vector_load %arg9[%get3A_411] {strides = array<i32>} : memref<8192xf32, #tpu.memory_space<vmem>>, vector<16xf32>,
        %sub3A_413 = arith.subf %get3A_412, %gather3A_168 : vector<16xf32>
        %get3A_414 = arith.index_cast %mul3A_407 : i32 to index
        %get3A_415 = tpu.vector_load %arg10[%get3A_414] {strides = array<i32>} : memref<8192xf32, #tpu.memory_space<vmem>>, vector<16xf32>,
        %sub3A_416 = arith.subf %get3A_415, %gather3A_169 : vector<16xf32>
        %mul3A_417 = arith.mulf %sub3A_410, %sub3A_410 : vector<16xf32>
        %mul3A_418 = arith.mulf %sub3A_413, %sub3A_413 : vector<16xf32>
        %add3A_419 = arith.addf %mul3A_417, %mul3A_418 : vector<16xf32>
        %mul3A_420 = arith.mulf %sub3A_416, %sub3A_416 : vector<16xf32>
        %add3A_421 = arith.addf %add3A_419, %mul3A_420 : vector<16xf32>
        %add3A_422 = vector.broadcast %mul3A_407 : i32 to vector<16xi32>
        %add3A_423 = arith.addi %add3A_422, %iota3A : vector<16xi32>
        %lt3A_424 = arith.constant 1.600000e-01 : f32
        %lt3A_425 = vector.broadcast %lt3A_424 : f32 to vector<16xf32>
        %lt3A_426 = arith.cmpf olt, %add3A_421, %lt3A_425 : vector<16xf32>
        %ne3A_427 = arith.cmpi ne, %add3A_423, %gather3A : vector<16xi32>
        %and3A_428 = arith.andi %lt3A_426, %ne3A_427 : vector<16xi1>
        %swap3A_429 = arith.index_cast %add3A_401 : i32 to index
        %swap3A_430 = tpu.vector_load %arg15[%swap3A_429] masked %and3A_428 {strides = array<i32>} : memref<192xi32, #tpu.memory_space<vmem>>, vector<16xi32>, vector<16xi1>
        tpu.vector_store %arg15[%swap3A_429], %add3A_423 masked %and3A_428 {strides = array<i32>} : memref<192xi32, #tpu.memory_space<vmem>>, vector<16xi32>, vector<16xi1>
        %all_reduce_population_count3A_431 = tpu.all_reduce %and3A_428 {dim = 0 : i64, kind = #tpu.reduction_kind<sum>} : vector<16xi1> -> vector<16xi32>
        %slice3A_432 = vector.extract_strided_slice %all_reduce_population_count3A_431 {offsets = [0], sizes = [1], strides = [1]} : vector<16xi32> to vector<1xi32>
        %squeeze3A_433 = vector.extract %slice3A_432[0] : i32 from vector<1xi32>
        %add3A_434 = arith.addi %add3A_401, %squeeze3A_433 : i32
        %mul3A_435 = arith.constant 8 : i32
        %mul3A_436 = arith.muli %while3A_237, %mul3A_435 : i32
        %add3A_437 = arith.constant 6 : i32
        %add3A_438 = arith.addi %mul3A_436, %add3A_437 : i32
        %mul3A_439 = arith.constant 16 : i32
        %mul3A_440 = arith.muli %add3A_438, %mul3A_439 : i32
        %get3A_441 = arith.index_cast %mul3A_440 : i32 to index
        %get3A_442 = tpu.vector_load %arg8[%get3A_441] {strides = array<i32>} : memref<8192xf32, #tpu.memory_space<vmem>>, vector<16xf32>,
        %sub3A_443 = arith.subf %get3A_442, %gather3A_167 : vector<16xf32>
        %get3A_444 = arith.index_cast %mul3A_440 : i32 to index
        %get3A_445 = tpu.vector_load %arg9[%get3A_444] {strides = array<i32>} : memref<8192xf32, #tpu.memory_space<vmem>>, vector<16xf32>,
        %sub3A_446 = arith.subf %get3A_445, %gather3A_168 : vector<16xf32>
        %get3A_447 = arith.index_cast %mul3A_440 : i32 to index
        %get3A_448 = tpu.vector_load %arg10[%get3A_447] {strides = array<i32>} : memref<8192xf32, #tpu.memory_space<vmem>>, vector<16xf32>,
        %sub3A_449 = arith.subf %get3A_448, %gather3A_169 : vector<16xf32>
        %mul3A_450 = arith.mulf %sub3A_443, %sub3A_443 : vector<16xf32>
        %mul3A_451 = arith.mulf %sub3A_446, %sub3A_446 : vector<16xf32>
        %add3A_452 = arith.addf %mul3A_450, %mul3A_451 : vector<16xf32>
        %mul3A_453 = arith.mulf %sub3A_449, %sub3A_449 : vector<16xf32>
        %add3A_454 = arith.addf %add3A_452, %mul3A_453 : vector<16xf32>
        %add3A_455 = vector.broadcast %mul3A_440 : i32 to vector<16xi32>
        %add3A_456 = arith.addi %add3A_455, %iota3A : vector<16xi32>
        %lt3A_457 = arith.constant 1.600000e-01 : f32
        %lt3A_458 = vector.broadcast %lt3A_457 : f32 to vector<16xf32>
        %lt3A_459 = arith.cmpf olt, %add3A_454, %lt3A_458 : vector<16xf32>
        %ne3A_460 = arith.cmpi ne, %add3A_456, %gather3A : vector<16xi32>
        %and3A_461 = arith.andi %lt3A_459, %ne3A_460 : vector<16xi1>
        %swap3A_462 = arith.index_cast %add3A_434 : i32 to index
        %swap3A_463 = tpu.vector_load %arg15[%swap3A_462] masked %and3A_461 {strides = array<i32>} : memref<192xi32, #tpu.memory_space<vmem>>, vector<16xi32>, vector<16xi1>
        tpu.vector_store %arg15[%swap3A_462], %add3A_456 masked %and3A_461 {strides = array<i32>} : memref<192xi32, #tpu.memory_space<vmem>>, vector<16xi32>, vector<16xi1>
        %all_reduce_population_count3A_464 = tpu.all_reduce %and3A_461 {dim = 0 : i64, kind = #tpu.reduction_kind<sum>} : vector<16xi1> -> vector<16xi32>
        %slice3A_465 = vector.extract_strided_slice %all_reduce_population_count3A_464 {offsets = [0], sizes = [1], strides = [1]} : vector<16xi32> to vector<1xi32>
        %squeeze3A_466 = vector.extract %slice3A_465[0] : i32 from vector<1xi32>
        %add3A_467 = arith.addi %add3A_434, %squeeze3A_466 : i32
        %mul3A_468 = arith.constant 8 : i32
        %mul3A_469 = arith.muli %while3A_237, %mul3A_468 : i32
        %add3A_470 = arith.constant 7 : i32
        %add3A_471 = arith.addi %mul3A_469, %add3A_470 : i32
        %mul3A_472 = arith.constant 16 : i32
        %mul3A_473 = arith.muli %add3A_471, %mul3A_472 : i32
        %get3A_474 = arith.index_cast %mul3A_473 : i32 to index
        %get3A_475 = tpu.vector_load %arg8[%get3A_474] {strides = array<i32>} : memref<8192xf32, #tpu.memory_space<vmem>>, vector<16xf32>,
        %sub3A_476 = arith.subf %get3A_475, %gather3A_167 : vector<16xf32>
        %get3A_477 = arith.index_cast %mul3A_473 : i32 to index
        %get3A_478 = tpu.vector_load %arg9[%get3A_477] {strides = array<i32>} : memref<8192xf32, #tpu.memory_space<vmem>>, vector<16xf32>,
        %sub3A_479 = arith.subf %get3A_478, %gather3A_168 : vector<16xf32>
        %get3A_480 = arith.index_cast %mul3A_473 : i32 to index
        %get3A_481 = tpu.vector_load %arg10[%get3A_480] {strides = array<i32>} : memref<8192xf32, #tpu.memory_space<vmem>>, vector<16xf32>,
        %sub3A_482 = arith.subf %get3A_481, %gather3A_169 : vector<16xf32>
        %mul3A_483 = arith.mulf %sub3A_476, %sub3A_476 : vector<16xf32>
        %mul3A_484 = arith.mulf %sub3A_479, %sub3A_479 : vector<16xf32>
        %add3A_485 = arith.addf %mul3A_483, %mul3A_484 : vector<16xf32>
        %mul3A_486 = arith.mulf %sub3A_482, %sub3A_482 : vector<16xf32>
        %add3A_487 = arith.addf %add3A_485, %mul3A_486 : vector<16xf32>
        %add3A_488 = vector.broadcast %mul3A_473 : i32 to vector<16xi32>
        %add3A_489 = arith.addi %add3A_488, %iota3A : vector<16xi32>
        %lt3A_490 = arith.constant 1.600000e-01 : f32
        %lt3A_491 = vector.broadcast %lt3A_490 : f32 to vector<16xf32>
        %lt3A_492 = arith.cmpf olt, %add3A_487, %lt3A_491 : vector<16xf32>
        %ne3A_493 = arith.cmpi ne, %add3A_489, %gather3A : vector<16xi32>
        %and3A_494 = arith.andi %lt3A_492, %ne3A_493 : vector<16xi1>
        %swap3A_495 = arith.index_cast %add3A_467 : i32 to index
        %swap3A_496 = tpu.vector_load %arg15[%swap3A_495] masked %and3A_494 {strides = array<i32>} : memref<192xi32, #tpu.memory_space<vmem>>, vector<16xi32>, vector<16xi1>
        tpu.vector_store %arg15[%swap3A_495], %add3A_489 masked %and3A_494 {strides = array<i32>} : memref<192xi32, #tpu.memory_space<vmem>>, vector<16xi32>, vector<16xi1>
        %all_reduce_population_count3A_497 = tpu.all_reduce %and3A_494 {dim = 0 : i64, kind = #tpu.reduction_kind<sum>} : vector<16xi1> -> vector<16xi32>
        %slice3A_498 = vector.extract_strided_slice %all_reduce_population_count3A_497 {offsets = [0], sizes = [1], strides = [1]} : vector<16xi32> to vector<1xi32>
        %squeeze3A_499 = vector.extract %slice3A_498[0] : i32 from vector<1xi32>
        %add3A_500 = arith.addi %add3A_467, %squeeze3A_499 : i32
        %add3A_501 = arith.constant 1 : i32
        %add3A_502 = arith.addi %while3A_237, %add3A_501 : i32
        scf.yield %add3A_502, %add3A_500 : i32, i32
      }
      %broadcast_in_dim3A_172 = arith.constant 0 : i32
      %broadcast_in_dim3A_173 = vector.broadcast %broadcast_in_dim3A_172 : i32 to vector<16xi32>
      %add3A_174 = vector.broadcast %while3A_171#1 : i32 to vector<16xi32>
      %add3A_175 = arith.addi %broadcast_in_dim3A_173, %add3A_174 : vector<16xi32>
      %min3A = arith.constant 32 : i32
      %min3A_176 = vector.broadcast %min3A : i32 to vector<16xi32>
      %min3A_177 = arith.minsi %add3A_175, %min3A_176 : vector<16xi32>
      %get3A = arith.constant 0 : index
      %get3A_178 = tpu.vector_load %arg15[%get3A] {strides = array<i32>} : memref<192xi32, #tpu.memory_space<vmem>>, vector<16xi32>,
      %gt3A = arith.constant 0 : i32
      %gt3A_179 = vector.broadcast %gt3A : i32 to vector<16xi32>
      %gt3A_180 = arith.cmpi sgt, %add3A_175, %gt3A_179 : vector<16xi32>
      %broadcast_in_dim3A_181 = arith.constant 0 : i32
      %broadcast_in_dim3A_182 = vector.broadcast %broadcast_in_dim3A_181 : i32 to vector<16xi32>
      %slice3A = vector.extract_strided_slice %get3A_178 {offsets = [0], sizes = [1], strides = [1]} : vector<16xi32> to vector<1xi32>
      %squeeze3A = vector.extract %slice3A[0] : i32 from vector<1xi32>
      %add3A_183 = vector.broadcast %squeeze3A : i32 to vector<16xi32>
      %add3A_184 = arith.addi %broadcast_in_dim3A_182, %add3A_183 : vector<16xi32>
      %jit3A_185 = arith.constant 0 : i32
      %broadcast_in_dim3A_186 = vector.broadcast %jit3A_185 : i32 to vector<16xi32>
      %select_n3A_187 = arith.select %gt3A_180, %add3A_184, %broadcast_in_dim3A_186 : vector<16xi1>, vector<16xi32>
      %sub3A_188 = arith.constant 1 : i32
      %sub3A_189 = vector.broadcast %sub3A_188 : i32 to vector<16xi32>
      %sub3A_190 = arith.subi %iota3A, %sub3A_189 : vector<16xi32>
      %max3A = arith.constant 0 : i32
      %max3A_191 = vector.broadcast %max3A : i32 to vector<16xi32>
      %max3A_192 = arith.maxsi %sub3A_190, %max3A_191 : vector<16xi32>
      %gather3A_193 = tpu.vector_load_idx %arg15[%max3A_192] : memref<192xi32, #tpu.memory_space<vmem>>[vector<16xi32>], vector<16xi32>,
      %lt3A_194 = arith.constant 0 : i32
      %lt3A_195 = vector.broadcast %lt3A_194 : i32 to vector<16xi32>
      %lt3A_196 = arith.cmpi slt, %sub3A_190, %lt3A_195 : vector<16xi32>
      %lt3A_197 = arith.cmpi slt, %sub3A_190, %min3A_177 : vector<16xi32>
      %select_n3A_198 = arith.select %lt3A_197, %gather3A_193, %select_n3A_187 : vector<16xi1>, vector<16xi32>
      %select_n3A_199 = arith.select %lt3A_196, %gather3A, %select_n3A_198 : vector<16xi1>, vector<16xi32>
      %add3A_200 = arith.constant 15 : i32
      %add3A_201 = vector.broadcast %add3A_200 : i32 to vector<16xi32>
      %add3A_202 = arith.addi %iota3A, %add3A_201 : vector<16xi32>
      %gather3A_203 = tpu.vector_load_idx %arg15[%add3A_202] : memref<192xi32, #tpu.memory_space<vmem>>[vector<16xi32>], vector<16xi32>,
      %lt3A_204 = arith.cmpi slt, %add3A_202, %min3A_177 : vector<16xi32>
      %select_n3A_205 = arith.select %lt3A_204, %gather3A_203, %select_n3A_187 : vector<16xi1>, vector<16xi32>
      %add3A_206 = arith.constant 31 : i32
      %add3A_207 = vector.broadcast %add3A_206 : i32 to vector<16xi32>
      %add3A_208 = arith.addi %iota3A, %add3A_207 : vector<16xi32>
      %gather3A_209 = tpu.vector_load_idx %arg15[%add3A_208] : memref<192xi32, #tpu.memory_space<vmem>>[vector<16xi32>], vector<16xi32>,
      %lt3A_210 = arith.cmpi slt, %add3A_208, %min3A_177 : vector<16xi32>
      %select_n3A_211 = arith.select %lt3A_210, %gather3A_209, %select_n3A_187 : vector<16xi1>, vector<16xi32>
      %mul3A_212 = arith.constant 33 : i32
      %mul3A_213 = arith.muli %scan3A_163, %mul3A_212 : i32
      %lt3A_214 = arith.constant 1 : i32
      %lt3A_215 = vector.broadcast %lt3A_214 : i32 to vector<16xi32>
      %lt3A_216 = arith.cmpi slt, %iota3A, %lt3A_215 : vector<16xi32>
      %add3A_217 = vector.broadcast %mul3A_213 : i32 to vector<16xi32>
      %add3A_218 = arith.addi %add3A_217, %iota3A : vector<16xi32>
      tpu.vector_store_idx %arg16[%add3A_218], %select_n3A_199 : memref<8464xi32, #tpu.memory_space<vmem>>[vector<16xi32>], vector<16xi32>,
      %add3A_219 = arith.constant 16 : i32
      %add3A_220 = arith.addi %mul3A_213, %add3A_219 : i32
      %add3A_221 = vector.broadcast %add3A_220 : i32 to vector<16xi32>
      %add3A_222 = arith.addi %add3A_221, %iota3A : vector<16xi32>
      tpu.vector_store_idx %arg16[%add3A_222], %select_n3A_205 : memref<8464xi32, #tpu.memory_space<vmem>>[vector<16xi32>], vector<16xi32>,
      %add3A_223 = arith.constant 32 : i32
      %add3A_224 = arith.addi %mul3A_213, %add3A_223 : i32
      %add3A_225 = vector.broadcast %add3A_224 : i32 to vector<16xi32>
      %add3A_226 = arith.addi %add3A_225, %iota3A : vector<16xi32>
      tpu.vector_store_idx %arg16[%add3A_226], %select_n3A_211 masked %lt3A_216 : memref<8464xi32, #tpu.memory_space<vmem>>[vector<16xi32>], vector<16xi32>, vector<16xi1>
      %add3A_227 = vector.broadcast %mul3A_213 : i32 to vector<16xi32>
      %add3A_228 = arith.addi %add3A_227, %iota3A : vector<16xi32>
      tpu.vector_store_idx %arg17[%add3A_228], %add3A_166 : memref<8464xi32, #tpu.memory_space<vmem>>[vector<16xi32>], vector<16xi32>,
      %add3A_229 = arith.constant 16 : i32
      %add3A_230 = arith.addi %mul3A_213, %add3A_229 : i32
      %add3A_231 = vector.broadcast %add3A_230 : i32 to vector<16xi32>
      %add3A_232 = arith.addi %add3A_231, %iota3A : vector<16xi32>
      tpu.vector_store_idx %arg17[%add3A_232], %add3A_166 : memref<8464xi32, #tpu.memory_space<vmem>>[vector<16xi32>], vector<16xi32>,
      %add3A_233 = arith.constant 32 : i32
      %add3A_234 = arith.addi %mul3A_213, %add3A_233 : i32
      %add3A_235 = vector.broadcast %add3A_234 : i32 to vector<16xi32>
      %add3A_236 = arith.addi %add3A_235, %iota3A : vector<16xi32>
      tpu.vector_store_idx %arg17[%add3A_236], %add3A_166 masked %lt3A_216 : memref<8464xi32, #tpu.memory_space<vmem>>[vector<16xi32>], vector<16xi32>, vector<16xi1>
    }
    %scan3A_149 = arith.constant 256 : i32
    %scan3A_150 = arith.constant 0 : i32
    %scan3A_151 = arith.constant 0 : i32
    %scan3A_152 = arith.constant 528 : i32
    %scan3A_153 = arith.addi %scan3A_151, %scan3A_152 : i32
    %scan3A_154 = arith.constant 1 : i32
    scf.for %scan3A_163 = %scan3A_151 to %scan3A_153 step %scan3A_154  : i32 {
      %mul3A_164 = arith.constant 16 : i32
      %mul3A_165 = arith.muli %scan3A_163, %mul3A_164 : i32
      %get3A = arith.index_cast %mul3A_165 : i32 to index
      %get3A_166 = tpu.vector_load %arg16[%get3A] {strides = array<i32>} : memref<8464xi32, #tpu.memory_space<vmem>>, vector<16xi32>,
      %convert_element_type3A = arith.sitofp %get3A_166 : vector<16xi32> to vector<16xf32>
      %mul3A_167 = arith.constant 16 : i32
      %mul3A_168 = arith.muli %scan3A_163, %mul3A_167 : i32
      %swap3A = arith.index_cast %mul3A_168 : i32 to index
      %swap3A_169 = tpu.vector_load %arg19[%swap3A] {strides = array<i32>} : memref<8448xf32, #tpu.memory_space<vmem>>, vector<16xf32>,
      tpu.vector_store %arg19[%swap3A], %convert_element_type3A {strides = array<i32>} : memref<8448xf32, #tpu.memory_space<vmem>>, vector<16xf32>,
    }
    %scan3A_155 = arith.constant 528 : i32
    %mul3A_156 = arith.constant 134 : i32
    %mul3A_157 = arith.muli %select_n3A, %mul3A_156 : i32
    %mul3A_158 = arith.constant 33792 : i32
    %mul3A_159 = arith.muli %mul3A_157, %mul3A_158 : i32
    %add3A_160 = arith.addi %mul3A_159, %mul3A_34 : i32
    "tpu.region"() ({
      %run_scoped3A = tpu.sem_alloc : memref<!tpu.dma_semaphore, #tpu.memory_space<semaphore_mem>>
      %dma_start3A = tpu.memref_slice %arg6[%add3A_160] : memref<36225024xf32, #tpu.memory_space<hbm>> -> memref<8448xf32, #tpu.memory_space<hbm>>
      %dma_start3A_163 = tpu.memref_slice %arg6[%add3A_160] : memref<36225024xf32, #tpu.memory_space<hbm>> -> memref<8448xf32, #tpu.memory_space<hbm>>
      tpu.enqueue_dma source(%arg19 : memref<8448xf32, #tpu.memory_space<vmem>>) target(%dma_start3A_163 : memref<8448xf32, #tpu.memory_space<hbm>>) target_semaphore(%run_scoped3A : memref<!tpu.dma_semaphore, #tpu.memory_space<semaphore_mem>>)
      %dma_wait3A = tpu.memref_slice %arg6[%add3A_160] : memref<36225024xf32, #tpu.memory_space<hbm>> -> memref<8448xf32, #tpu.memory_space<hbm>>
      %dma_wait3A_164 = tpu.memref_slice %arg6[%add3A_160] : memref<36225024xf32, #tpu.memory_space<hbm>> -> memref<8448xf32, #tpu.memory_space<hbm>>
      tpu.wait_dma2 semaphore(%run_scoped3A : memref<!tpu.dma_semaphore, #tpu.memory_space<semaphore_mem>>) src(%arg19 : memref<8448xf32, #tpu.memory_space<vmem>>) dst(%dma_wait3A_164 : memref<8448xf32, #tpu.memory_space<hbm>>)
      tpu.yield
    }) : () -> ()
    %mul3A_161 = arith.constant 8464 : i32
    %mul3A_162 = arith.muli %add3A, %mul3A_161 : i32
    "tpu.region"() ({
      %run_scoped3A = tpu.sem_alloc : memref<!tpu.dma_semaphore, #tpu.memory_space<semaphore_mem>>
      %dma_start3A = tpu.memref_slice %arg7[%mul3A_162] : memref<270848xi32, #tpu.memory_space<hbm>> -> memref<8464xi32, #tpu.memory_space<hbm>>
      %dma_start3A_163 = tpu.memref_slice %arg7[%mul3A_162] : memref<270848xi32, #tpu.memory_space<hbm>> -> memref<8464xi32, #tpu.memory_space<hbm>>
      tpu.enqueue_dma source(%arg16 : memref<8464xi32, #tpu.memory_space<vmem>>) target(%dma_start3A_163 : memref<8464xi32, #tpu.memory_space<hbm>>) target_semaphore(%run_scoped3A : memref<!tpu.dma_semaphore, #tpu.memory_space<semaphore_mem>>)
      %dma_wait3A = tpu.memref_slice %arg7[%mul3A_162] : memref<270848xi32, #tpu.memory_space<hbm>> -> memref<8464xi32, #tpu.memory_space<hbm>>
      %dma_wait3A_164 = tpu.memref_slice %arg7[%mul3A_162] : memref<270848xi32, #tpu.memory_space<hbm>> -> memref<8464xi32, #tpu.memory_space<hbm>>
      tpu.wait_dma2 semaphore(%run_scoped3A : memref<!tpu.dma_semaphore, #tpu.memory_space<semaphore_mem>>) src(%arg16 : memref<8464xi32, #tpu.memory_space<vmem>>) dst(%dma_wait3A_164 : memref<8464xi32, #tpu.memory_space<hbm>>)
      tpu.yield
    }) : () -> ()
    return
  }
}

</mosaic_0001>

<sc_bundles>
// kernel: kernel.3.cloned.1.call-start
scs
__scs_entry_jumppad:
0x0: {  	(pc) =	sbr.rel $0x88, $3  }
0x1: {  	(tag) =	ssettag $0x0;
	lr =	simm.s32 $0x1  }
0x2: {  	[smem:$0x3F9D] =	sst lr;
	_ =	strace $0xD0000000  }
0x3: {  	_ = 	snop  }
0x4: {  	_ = 	snop  }
0x5: {  	_ = 	snop  }
0x6: {  	_ = 	snop  }
0x7: {  	_ = 	snop  }
__scs_overlays_trampoline_lowered:
0x8: {  	[smem:$0x3FAC] =	sst s0  }
0x9: {  	[smem:$0x3FAD] =	sst s1  }
0xa: {  	[smem:$0x3FAE] =	sst s2  }
0xb: {  	[smem:$0x3FAF] =	sst s3  }
0xc: {  	[smem:$0x3FB0] =	sst s4  }
0xd: {  	[smem:$0x3FB1] =	sst s5  }
0xe: {  	[smem:$0x3FB2] =	sst s6  }
0xf: {  	[smem:$0x3FB3] =	sst s7  }
0x10: {  	[smem:$0x3FB4] =	sst s8  }
0x11: {  	[smem:$0x3FB5] =	sst s9;
	s0 =	simm.s32 @!p0 $0x0  }
0x12: {  	s1 =	sld [smem:$0x3F9B];
	s0 =	simm.s32 @p0 $0x1  }
0x13: {  	[smem:$0x3FB6] =	sst s0;
	s0 =	simm.s32 @!p1 $0x0  }
0x14: {  	s2 =	sld [smem:$0x3F9A];
	s0 =	simm.s32 @p1 $0x1  }
0x15: {  	[smem:$0x3FB7] =	sst s0;
	s0 =	simm.s32 @!p2 $0x0  }
0x16: {  	s3 =	sld [smem:$0x3FDB];
	s0 =	simm.s32 @p2 $0x1  }
0x17: {  	s4 =	simm.s32 $0x1BF5;
	[smem:$0x3FB9] =	sst s0  }
0x18: {  	s0 =	sld [smem:$0x3F9C];
	_ =	swait.ge [sflag:s4], $0x0  }
0x19: {  	s7 =	sld [smem:$0x3F9D]  }
0x1a: {  	s8 =	sadd.s32 $0xFFFFE003, lr  }
0x1b: {  	s9 =	sadd.s32 $0xFFFFFEF7, lr;
	s5 =	simm.s32 $0xFFFFFFFF;
	p2 =	slt.u32 s8, $0xFFFFF086  }
0x1c: {  	p1 =	slt.u32 s9, $0xF7A;
	s5 =	simm.s32 @!p2 $0x0  }
0x1d: {  	s5 =	simm.s32 @p1 $0x1;
	p0 =	seq.s32 s7, s2  }
0x1e: {  	s7 =	smul.u32 @!p0 $0xF7A, s2;
	p2 =	seq.s32 @!p0 s5, $0x0  }
0x1f: {  	s9 =	smul.u32 $0xF7A, s1;
	s8 =	simm.s32 @!p0 $0x1BF5;
	p2 =	por !p2, p0  }
0x20: {  	[sflag:s8] =	ssyncset.s32 @!p0 $0xFFFFF086;
	s6 =	sadd.s32 @!p0 s3, s7;
	s7 =	simm.s32 @!p0 $0x108  }
0x21: {  	s3 =	sadd.s32 s3, s9;
	s6 =	sadd.s32 @!p0 $0x88, s6;
	s7 =	simm.s32 @p2 $0x1082  }
0x22: {  	[simem:s7], [sflag:s8] =	dma.local @!p0 [hbm:s6], $0xF7A  }
0x23: {  	s9 =	sor.u32 $0xD0000000, s2;
	s6 =	simm.s32 $0x108;
	_ =	swait.ge @!p0 [sflag:s8], $0x0  }
0x24: {  	s3 =	sadd.s32 $0x88, s3;
	s6 =	simm.s32 @!p1 $0x1082;
	[sflag:s4] =	ssyncset.s32 $0xFFFFF086  }
0x25: {  	[simem:s6], [sflag:s4] =	dma.local [hbm:s3], $0xF7A  }
0x26: {  	[smem:$0x3F9D] =	sst s1;
	(tag) =	ssettag s2;
	_ =	strace s9  }
0x27: {  	s1 =	sld [smem:$0x3FAD]  }
0x28: {  	s2 =	sld [smem:$0x3FAE]  }
0x29: {  	s4 =	sld [smem:$0x3FB0]  }
0x2a: {  	p0 =	seq.s32 s5, $0x0;
	s5 =	sld [smem:$0x3FB1]  }
0x2b: {  	s6 =	sld [smem:$0x3FB2]  }
0x2c: {  	s7 =	sld [smem:$0x3FB3]  }
0x2d: {  	s3 =	simm.s32 $0x108;
	s8 =	sld [smem:$0x3FB4]  }
0x2e: {  	s3 =	simm.s32 @!p0 $0x1082;
	s9 =	sld [smem:$0x3FB5]  }
0x2f: {  	lr =	sadd.s32 s0, s3;
	s0 =	sld [smem:$0x3FAC]  }
0x30: {  	s3 =	sld [smem:$0x3FAF]  }
0x31: {  	[smem:$0x3FB8] =	sst s10  }
0x32: {  	s10 =	sld [smem:$0x3FB6];
	_ =	sdelay $0x3  }
0x33: {  	p0 =	seq.s32 s10, $0x1;
	s10 =	sld [smem:$0x3FB8];
	_ =	sdelay $0x3  }
0x34: {  	[smem:$0x3FB8] =	sst s10  }
0x35: {  	s10 =	sld [smem:$0x3FB7];
	_ =	sdelay $0x3  }
0x36: {  	p1 =	seq.s32 s10, $0x1;
	s10 =	sld [smem:$0x3FB8];
	_ =	sdelay $0x3  }
0x37: {  	[smem:$0x3FB8] =	sst s10  }
0x38: {  	s10 =	sld [smem:$0x3FB9]  }
0x39: {  	_ = 	snop;
	(pc) =	sbr.ind lr, $3  }
0x3a: {  	_ = 	snop  }
0x3b: {  	_ = 	snop  }
0x3c: {  	p2 =	seq.s32 s10, $0x1;
	s10 =	sld [smem:$0x3FB8]  }
0x3d: {  	_ =	shalt  }
0x3e: {  	_ =	shalt  }
0x3f: {  	_ =	shalt  }
0x40: {  	_ =	shalt  }
0x41: {  	_ =	shalt  }
0x42: {  	_ =	shalt  }
0x43: {  	_ =	shalt  }
0x44: {  	_ =	shalt  }
0x45: {  	_ =	shalt  }
0x46: {  	_ =	shalt  }
0x47: {  	_ =	shalt  }
0x48: {  	_ =	shalt  }
0x49: {  	_ =	shalt  }
0x4a: {  	_ =	shalt  }
0x4b: {  	_ =	shalt  }
0x4c: {  	_ =	shalt  }
0x4d: {  	_ =	shalt  }
0x4e: {  	_ =	shalt  }
0x4f: {  	_ =	shalt  }
0x50: {  	_ =	shalt  }
0x51: {  	_ =	shalt  }
0x52: {  	_ =	shalt  }
0x53: {  	_ =	shalt  }
0x54: {  	_ =	shalt  }
0x55: {  	_ =	shalt  }
0x56: {  	_ =	shalt  }
0x57: {  	_ =	shalt  }
0x58: {  	_ =	shalt  }
0x59: {  	_ =	shalt  }
0x5a: {  	_ =	shalt  }
0x5b: {  	_ =	shalt  }
0x5c: {  	_ =	shalt  }
0x5d: {  	_ =	shalt  }
0x5e: {  	_ =	shalt  }
0x5f: {  	_ =	shalt  }
0x60: {  	_ =	shalt  }
0x61: {  	_ =	shalt  }
0x62: {  	_ =	shalt  }
0x63: {  	_ =	shalt  }
0x64: {  	_ =	shalt  }
0x65: {  	_ =	shalt  }
0x66: {  	_ =	shalt  }
0x67: {  	_ =	shalt  }
0x68: {  	_ =	shalt  }
0x69: {  	_ =	shalt  }
0x6a: {  	_ =	shalt  }
0x6b: {  	_ =	shalt  }
0x6c: {  	_ =	shalt  }
0x6d: {  	_ =	shalt  }
0x6e: {  	_ =	shalt  }
0x6f: {  	_ =	shalt  }
0x70: {  	_ =	shalt  }
0x71: {  	_ =	shalt  }
0x72: {  	_ =	shalt  }
0x73: {  	_ =	shalt  }
0x74: {  	_ =	shalt  }
0x75: {  	_ =	shalt  }
0x76: {  	_ =	shalt  }
0x77: {  	_ =	shalt  }
0x78: {  	_ =	shalt  }
0x79: {  	_ =	shalt  }
0x7a: {  	_ =	shalt  }
0x7b: {  	_ =	shalt  }
0x7c: {  	_ =	shalt  }
0x7d: {  	_ =	shalt  }
0x7e: {  	_ =	shalt  }
0x7f: {  	_ =	shalt  }
0x80: {  	_ =	shalt  }
0x81: {  	_ =	shalt  }
0x82: {  	_ =	shalt  }
0x83: {  	_ =	shalt  }
0x84: {  	_ =	shalt  }
0x85: {  	_ =	shalt  }
0x86: {  	_ =	shalt  }
0x87: {  	_ =	shalt  }
.Lfunc_end0:
.L_simem_size_0:
called_computation.2_lowered:
.L_overlay_start_0:
0x88: {  	s2 =	sld [smem:$0x3FD9]  }
0x89: {  	s3 =	sld [smem:$0x3FFE];
	_ =	sdelay $0x1  }
0x8a: {  	s1 =	srdreg.scid  }
0x8b: {  	s0 =	sand.u32 $0x1, s1  }
0x8c: {  	s17 =	sshll.u32 s0, $0xA;
	s2 =	sadd.s32 s3, s2  }
0x8d: {  	s2 =	sadd.s32 s2, s17  }
0x8e: {  	[smem:$0x3FC4] =	sst s2  }
0x8f: {  	_ = 	snop  }
0x90: {  	s2 =	sld [smem:$0x3FD0];
	(tm) =	ssettm $0x1  }
0x91: {  	s18 =	sld [smem:$0x3FFB];
	_ =	sdelay $0x3  }
0x92: {  	_ =	strace s18  }
0x93: {  	s3 =	sld [smem:$0x3FFC];
	_ =	sdelay $0x3  }
0x94: {  	_ =	strace s3  }
0x95: {  	s3 =	sld [smem:$0x3FFD];
	_ =	sdelay $0x3  }
0x96: {  	_ =	strace s3  }
0x97: {  	_ =	strace $0x8FFFFFFF  }
0x98: {  	s19 =	sld [smem:$0x3FDB];
	_ =	sdelay $0x1  }
0x99: {  	s4 =	simm.s32 $_scs_section_size  }
0x9a: {  	s5 =	simm.s32 $_size__tile_overlayer_lowered;
	s6 =	simm.s32 $_tile_overlayer_lowered  }
0x9b: {  	s22 =	simm.s32 $0x1BFF;
	s21 =	sshll.u32 s6, $0x1;
	s3 =	sadd.s32 s4, s19  }
0x9c: {  	s7 =	simm.s32 $0x0;
	s20 =	sshll.u32 s5, $0x1;
	s5 =	sadd.s32 s21, s3  }
0x9d: {  	[timem:s7], [sflag:s22] =	dma.local [hbm:s5], s20  }
0x9e: {  	_ =	swait.ge [sflag:s22], s20  }
0x9f: {  	s4 =	ssub.s32 $0x0, s20;
	[sflag:s22] =	ssyncset.done $0x0  }
0xa0: {  	[sflag:s22] =	ssyncadd.s32 s4;
	_ =	sdelay $0x1  }
0xa1: {  	s23 =	simm.s32 $0x1B8B  }
0xa2: {  	_ =	swait.ge [sflag:s23], $0x1  }
0xa3: {  	[sflag:s23] =	ssyncset.done $0x0  }
0xa4: {  	s25 =	simm.s32 $0x1B8E;
	s24 =	sld [smem:$0x3FFE];
	[sflag:s23] =	ssyncadd.s32 $0xFFFFFFFF  }
0xa5: {  	s26 =	simm.s32 $execute0_lowered;
	[smem:$0x3FD2] =	sst s25  }
0xa6: {  	s5 =	sshll.u32 s26, $0x1;
	_ =	strace $0x80000049;
	[dreg:$0x1] =	wrdreg $0xFFFFFFFF  }
0xa7: {  	s28 =	simm.s32 $_size_execute0_lowered;
	s3 =	sadd.s32 s3, s5;
	[dreg:$0x0] =	wrdreg $0x0  }
0xa8: {  	s5 =	sshll.u32 s28, $0x1;
	[dreg:$0x2] =	wrdreg s3  }
0xa9: {  	[dreg:$0x3] =	wrdreg s5  }
0xaa: {  	[dreg:$0x4] =	wrdreg $0xC0  }
0xab: {  	_ =	task [dreg:s7], $0x5FFFF  }
0xac: {  	[dreg:$0x1] =	wrdreg $0xFFFFFFFF  }
0xad: {  	[dreg:$0x0] =	wrdreg $0x60  }
0xae: {  	[dreg:$0x2] =	wrdreg s24  }
0xaf: {  	[dreg:$0x3] =	wrdreg s2  }
0xb0: {  	[dreg:$0x4] =	wrdreg $0x9  }
0xb1: {  	_ =	task.clear_ibuf [dreg:s7], $0x5FFFF;
	_ =	strace $0x90000049  }
0xb2: {  	s29 =	simm.s32 $0x9;
	_ =	strace $0x8000004B  }
0xb3: {  	_ =	swait.ge [sflag:s29], $0x1  }
0xb4: {  	[sflag:s29] =	ssyncadd.s32 $0xFFFFFFFF  }
0xb5: {  	_ =	strace $0x9000004B  }
0xb6: {  	_ =	sfence  }
0xb7: {  	s30 =	sld [smem:$0x0];
	_ =	sdelay $0x2  }
0xb8: {  	s31 =	sshll.u32 s1, $0xD;
	s1 =	sshrl.u32 s1, $0x2  }
0xb9: {  	s3 =	sand.u32 $0x4000, s31;
	s1 =	sadd.s32 s1, s30  }
0xba: {  	s0 =	sor.u32 s3, s0;
	s1 =	sshll.u32 s1, $0x11  }
0xbb: {  	s0 =	sor.u32 s1, s0  }
0xbc: {  	s0 =	sadd.s32 $0x8F2B, s0  }
0xbd: {  	[sflag:s0] =	ssyncadd.remote.s32 $0x1  }
0xbe: {  	_ =	sfence.sel $0xFFFF  }
0xbf: {  	[dreg:$0x0] =	wrdreg $0xFFFFFFFF;
	(pc) =	sbr.abs _section_cstart, $3  }
0xc0: {  	[dreg:$0x1] =	wrdreg $0xFFFFFFFF  }
0xc1: {  	_ =	task.clear_ibuf [dreg:s7], $0x2FFFF;
	_ =	strace $0x9FFFFFFF  }
0xc2: {  	(tm) =	ssettm $0x7FFFFFFF  }
0xc3: {  	_ =	shalt  }
tec
execute0_lowered:
.L_overlay_start_1:
0x0: {  	(tag) =	ssettag $0x1  }
0x1: {  	s0 =	srdreg.scid;
	s5 =	rddreg [dreg:$0x0]  }
0x2: {  	s2 =	stileid.u32;
	s14 =	rddreg [dreg:$0x1]  }
0x3: {  	s19 =	simm.s32 $0x6000;
	s20 =	simm.s32 $0x6100;
	s21 =	simm.s32 $0x6200  }
0x4: {  	s22 =	simm.s32 $0x6400;
	s23 =	simm.s32 $0x6500;
	s0 =	sand.u32 $0x1, s0  }
0x5: {  	s24 =	simm.s32 $0x8680;
	s4 =	sand.u32 $0x3, s2;
	s1 =	sshll.u32 s0, $0x4  }
0x6: {  	s12 =	sadd.s32 $0x102600, s5;
	p1 =	sne.s32 s4, $0x0;
	s1 =	sor.u32 s2, s1  }
0x7: {  	s25 =	sshll.u32 s4, $0x8;
	s0 =	ssub.s32 $0x2, s0;
	p0 =	seq.s32 s1, $0x0  }
0x8: {  	s2 =	simm.s32 $0x1;
	s26 =	sshrl.u32 s0, $0x1;
	p0 =	por !p1, !p0  }
0x9: {  	s3 =	sshrl.u32 s1, $0x2;
	s1 =	smul.u32 $0x422, s1;
	p0 =	por !p0, !p0  }
0xa: {  	s15 =	smul.u32 $0x2100, s4;
	s0 =	ssub.s32 s0, s26;
	s2 =	simm.s32 @!p0 $0x0  }
0xb: {  	s26 =	simm.s32 $0x0;
	s1 =	sadd.s32 s1, s5;
	s9 =	ssub.s32 s3, s2  }
0xc: {  	s2 =	simm.s32 $0x0;
	s3 =	sshll.u32 s9, $0xA;
	s11 =	smul.u32 $0x6000, s9  }
0xd: {  	[smem:$0x7FF] =	sst s2;
	s17 =	smul.u32 $0x451800, s9;
	s6 =	sor.u32 s25, s3  }
0xe: {  	_ =	strace $0x8000004A;
	s3 =	smul.u32 $0x3, s6;
	s6 =	sshrl.u32 s6, $0x3  }
0xf: {  	s28 =	sshrl.u32 s11, $0x3;
	s8 =	sadd.s32 $0x2400, s11;
	s10 =	sadd.s32 $0x3000, s11  }
0x10: {  	s16 =	sadd.s32 $0x3C00, s11;
	s30 =	sadd.s32 $0x4800, s11;
	s18 =	sadd.s32 $0x5400, s11  }
0x11: {  	s15 =	sadd.s32 s15, s17;
	s17 =	simm.s32 $0x6300;
	s6 =	sadd.s32 s6, s5  }
0x12: {  	s8 =	sshrl.u32 s8, $0x3;
	s10 =	sshrl.u32 s10, $0x3;
	s16 =	sshrl.u32 s16, $0x3  }
0x13: {  	v0 =	vimm.s32 $0xEDCBA987;
	s31 =	sshrl.u32 s18, $0x3;
	s15 =	sshrl.u32 s15, $0x3;
	s18 =	simm.s32 $0xC900  }
0x14: {  	v1 =	vimm.s32 $0x65432100;
	v2 =	vunpack.c.l.s4.s8 v0;
	s7 =	sshrl.u32 s3, $0x3;
	s3 =	simm.s32 $0x1;
	s29 =	sadd.s32 $0x101600, s6  }
0x15: {  	v0 =	vlaneseq.u32;
	v3 =	vunpack.c.l.s4.s8 v1;
	s8 =	sadd.s32 s12, s8;
	s9 =	sadd.s32 s12, s10;
	s10 =	sadd.s32 s12, s16  }
0x16: {  	v1 =	vmul.u32 $0x3, v0;
	v4 =	vunpack.c.0.s8.s32 v2;
	s16 =	sshrl.u32 s30, $0x3;
	s14 =	sadd.s32 s14, s15;
	s15 =	sadd.s32 $0x108600, s1  }
0x17: {  	vm0 =	vmmov $0x1;
	v6 =	vadd.s32 $0xF, v0;
	v5 =	vunpack.c.0.s8.s32 v3;
	s13 =	sadd.s32 s7, s5;
	[dreg:$0x3] =	wrdreg s29;
	s5 =	sadd.s32 s12, s28  }
0x18: {  	v7 =	vadd.s32 $0x1F, v0;
	v2 =	vadd.s32 $0x1, v1;
	v4 =	vand.u32 $0xF, v4;
	s11 =	sadd.s32 s12, s16;
	s12 =	sadd.s32 s12, s31;
	s16 =	smax.u32 s0, $0x1  }
0x19: {  	v3 =	vadd.s32 $0x2, v1;
	v4 =	vcombine.low v5, v4;
	v5 =	vadd.s32 $0xFFFFFFFF, v0;
	s6 =	sadd.s32 $0x180, s5;
	s7 =	sadd.s32 $0x300, s5;
	s13 =	sadd.s32 $0x101A00, s13  }
.LBB2_1:
0x1a: {  	s0 =	rddreg [dreg:$0x3]  }
0x1b: {  	[tilespmem:s17], [sflag:$0x1] =	stream.linear.gather [hbm4b:s0+s2], $0x100, $0x38;
	[tilespmem:$0xD500] =	vst v63  }
0x1c: {  	_ =	swait.ge [sflag:s3], $0x100  }
0x1d: {  	[sflag:s3] =	ssyncset.done $0x0  }
0x1e: {  	v8 =	vor.u32 s2, v1;
	[sflag:s3] =	ssyncadd.s32 $0xFFFFFF00  }
0x1f: {  	[tilespmem:s18], [sflag:$0x1] =	stream.linear.gather [hbm4b:s5+s2], $0xC00, $0x38;
	[tilespmem:$0xD500] =	vst v63  }
0x20: {  	_ =	swait.ge [sflag:s3], $0xC00  }
0x21: {  	[sflag:s3] =	ssyncset.done $0x0  }
0x22: {  	[sflag:s3] =	ssyncadd.s32 $0xFFFFF400  }
0x23: {  	v8 =	vld.idx.msk [tilespmem:v8+s18+$0x0], $0xffff  }
0x24: {  	v9 =	vor.u32 s2, v2;
	_ =	sdelay $0x2  }
0x25: {  	s1 =	simm.s32 $0x20  }
0x26: {  	[tilespmem:s1+$0xFFFFFFE0] =	vst v8  }
0x27: {  	v8 =	vld.idx.msk [tilespmem:v9+s18+$0x0], $0xffff  }
0x28: {  	v9 =	vor.u32 s2, v3;
	_ =	sdelay $0x2  }
0x29: {  	s28 =	simm.s32 $0x2020  }
0x2a: {  	[tilespmem:s28+$0xFFFFFFE0] =	vst v8  }
0x2b: {  	s25 =	simm.s32 $0x30;
	v8 =	vld.idx.msk [tilespmem:v9+s18+$0x0], $0xffff  }
0x2c: {  	v9 =	vadd.s32 s25, v1;
	_ =	sdelay $0x2  }
0x2d: {  	s30 =	simm.s32 $0x4020  }
0x2e: {  	[tilespmem:s30+$0xFFFFFFE0] =	vst v8  }
0x2f: {  	v8 =	vld.idx.msk [tilespmem:v9+s18+$0x0], $0xffff  }
0x30: {  	v9 =	vadd.s32 s25, v2;
	_ =	sdelay $0x3  }
0x31: {  	[tilespmem:s1+$0xFFFFFFF0] =	vst v8  }
0x32: {  	v8 =	vld.idx.msk [tilespmem:v9+s18+$0x0], $0xffff  }
0x33: {  	v9 =	vadd.s32 s25, v3;
	_ =	sdelay $0x3  }
0x34: {  	[tilespmem:s28+$0xFFFFFFF0] =	vst v8  }
0x35: {  	s4 =	simm.s32 $0x60;
	v8 =	vld.idx.msk [tilespmem:v9+s18+$0x0], $0xffff  }
0x36: {  	v9 =	vadd.s32 s4, v1;
	_ =	sdelay $0x3  }
0x37: {  	[tilespmem:s30+$0xFFFFFFF0] =	vst v8  }
0x38: {  	v8 =	vld.idx.msk [tilespmem:v9+s18+$0x0], $0xffff  }
0x39: {  	v9 =	vadd.s32 s4, v2;
	_ =	sdelay $0x3  }
0x3a: {  	[tilespmem:s1+$0x0] =	vst v8  }
0x3b: {  	v8 =	vld.idx.msk [tilespmem:v9+s18+$0x0], $0xffff  }
0x3c: {  	v9 =	vadd.s32 s4, v3;
	_ =	sdelay $0x3  }
0x3d: {  	[tilespmem:s28+$0x0] =	vst v8  }
0x3e: {  	s25 =	simm.s32 $0x90;
	v8 =	vld.idx.msk [tilespmem:v9+s18+$0x0], $0xffff  }
0x3f: {  	v9 =	vadd.s32 s25, v1;
	_ =	sdelay $0x3  }
0x40: {  	[tilespmem:s30+$0x0] =	vst v8  }
0x41: {  	v8 =	vld.idx.msk [tilespmem:v9+s18+$0x0], $0xffff  }
0x42: {  	v9 =	vadd.s32 s25, v2;
	_ =	sdelay $0x3  }
0x43: {  	[tilespmem:s1+$0x10] =	vst v8  }
0x44: {  	v8 =	vld.idx.msk [tilespmem:v9+s18+$0x0], $0xffff  }
0x45: {  	v9 =	vadd.s32 s25, v3;
	_ =	sdelay $0x3  }
0x46: {  	[tilespmem:s28+$0x10] =	vst v8  }
0x47: {  	s29 =	simm.s32 $0xC0;
	v9 =	vld.idx.msk [tilespmem:v9+s18+$0x0], $0xffff  }
0x48: {  	v8 =	vor.u32 s29, v1;
	_ =	sdelay $0x2  }
0x49: {  	s31 =	simm.s32 $0x4;
	s0 =	simm.s32 $0x4060  }
.LBB2_2:
0x4a: {  	s31 =	sadd.s32 $0x4, s31;
	[tilespmem:s30+$0x10] =	vst v9;
	s1 =	sadd.s32 $0x40, s1;
	s28 =	sadd.s32 $0x40, s28  }
0x4b: {  	s30 =	smov.u32 s0;
	p0 =	slt.u32 s31, $0x3C;
	v8 =	vld.idx.msk [tilespmem:v8+s18+$0x0], $0xffff;
	_ =	sdelay $0x1  }
0x4c: {  	v9 =	vor.u32 s29, v2;
	_ =	sdelay $0x3  }
0x4d: {  	[tilespmem:s1+$0xFFFFFFE0] =	vst v8  }
0x4e: {  	v8 =	vld.idx.msk [tilespmem:v9+s18+$0x0], $0xffff;
	_ =	sdelay $0x1  }
0x4f: {  	v9 =	vor.u32 s29, v3;
	_ =	sdelay $0x3  }
0x50: {  	[tilespmem:s28+$0xFFFFFFE0] =	vst v8  }
0x51: {  	v8 =	vld.idx.msk [tilespmem:v9+s18+$0x0], $0xffff  }
0x52: {  	s25 =	sadd.s32 $0x30, s29  }
0x53: {  	v9 =	vadd.s32 s25, v1;
	_ =	sdelay $0x3  }
0x54: {  	[tilespmem:s0+$0xFFFFFFE0] =	vst v8  }
0x55: {  	v8 =	vld.idx.msk [tilespmem:v9+s18+$0x0], $0xffff;
	_ =	sdelay $0x1  }
0x56: {  	v9 =	vadd.s32 s25, v2;
	_ =	sdelay $0x3  }
0x57: {  	[tilespmem:s1+$0xFFFFFFF0] =	vst v8  }
0x58: {  	v8 =	vld.idx.msk [tilespmem:v9+s18+$0x0], $0xffff;
	_ =	sdelay $0x1  }
0x59: {  	v9 =	vadd.s32 s25, v3;
	_ =	sdelay $0x3  }
0x5a: {  	[tilespmem:s28+$0xFFFFFFF0] =	vst v8  }
0x5b: {  	v8 =	vld.idx.msk [tilespmem:v9+s18+$0x0], $0xffff  }
0x5c: {  	s25 =	sadd.s32 $0x60, s29  }
0x5d: {  	v9 =	vadd.s32 s25, v1;
	_ =	sdelay $0x3  }
0x5e: {  	[tilespmem:s0+$0xFFFFFFF0] =	vst v8  }
0x5f: {  	v8 =	vld.idx.msk [tilespmem:v9+s18+$0x0], $0xffff;
	_ =	sdelay $0x1  }
0x60: {  	v9 =	vadd.s32 s25, v2;
	_ =	sdelay $0x3  }
0x61: {  	[tilespmem:s1+$0x0] =	vst v8  }
0x62: {  	v8 =	vld.idx.msk [tilespmem:v9+s18+$0x0], $0xffff;
	_ =	sdelay $0x1  }
0x63: {  	v9 =	vadd.s32 s25, v3;
	_ =	sdelay $0x3  }
0x64: {  	[tilespmem:s28+$0x0] =	vst v8  }
0x65: {  	v8 =	vld.idx.msk [tilespmem:v9+s18+$0x0], $0xffff  }
0x66: {  	s25 =	sadd.s32 $0x90, s29  }
0x67: {  	v9 =	vadd.s32 s25, v1;
	_ =	sdelay $0x3  }
0x68: {  	[tilespmem:s0+$0x0] =	vst v8  }
0x69: {  	v8 =	vld.idx.msk [tilespmem:v9+s18+$0x0], $0xffff;
	_ =	sdelay $0x1  }
0x6a: {  	v9 =	vadd.s32 s25, v2;
	_ =	sdelay $0x3  }
0x6b: {  	[tilespmem:s1+$0x10] =	vst v8  }
0x6c: {  	v8 =	vld.idx.msk [tilespmem:v9+s18+$0x0], $0xffff;
	_ =	sdelay $0x1  }
0x6d: {  	v9 =	vadd.s32 s25, v3;
	_ =	sdelay $0x3  }
0x6e: {  	[tilespmem:s28+$0x10] =	vst v8  }
0x6f: {  	v9 =	vld.idx.msk [tilespmem:v9+s18+$0x0], $0xffff  }
.Ltmp0:
0x70: {  	s29 =	sadd.s32 $0xC0, s29;
	(pc) =	sbr.rel @p0 .LBB2_2-.Ltmp0, $2  }
0x71: {  	v8 =	vor.u32 s29, v1;
	_ =	sdelay $0x2  }
0x72: {  	s0 =	sadd.s32 $0x40, s0  }
0x73: {  	_ =	sdelay $0x2  }
0x74: {  	[tilespmem:s30+$0x10] =	vst v9  }
0x75: {  	v8 =	vld.idx.msk [tilespmem:v8+s18+$0x0], $0xffff  }
0x76: {  	v9 =	vor.u32 s29, v2;
	_ =	sdelay $0x2  }
0x77: {  	s1 =	sadd.s32 $0x40, s1  }
0x78: {  	[tilespmem:s1+$0xFFFFFFE0] =	vst v8  }
0x79: {  	v8 =	vld.idx.msk [tilespmem:v9+s18+$0x0], $0xffff  }
0x7a: {  	v9 =	vor.u32 s29, v3;
	_ =	sdelay $0x2  }
0x7b: {  	s25 =	sadd.s32 $0x40, s28  }
0x7c: {  	[tilespmem:s25+$0xFFFFFFE0] =	vst v8  }
0x7d: {  	s28 =	sadd.s32 $0x30, s29;
	v8 =	vld.idx.msk [tilespmem:v9+s18+$0x0], $0xffff  }
0x7e: {  	v9 =	vadd.s32 s28, v1;
	_ =	sdelay $0x3  }
0x7f: {  	[tilespmem:s0+$0xFFFFFFE0] =	vst v8  }
0x80: {  	v8 =	vld.idx.msk [tilespmem:v9+s18+$0x0], $0xffff  }
0x81: {  	v9 =	vadd.s32 s28, v2;
	_ =	sdelay $0x3  }
0x82: {  	[tilespmem:s1+$0xFFFFFFF0] =	vst v8  }
0x83: {  	v8 =	vld.idx.msk [tilespmem:v9+s18+$0x0], $0xffff  }
0x84: {  	v9 =	vadd.s32 s28, v3;
	_ =	sdelay $0x3  }
0x85: {  	[tilespmem:s25+$0xFFFFFFF0] =	vst v8  }
0x86: {  	s28 =	sadd.s32 $0x60, s29;
	v8 =	vld.idx.msk [tilespmem:v9+s18+$0x0], $0xffff  }
0x87: {  	v9 =	vadd.s32 s28, v1;
	_ =	sdelay $0x3  }
0x88: {  	[tilespmem:s0+$0xFFFFFFF0] =	vst v8  }
0x89: {  	v8 =	vld.idx.msk [tilespmem:v9+s18+$0x0], $0xffff  }
0x8a: {  	v9 =	vadd.s32 s28, v2;
	_ =	sdelay $0x3  }
0x8b: {  	[tilespmem:s1+$0x0] =	vst v8  }
0x8c: {  	v8 =	vld.idx.msk [tilespmem:v9+s18+$0x0], $0xffff  }
0x8d: {  	v9 =	vadd.s32 s28, v3;
	_ =	sdelay $0x3  }
0x8e: {  	[tilespmem:s25+$0x0] =	vst v8  }
0x8f: {  	s28 =	sadd.s32 $0x90, s29;
	v8 =	vld.idx.msk [tilespmem:v9+s18+$0x0], $0xffff  }
0x90: {  	v9 =	vadd.s32 s28, v1;
	_ =	sdelay $0x3  }
0x91: {  	[tilespmem:s0+$0x0] =	vst v8  }
0x92: {  	v8 =	vld.idx.msk [tilespmem:v9+s18+$0x0], $0xffff  }
0x93: {  	v9 =	vadd.s32 s28, v2;
	_ =	sdelay $0x3  }
0x94: {  	[tilespmem:s1+$0x10] =	vst v8  }
0x95: {  	v8 =	vld.idx.msk [tilespmem:v9+s18+$0x0], $0xffff  }
0x96: {  	v9 =	vadd.s32 s28, v3;
	_ =	sdelay $0x3  }
0x97: {  	[tilespmem:s25+$0x10] =	vst v8  }
0x98: {  	v8 =	vld.idx.msk [tilespmem:v9+s18+$0x0], $0xffff;
	_ =	sdelay $0x3  }
0x99: {  	s4 =	simm.s32 $0x0  }
0x9a: {  	[tilespmem:s0+$0x10] =	vst v8;
	v8 =	vor.u32 s4, v1  }
0x9b: {  	[tilespmem:s18], [sflag:$0x1] =	stream.linear.gather [hbm4b:s6+s2], $0xC00, $0x38;
	[tilespmem:$0xD500] =	vst v63  }
0x9c: {  	_ =	swait.ge [sflag:s3], $0xC00  }
0x9d: {  	[sflag:s3] =	ssyncset.done $0x0  }
0x9e: {  	[sflag:s3] =	ssyncadd.s32 $0xFFFFF400  }
0x9f: {  	v8 =	vld.idx.msk [tilespmem:v8+s18+$0x0], $0xffff  }
0xa0: {  	v9 =	vor.u32 s4, v2;
	_ =	sdelay $0x2  }
0xa1: {  	s1 =	simm.s32 $0x430  }
0xa2: {  	[tilespmem:s1+$0xFFFFFFD0] =	vst v8  }
0xa3: {  	v8 =	vld.idx.msk [tilespmem:v9+s18+$0x0], $0xffff  }
0xa4: {  	v9 =	vor.u32 s4, v3;
	_ =	sdelay $0x2  }
0xa5: {  	s28 =	simm.s32 $0x2430  }
0xa6: {  	[tilespmem:s28+$0xFFFFFFD0] =	vst v8  }
0xa7: {  	s25 =	simm.s32 $0x30;
	v8 =	vld.idx.msk [tilespmem:v9+s18+$0x0], $0xffff  }
0xa8: {  	v9 =	vadd.s32 s25, v1;
	_ =	sdelay $0x2  }
0xa9: {  	s30 =	simm.s32 $0x4430  }
0xaa: {  	[tilespmem:s30+$0xFFFFFFD0] =	vst v8  }
0xab: {  	v8 =	vld.idx.msk [tilespmem:v9+s18+$0x0], $0xffff  }
0xac: {  	v9 =	vadd.s32 s25, v2;
	_ =	sdelay $0x3  }
0xad: {  	[tilespmem:s1+$0xFFFFFFE0] =	vst v8  }
0xae: {  	v8 =	vld.idx.msk [tilespmem:v9+s18+$0x0], $0xffff  }
0xaf: {  	v9 =	vadd.s32 s25, v3;
	_ =	sdelay $0x3  }
0xb0: {  	[tilespmem:s28+$0xFFFFFFE0] =	vst v8  }
0xb1: {  	s4 =	simm.s32 $0x60;
	v8 =	vld.idx.msk [tilespmem:v9+s18+$0x0], $0xffff  }
0xb2: {  	v9 =	vadd.s32 s4, v1;
	_ =	sdelay $0x3  }
0xb3: {  	[tilespmem:s30+$0xFFFFFFE0] =	vst v8  }
0xb4: {  	v8 =	vld.idx.msk [tilespmem:v9+s18+$0x0], $0xffff  }
0xb5: {  	v9 =	vadd.s32 s4, v2;
	_ =	sdelay $0x3  }
0xb6: {  	[tilespmem:s1+$0xFFFFFFF0] =	vst v8  }
0xb7: {  	v8 =	vld.idx.msk [tilespmem:v9+s18+$0x0], $0xffff  }
0xb8: {  	v9 =	vadd.s32 s4, v3;
	_ =	sdelay $0x3  }
0xb9: {  	[tilespmem:s28+$0xFFFFFFF0] =	vst v8  }
0xba: {  	s25 =	simm.s32 $0x90;
	v8 =	vld.idx.msk [tilespmem:v9+s18+$0x0], $0xffff  }
0xbb: {  	v9 =	vadd.s32 s25, v1;
	_ =	sdelay $0x3  }
0xbc: {  	[tilespmem:s30+$0xFFFFFFF0] =	vst v8  }
0xbd: {  	v8 =	vld.idx.msk [tilespmem:v9+s18+$0x0], $0xffff  }
0xbe: {  	v9 =	vadd.s32 s25, v2;
	_ =	sdelay $0x3  }
0xbf: {  	[tilespmem:s1+$0x0] =	vst v8  }
0xc0: {  	v8 =	vld.idx.msk [tilespmem:v9+s18+$0x0], $0xffff  }
0xc1: {  	v9 =	vadd.s32 s25, v3;
	_ =	sdelay $0x3  }
0xc2: {  	[tilespmem:s28+$0x0] =	vst v8  }
0xc3: {  	s25 =	simm.s32 $0xC0;
	v8 =	vld.idx.msk [tilespmem:v9+s18+$0x0], $0xffff  }
0xc4: {  	v9 =	vor.u32 s25, v1;
	_ =	sdelay $0x2  }
0xc5: {  	s31 =	simm.s32 $0x4;
	s29 =	simm.s32 $0x150;
	s0 =	simm.s32 $0x4470  }
.LBB2_4:
0xc6: {  	s31 =	sadd.s32 $0x4, s31;
	[tilespmem:s30+$0x0] =	vst v8;
	s1 =	sadd.s32 $0x40, s1;
	s28 =	sadd.s32 $0x40, s28  }
0xc7: {  	s30 =	smov.u32 s0;
	p0 =	slt.u32 s31, $0x3C;
	v8 =	vld.idx.msk [tilespmem:v9+s18+$0x0], $0xffff;
	_ =	sdelay $0x1  }
0xc8: {  	v9 =	vor.u32 s25, v2;
	_ =	sdelay $0x3  }
0xc9: {  	[tilespmem:s1+$0xFFFFFFD0] =	vst v8  }
0xca: {  	v8 =	vld.idx.msk [tilespmem:v9+s18+$0x0], $0xffff;
	_ =	sdelay $0x1  }
0xcb: {  	v9 =	vor.u32 s25, v3;
	_ =	sdelay $0x3  }
0xcc: {  	[tilespmem:s28+$0xFFFFFFD0] =	vst v8  }
0xcd: {  	v8 =	vld.idx.msk [tilespmem:v9+s18+$0x0], $0xffff  }
0xce: {  	s25 =	sadd.s32 $0xFFFFFFA0, s29  }
0xcf: {  	v9 =	vadd.s32 s25, v1;
	_ =	sdelay $0x3  }
0xd0: {  	[tilespmem:s0+$0xFFFFFFD0] =	vst v8  }
0xd1: {  	v8 =	vld.idx.msk [tilespmem:v9+s18+$0x0], $0xffff;
	_ =	sdelay $0x1  }
0xd2: {  	v9 =	vadd.s32 s25, v2;
	_ =	sdelay $0x3  }
0xd3: {  	[tilespmem:s1+$0xFFFFFFE0] =	vst v8  }
0xd4: {  	v8 =	vld.idx.msk [tilespmem:v9+s18+$0x0], $0xffff;
	_ =	sdelay $0x1  }
0xd5: {  	v9 =	vadd.s32 s25, v3;
	_ =	sdelay $0x3  }
0xd6: {  	[tilespmem:s28+$0xFFFFFFE0] =	vst v8  }
0xd7: {  	v8 =	vld.idx.msk [tilespmem:v9+s18+$0x0], $0xffff  }
0xd8: {  	s25 =	sadd.s32 $0xFFFFFFD0, s29  }
0xd9: {  	v9 =	vadd.s32 s25, v1;
	_ =	sdelay $0x3  }
0xda: {  	[tilespmem:s0+$0xFFFFFFE0] =	vst v8  }
0xdb: {  	v8 =	vld.idx.msk [tilespmem:v9+s18+$0x0], $0xffff;
	_ =	sdelay $0x1  }
0xdc: {  	v9 =	vadd.s32 s25, v2;
	_ =	sdelay $0x3  }
0xdd: {  	[tilespmem:s1+$0xFFFFFFF0] =	vst v8  }
0xde: {  	v8 =	vld.idx.msk [tilespmem:v9+s18+$0x0], $0xffff;
	_ =	sdelay $0x1  }
0xdf: {  	v9 =	vadd.s32 s25, v3;
	_ =	sdelay $0x3  }
0xe0: {  	[tilespmem:s28+$0xFFFFFFF0] =	vst v8  }
0xe1: {  	v8 =	vld.idx.msk [tilespmem:v9+s18+$0x0], $0xffff;
	_ =	sdelay $0x1  }
0xe2: {  	v9 =	vadd.s32 s29, v1;
	_ =	sdelay $0x3  }
0xe3: {  	[tilespmem:s0+$0xFFFFFFF0] =	vst v8  }
0xe4: {  	v8 =	vld.idx.msk [tilespmem:v9+s18+$0x0], $0xffff;
	_ =	sdelay $0x1  }
0xe5: {  	v9 =	vadd.s32 s29, v2;
	_ =	sdelay $0x3  }
0xe6: {  	[tilespmem:s1+$0x0] =	vst v8  }
0xe7: {  	v8 =	vld.idx.msk [tilespmem:v9+s18+$0x0], $0xffff;
	_ =	sdelay $0x1  }
0xe8: {  	v9 =	vadd.s32 s29, v3;
	_ =	sdelay $0x3  }
0xe9: {  	[tilespmem:s28+$0x0] =	vst v8  }
0xea: {  	s29 =	sadd.s32 $0xC0, s29;
	v8 =	vld.idx.msk [tilespmem:v9+s18+$0x0], $0xffff  }
.Ltmp1:
0xeb: {  	s25 =	sadd.s32 $0xFFFFFF70, s29;
	(pc) =	sbr.rel @p0 .LBB2_4-.Ltmp1, $2  }
0xec: {  	v9 =	vor.u32 s25, v1;
	_ =	sdelay $0x2  }
0xed: {  	s0 =	sadd.s32 $0x40, s0  }
0xee: {  	_ =	sdelay $0x2  }
0xef: {  	[tilespmem:s30+$0x0] =	vst v8  }
0xf0: {  	v8 =	vld.idx.msk [tilespmem:v9+s18+$0x0], $0xffff  }
0xf1: {  	v9 =	vor.u32 s25, v2;
	_ =	sdelay $0x2  }
0xf2: {  	s1 =	sadd.s32 $0x40, s1  }
0xf3: {  	[tilespmem:s1+$0xFFFFFFD0] =	vst v8  }
0xf4: {  	v8 =	vld.idx.msk [tilespmem:v9+s18+$0x0], $0xffff  }
0xf5: {  	v9 =	vor.u32 s25, v3;
	_ =	sdelay $0x2  }
0xf6: {  	s4 =	sadd.s32 $0x40, s28  }
0xf7: {  	[tilespmem:s4+$0xFFFFFFD0] =	vst v8  }
0xf8: {  	s28 =	sadd.s32 $0xFFFFFFA0, s29;
	v8 =	vld.idx.msk [tilespmem:v9+s18+$0x0], $0xffff  }
0xf9: {  	v9 =	vadd.s32 s28, v1;
	_ =	sdelay $0x3  }
0xfa: {  	[tilespmem:s0+$0xFFFFFFD0] =	vst v8  }
0xfb: {  	v8 =	vld.idx.msk [tilespmem:v9+s18+$0x0], $0xffff  }
0xfc: {  	v9 =	vadd.s32 s28, v2;
	_ =	sdelay $0x3  }
0xfd: {  	[tilespmem:s1+$0xFFFFFFE0] =	vst v8  }
0xfe: {  	v8 =	vld.idx.msk [tilespmem:v9+s18+$0x0], $0xffff  }
0xff: {  	v9 =	vadd.s32 s28, v3;
	_ =	sdelay $0x3  }
0x100: {  	[tilespmem:s4+$0xFFFFFFE0] =	vst v8  }
0x101: {  	s28 =	sadd.s32 $0xFFFFFFD0, s29;
	v8 =	vld.idx.msk [tilespmem:v9+s18+$0x0], $0xffff  }
0x102: {  	v9 =	vadd.s32 s28, v1;
	_ =	sdelay $0x3  }
0x103: {  	[tilespmem:s0+$0xFFFFFFE0] =	vst v8  }
0x104: {  	v8 =	vld.idx.msk [tilespmem:v9+s18+$0x0], $0xffff  }
0x105: {  	v9 =	vadd.s32 s28, v2;
	_ =	sdelay $0x3  }
0x106: {  	[tilespmem:s1+$0xFFFFFFF0] =	vst v8  }
0x107: {  	v8 =	vld.idx.msk [tilespmem:v9+s18+$0x0], $0xffff  }
0x108: {  	v9 =	vadd.s32 s28, v3;
	_ =	sdelay $0x3  }
0x109: {  	[tilespmem:s4+$0xFFFFFFF0] =	vst v8  }
0x10a: {  	v8 =	vld.idx.msk [tilespmem:v9+s18+$0x0], $0xffff  }
0x10b: {  	v9 =	vadd.s32 s29, v1;
	_ =	sdelay $0x3  }
0x10c: {  	[tilespmem:s0+$0xFFFFFFF0] =	vst v8  }
0x10d: {  	v8 =	vld.idx.msk [tilespmem:v9+s18+$0x0], $0xffff  }
0x10e: {  	v9 =	vadd.s32 s29, v2;
	_ =	sdelay $0x3  }
0x10f: {  	[tilespmem:s1+$0x0] =	vst v8  }
0x110: {  	v8 =	vld.idx.msk [tilespmem:v9+s18+$0x0], $0xffff  }
0x111: {  	v9 =	vadd.s32 s29, v3;
	_ =	sdelay $0x3  }
0x112: {  	[tilespmem:s4+$0x0] =	vst v8  }
0x113: {  	v8 =	vld.idx.msk [tilespmem:v9+s18+$0x0], $0xffff;
	_ =	sdelay $0x3  }
0x114: {  	s4 =	simm.s32 $0x0  }
0x115: {  	[tilespmem:s0+$0x0] =	vst v8;
	v8 =	vor.u32 s4, v1  }
0x116: {  	[tilespmem:s18], [sflag:$0x1] =	stream.linear.gather [hbm4b:s7+s2], $0xC00, $0x38;
	[tilespmem:$0xD500] =	vst v63  }
0x117: {  	_ =	swait.ge [sflag:s3], $0xC00  }
0x118: {  	[sflag:s3] =	ssyncset.done $0x0  }
0x119: {  	[sflag:s3] =	ssyncadd.s32 $0xFFFFF400  }
0x11a: {  	v8 =	vld.idx.msk [tilespmem:v8+s18+$0x0], $0xffff  }
0x11b: {  	v9 =	vor.u32 s4, v2;
	_ =	sdelay $0x2  }
0x11c: {  	s1 =	simm.s32 $0x830  }
0x11d: {  	[tilespmem:s1+$0xFFFFFFD0] =	vst v8  }
0x11e: {  	v8 =	vld.idx.msk [tilespmem:v9+s18+$0x0], $0xffff  }
0x11f: {  	v9 =	vor.u32 s4, v3;
	_ =	sdelay $0x2  }
0x120: {  	s28 =	simm.s32 $0x2830  }
0x121: {  	[tilespmem:s28+$0xFFFFFFD0] =	vst v8  }
0x122: {  	s25 =	simm.s32 $0x30;
	v8 =	vld.idx.msk [tilespmem:v9+s18+$0x0], $0xffff  }
0x123: {  	v9 =	vadd.s32 s25, v1;
	_ =	sdelay $0x2  }
0x124: {  	s30 =	simm.s32 $0x4830  }
0x125: {  	[tilespmem:s30+$0xFFFFFFD0] =	vst v8  }
0x126: {  	v8 =	vld.idx.msk [tilespmem:v9+s18+$0x0], $0xffff  }
0x127: {  	v9 =	vadd.s32 s25, v2;
	_ =	sdelay $0x3  }
0x128: {  	[tilespmem:s1+$0xFFFFFFE0] =	vst v8  }
0x129: {  	v8 =	vld.idx.msk [tilespmem:v9+s18+$0x0], $0xffff  }
0x12a: {  	v9 =	vadd.s32 s25, v3;
	_ =	sdelay $0x3  }
0x12b: {  	[tilespmem:s28+$0xFFFFFFE0] =	vst v8  }
0x12c: {  	s4 =	simm.s32 $0x60;
	v8 =	vld.idx.msk [tilespmem:v9+s18+$0x0], $0xffff  }
0x12d: {  	v9 =	vadd.s32 s4, v1;
	_ =	sdelay $0x3  }
0x12e: {  	[tilespmem:s30+$0xFFFFFFE0] =	vst v8  }
0x12f: {  	v8 =	vld.idx.msk [tilespmem:v9+s18+$0x0], $0xffff  }
0x130: {  	v9 =	vadd.s32 s4, v2;
	_ =	sdelay $0x3  }
0x131: {  	[tilespmem:s1+$0xFFFFFFF0] =	vst v8  }
0x132: {  	v8 =	vld.idx.msk [tilespmem:v9+s18+$0x0], $0xffff  }
0x133: {  	v9 =	vadd.s32 s4, v3;
	_ =	sdelay $0x3  }
0x134: {  	[tilespmem:s28+$0xFFFFFFF0] =	vst v8  }
0x135: {  	s25 =	simm.s32 $0x90;
	v8 =	vld.idx.msk [tilespmem:v9+s18+$0x0], $0xffff  }
0x136: {  	v9 =	vadd.s32 s25, v1;
	_ =	sdelay $0x3  }
0x137: {  	[tilespmem:s30+$0xFFFFFFF0] =	vst v8  }
0x138: {  	v8 =	vld.idx.msk [tilespmem:v9+s18+$0x0], $0xffff  }
0x139: {  	v9 =	vadd.s32 s25, v2;
	_ =	sdelay $0x3  }
0x13a: {  	[tilespmem:s1+$0x0] =	vst v8  }
0x13b: {  	v8 =	vld.idx.msk [tilespmem:v9+s18+$0x0], $0xffff  }
0x13c: {  	v9 =	vadd.s32 s25, v3;
	_ =	sdelay $0x3  }
0x13d: {  	[tilespmem:s28+$0x0] =	vst v8  }
0x13e: {  	s25 =	simm.s32 $0xC0;
	v8 =	vld.idx.msk [tilespmem:v9+s18+$0x0], $0xffff  }
0x13f: {  	v9 =	vor.u32 s25, v1;
	_ =	sdelay $0x2  }
0x140: {  	s31 =	simm.s32 $0x4;
	s29 =	simm.s32 $0x150;
	s0 =	simm.s32 $0x4870  }
.LBB2_6:
0x141: {  	s31 =	sadd.s32 $0x4, s31;
	[tilespmem:s30+$0x0] =	vst v8;
	s1 =	sadd.s32 $0x40, s1;
	s28 =	sadd.s32 $0x40, s28  }
0x142: {  	s30 =	smov.u32 s0;
	p0 =	slt.u32 s31, $0x3C;
	v8 =	vld.idx.msk [tilespmem:v9+s18+$0x0], $0xffff;
	_ =	sdelay $0x1  }
0x143: {  	v9 =	vor.u32 s25, v2;
	_ =	sdelay $0x3  }
0x144: {  	[tilespmem:s1+$0xFFFFFFD0] =	vst v8  }
0x145: {  	v8 =	vld.idx.msk [tilespmem:v9+s18+$0x0], $0xffff;
	_ =	sdelay $0x1  }
0x146: {  	v9 =	vor.u32 s25, v3;
	_ =	sdelay $0x3  }
0x147: {  	[tilespmem:s28+$0xFFFFFFD0] =	vst v8  }
0x148: {  	v8 =	vld.idx.msk [tilespmem:v9+s18+$0x0], $0xffff  }
0x149: {  	s25 =	sadd.s32 $0xFFFFFFA0, s29  }
0x14a: {  	v9 =	vadd.s32 s25, v1;
	_ =	sdelay $0x3  }
0x14b: {  	[tilespmem:s0+$0xFFFFFFD0] =	vst v8  }
0x14c: {  	v8 =	vld.idx.msk [tilespmem:v9+s18+$0x0], $0xffff;
	_ =	sdelay $0x1  }
0x14d: {  	v9 =	vadd.s32 s25, v2;
	_ =	sdelay $0x3  }
0x14e: {  	[tilespmem:s1+$0xFFFFFFE0] =	vst v8  }
0x14f: {  	v8 =	vld.idx.msk [tilespmem:v9+s18+$0x0], $0xffff;
	_ =	sdelay $0x1  }
0x150: {  	v9 =	vadd.s32 s25, v3;
	_ =	sdelay $0x3  }
0x151: {  	[tilespmem:s28+$0xFFFFFFE0] =	vst v8  }
0x152: {  	v8 =	vld.idx.msk [tilespmem:v9+s18+$0x0], $0xffff  }
0x153: {  	s25 =	sadd.s32 $0xFFFFFFD0, s29  }
0x154: {  	v9 =	vadd.s32 s25, v1;
	_ =	sdelay $0x3  }
0x155: {  	[tilespmem:s0+$0xFFFFFFE0] =	vst v8  }
0x156: {  	v8 =	vld.idx.msk [tilespmem:v9+s18+$0x0], $0xffff;
	_ =	sdelay $0x1  }
0x157: {  	v9 =	vadd.s32 s25, v2;
	_ =	sdelay $0x3  }
0x158: {  	[tilespmem:s1+$0xFFFFFFF0] =	vst v8  }
0x159: {  	v8 =	vld.idx.msk [tilespmem:v9+s18+$0x0], $0xffff;
	_ =	sdelay $0x1  }
0x15a: {  	v9 =	vadd.s32 s25, v3;
	_ =	sdelay $0x3  }
0x15b: {  	[tilespmem:s28+$0xFFFFFFF0] =	vst v8  }
0x15c: {  	v8 =	vld.idx.msk [tilespmem:v9+s18+$0x0], $0xffff;
	_ =	sdelay $0x1  }
0x15d: {  	v9 =	vadd.s32 s29, v1;
	_ =	sdelay $0x3  }
0x15e: {  	[tilespmem:s0+$0xFFFFFFF0] =	vst v8  }
0x15f: {  	v8 =	vld.idx.msk [tilespmem:v9+s18+$0x0], $0xffff;
	_ =	sdelay $0x1  }
0x160: {  	v9 =	vadd.s32 s29, v2;
	_ =	sdelay $0x3  }
0x161: {  	[tilespmem:s1+$0x0] =	vst v8  }
0x162: {  	v8 =	vld.idx.msk [tilespmem:v9+s18+$0x0], $0xffff;
	_ =	sdelay $0x1  }
0x163: {  	v9 =	vadd.s32 s29, v3;
	_ =	sdelay $0x3  }
0x164: {  	[tilespmem:s28+$0x0] =	vst v8  }
0x165: {  	s29 =	sadd.s32 $0xC0, s29;
	v8 =	vld.idx.msk [tilespmem:v9+s18+$0x0], $0xffff  }
.Ltmp2:
0x166: {  	s25 =	sadd.s32 $0xFFFFFF70, s29;
	(pc) =	sbr.rel @p0 .LBB2_6-.Ltmp2, $2  }
0x167: {  	v9 =	vor.u32 s25, v1;
	_ =	sdelay $0x2  }
0x168: {  	s0 =	sadd.s32 $0x40, s0  }
0x169: {  	_ =	sdelay $0x2  }
0x16a: {  	[tilespmem:s30+$0x0] =	vst v8  }
0x16b: {  	v8 =	vld.idx.msk [tilespmem:v9+s18+$0x0], $0xffff  }
0x16c: {  	v9 =	vor.u32 s25, v2;
	_ =	sdelay $0x2  }
0x16d: {  	s1 =	sadd.s32 $0x40, s1  }
0x16e: {  	[tilespmem:s1+$0xFFFFFFD0] =	vst v8  }
0x16f: {  	v8 =	vld.idx.msk [tilespmem:v9+s18+$0x0], $0xffff  }
0x170: {  	v9 =	vor.u32 s25, v3;
	_ =	sdelay $0x2  }
0x171: {  	s4 =	sadd.s32 $0x40, s28  }
0x172: {  	[tilespmem:s4+$0xFFFFFFD0] =	vst v8  }
0x173: {  	s28 =	sadd.s32 $0xFFFFFFA0, s29;
	v8 =	vld.idx.msk [tilespmem:v9+s18+$0x0], $0xffff  }
0x174: {  	v9 =	vadd.s32 s28, v1;
	_ =	sdelay $0x3  }
0x175: {  	[tilespmem:s0+$0xFFFFFFD0] =	vst v8  }
0x176: {  	v8 =	vld.idx.msk [tilespmem:v9+s18+$0x0], $0xffff  }
0x177: {  	v9 =	vadd.s32 s28, v2;
	_ =	sdelay $0x3  }
0x178: {  	[tilespmem:s1+$0xFFFFFFE0] =	vst v8  }
0x179: {  	v8 =	vld.idx.msk [tilespmem:v9+s18+$0x0], $0xffff  }
0x17a: {  	v9 =	vadd.s32 s28, v3;
	_ =	sdelay $0x3  }
0x17b: {  	[tilespmem:s4+$0xFFFFFFE0] =	vst v8  }
0x17c: {  	s28 =	sadd.s32 $0xFFFFFFD0, s29;
	v8 =	vld.idx.msk [tilespmem:v9+s18+$0x0], $0xffff  }
0x17d: {  	v9 =	vadd.s32 s28, v1;
	_ =	sdelay $0x3  }
0x17e: {  	[tilespmem:s0+$0xFFFFFFE0] =	vst v8  }
0x17f: {  	v8 =	vld.idx.msk [tilespmem:v9+s18+$0x0], $0xffff  }
0x180: {  	v9 =	vadd.s32 s28, v2;
	_ =	sdelay $0x3  }
0x181: {  	[tilespmem:s1+$0xFFFFFFF0] =	vst v8  }
0x182: {  	v8 =	vld.idx.msk [tilespmem:v9+s18+$0x0], $0xffff  }
0x183: {  	v9 =	vadd.s32 s28, v3;
	_ =	sdelay $0x3  }
0x184: {  	[tilespmem:s4+$0xFFFFFFF0] =	vst v8  }
0x185: {  	v8 =	vld.idx.msk [tilespmem:v9+s18+$0x0], $0xffff  }
0x186: {  	v9 =	vadd.s32 s29, v1;
	_ =	sdelay $0x3  }
0x187: {  	[tilespmem:s0+$0xFFFFFFF0] =	vst v8  }
0x188: {  	v8 =	vld.idx.msk [tilespmem:v9+s18+$0x0], $0xffff  }
0x189: {  	v9 =	vadd.s32 s29, v2;
	_ =	sdelay $0x3  }
0x18a: {  	[tilespmem:s1+$0x0] =	vst v8  }
0x18b: {  	v8 =	vld.idx.msk [tilespmem:v9+s18+$0x0], $0xffff  }
0x18c: {  	v9 =	vadd.s32 s29, v3;
	_ =	sdelay $0x3  }
0x18d: {  	[tilespmem:s4+$0x0] =	vst v8  }
0x18e: {  	v8 =	vld.idx.msk [tilespmem:v9+s18+$0x0], $0xffff;
	_ =	sdelay $0x3  }
0x18f: {  	s4 =	simm.s32 $0x0  }
0x190: {  	[tilespmem:s0+$0x0] =	vst v8;
	v8 =	vor.u32 s4, v1  }
0x191: {  	[tilespmem:s18], [sflag:$0x1] =	stream.linear.gather [hbm4b:s8+s2], $0xC00, $0x38;
	[tilespmem:$0xD500] =	vst v63  }
0x192: {  	_ =	swait.ge [sflag:s3], $0xC00  }
0x193: {  	[sflag:s3] =	ssyncset.done $0x0  }
0x194: {  	[sflag:s3] =	ssyncadd.s32 $0xFFFFF400  }
0x195: {  	v8 =	vld.idx.msk [tilespmem:v8+s18+$0x0], $0xffff  }
0x196: {  	v9 =	vor.u32 s4, v2;
	_ =	sdelay $0x2  }
0x197: {  	s1 =	simm.s32 $0xC30  }
0x198: {  	[tilespmem:s1+$0xFFFFFFD0] =	vst v8  }
0x199: {  	v8 =	vld.idx.msk [tilespmem:v9+s18+$0x0], $0xffff  }
0x19a: {  	v9 =	vor.u32 s4, v3;
	_ =	sdelay $0x2  }
0x19b: {  	s28 =	simm.s32 $0x2C30  }
0x19c: {  	[tilespmem:s28+$0xFFFFFFD0] =	vst v8  }
0x19d: {  	s25 =	simm.s32 $0x30;
	v8 =	vld.idx.msk [tilespmem:v9+s18+$0x0], $0xffff  }
0x19e: {  	v9 =	vadd.s32 s25, v1;
	_ =	sdelay $0x2  }
0x19f: {  	s30 =	simm.s32 $0x4C30  }
0x1a0: {  	[tilespmem:s30+$0xFFFFFFD0] =	vst v8  }
0x1a1: {  	v8 =	vld.idx.msk [tilespmem:v9+s18+$0x0], $0xffff  }
0x1a2: {  	v9 =	vadd.s32 s25, v2;
	_ =	sdelay $0x3  }
0x1a3: {  	[tilespmem:s1+$0xFFFFFFE0] =	vst v8  }
0x1a4: {  	v8 =	vld.idx.msk [tilespmem:v9+s18+$0x0], $0xffff  }
0x1a5: {  	v9 =	vadd.s32 s25, v3;
	_ =	sdelay $0x3  }
0x1a6: {  	[tilespmem:s28+$0xFFFFFFE0] =	vst v8  }
0x1a7: {  	s4 =	simm.s32 $0x60;
	v8 =	vld.idx.msk [tilespmem:v9+s18+$0x0], $0xffff  }
0x1a8: {  	v9 =	vadd.s32 s4, v1;
	_ =	sdelay $0x3  }
0x1a9: {  	[tilespmem:s30+$0xFFFFFFE0] =	vst v8  }
0x1aa: {  	v8 =	vld.idx.msk [tilespmem:v9+s18+$0x0], $0xffff  }
0x1ab: {  	v9 =	vadd.s32 s4, v2;
	_ =	sdelay $0x3  }
0x1ac: {  	[tilespmem:s1+$0xFFFFFFF0] =	vst v8  }
0x1ad: {  	v8 =	vld.idx.msk [tilespmem:v9+s18+$0x0], $0xffff  }
0x1ae: {  	v9 =	vadd.s32 s4, v3;
	_ =	sdelay $0x3  }
0x1af: {  	[tilespmem:s28+$0xFFFFFFF0] =	vst v8  }
0x1b0: {  	s25 =	simm.s32 $0x90;
	v8 =	vld.idx.msk [tilespmem:v9+s18+$0x0], $0xffff  }
0x1b1: {  	v9 =	vadd.s32 s25, v1;
	_ =	sdelay $0x3  }
0x1b2: {  	[tilespmem:s30+$0xFFFFFFF0] =	vst v8  }
0x1b3: {  	v8 =	vld.idx.msk [tilespmem:v9+s18+$0x0], $0xffff  }
0x1b4: {  	v9 =	vadd.s32 s25, v2;
	_ =	sdelay $0x3  }
0x1b5: {  	[tilespmem:s1+$0x0] =	vst v8  }
0x1b6: {  	v8 =	vld.idx.msk [tilespmem:v9+s18+$0x0], $0xffff  }
0x1b7: {  	v9 =	vadd.s32 s25, v3;
	_ =	sdelay $0x3  }
0x1b8: {  	[tilespmem:s28+$0x0] =	vst v8  }
0x1b9: {  	s25 =	simm.s32 $0xC0;
	v8 =	vld.idx.msk [tilespmem:v9+s18+$0x0], $0xffff  }
0x1ba: {  	v9 =	vor.u32 s25, v1;
	_ =	sdelay $0x2  }
0x1bb: {  	s31 =	simm.s32 $0x4;
	s29 =	simm.s32 $0x150;
	s0 =	simm.s32 $0x4C70  }
.LBB2_8:
0x1bc: {  	s31 =	sadd.s32 $0x4, s31;
	[tilespmem:s30+$0x0] =	vst v8;
	s1 =	sadd.s32 $0x40, s1;
	s28 =	sadd.s32 $0x40, s28  }
0x1bd: {  	s30 =	smov.u32 s0;
	p0 =	slt.u32 s31, $0x3C;
	v8 =	vld.idx.msk [tilespmem:v9+s18+$0x0], $0xffff;
	_ =	sdelay $0x1  }
0x1be: {  	v9 =	vor.u32 s25, v2;
	_ =	sdelay $0x3  }
0x1bf: {  	[tilespmem:s1+$0xFFFFFFD0] =	vst v8  }
0x1c0: {  	v8 =	vld.idx.msk [tilespmem:v9+s18+$0x0], $0xffff;
	_ =	sdelay $0x1  }
0x1c1: {  	v9 =	vor.u32 s25, v3;
	_ =	sdelay $0x3  }
0x1c2: {  	[tilespmem:s28+$0xFFFFFFD0] =	vst v8  }
0x1c3: {  	v8 =	vld.idx.msk [tilespmem:v9+s18+$0x0], $0xffff  }
0x1c4: {  	s25 =	sadd.s32 $0xFFFFFFA0, s29  }
0x1c5: {  	v9 =	vadd.s32 s25, v1;
	_ =	sdelay $0x3  }
0x1c6: {  	[tilespmem:s0+$0xFFFFFFD0] =	vst v8  }
0x1c7: {  	v8 =	vld.idx.msk [tilespmem:v9+s18+$0x0], $0xffff;
	_ =	sdelay $0x1  }
0x1c8: {  	v9 =	vadd.s32 s25, v2;
	_ =	sdelay $0x3  }
0x1c9: {  	[tilespmem:s1+$0xFFFFFFE0] =	vst v8  }
0x1ca: {  	v8 =	vld.idx.msk [tilespmem:v9+s18+$0x0], $0xffff;
	_ =	sdelay $0x1  }
0x1cb: {  	v9 =	vadd.s32 s25, v3;
	_ =	sdelay $0x3  }
0x1cc: {  	[tilespmem:s28+$0xFFFFFFE0] =	vst v8  }
0x1cd: {  	v8 =	vld.idx.msk [tilespmem:v9+s18+$0x0], $0xffff  }
0x1ce: {  	s25 =	sadd.s32 $0xFFFFFFD0, s29  }
0x1cf: {  	v9 =	vadd.s32 s25, v1;
	_ =	sdelay $0x3  }
0x1d0: {  	[tilespmem:s0+$0xFFFFFFE0] =	vst v8  }
0x1d1: {  	v8 =	vld.idx.msk [tilespmem:v9+s18+$0x0], $0xffff;
	_ =	sdelay $0x1  }
0x1d2: {  	v9 =	vadd.s32 s25, v2;
	_ =	sdelay $0x3  }
0x1d3: {  	[tilespmem:s1+$0xFFFFFFF0] =	vst v8  }
0x1d4: {  	v8 =	vld.idx.msk [tilespmem:v9+s18+$0x0], $0xffff;
	_ =	sdelay $0x1  }
0x1d5: {  	v9 =	vadd.s32 s25, v3;
	_ =	sdelay $0x3  }
0x1d6: {  	[tilespmem:s28+$0xFFFFFFF0] =	vst v8  }
0x1d7: {  	v8 =	vld.idx.msk [tilespmem:v9+s18+$0x0], $0xffff;
	_ =	sdelay $0x1  }
0x1d8: {  	v9 =	vadd.s32 s29, v1;
	_ =	sdelay $0x3  }
0x1d9: {  	[tilespmem:s0+$0xFFFFFFF0] =	vst v8  }
0x1da: {  	v8 =	vld.idx.msk [tilespmem:v9+s18+$0x0], $0xffff;
	_ =	sdelay $0x1  }
0x1db: {  	v9 =	vadd.s32 s29, v2;
	_ =	sdelay $0x3  }
0x1dc: {  	[tilespmem:s1+$0x0] =	vst v8  }
0x1dd: {  	v8 =	vld.idx.msk [tilespmem:v9+s18+$0x0], $0xffff;
	_ =	sdelay $0x1  }
0x1de: {  	v9 =	vadd.s32 s29, v3;
	_ =	sdelay $0x3  }
0x1df: {  	[tilespmem:s28+$0x0] =	vst v8  }
0x1e0: {  	s29 =	sadd.s32 $0xC0, s29;
	v8 =	vld.idx.msk [tilespmem:v9+s18+$0x0], $0xffff  }
.Ltmp3:
0x1e1: {  	s25 =	sadd.s32 $0xFFFFFF70, s29;
	(pc) =	sbr.rel @p0 .LBB2_8-.Ltmp3, $2  }
0x1e2: {  	v9 =	vor.u32 s25, v1;
	_ =	sdelay $0x2  }
0x1e3: {  	s0 =	sadd.s32 $0x40, s0  }
0x1e4: {  	_ =	sdelay $0x2  }
0x1e5: {  	[tilespmem:s30+$0x0] =	vst v8  }
0x1e6: {  	v8 =	vld.idx.msk [tilespmem:v9+s18+$0x0], $0xffff  }
0x1e7: {  	v9 =	vor.u32 s25, v2;
	_ =	sdelay $0x2  }
0x1e8: {  	s1 =	sadd.s32 $0x40, s1  }
0x1e9: {  	[tilespmem:s1+$0xFFFFFFD0] =	vst v8  }
0x1ea: {  	v8 =	vld.idx.msk [tilespmem:v9+s18+$0x0], $0xffff  }
0x1eb: {  	v9 =	vor.u32 s25, v3;
	_ =	sdelay $0x2  }
0x1ec: {  	s4 =	sadd.s32 $0x40, s28  }
0x1ed: {  	[tilespmem:s4+$0xFFFFFFD0] =	vst v8  }
0x1ee: {  	s28 =	sadd.s32 $0xFFFFFFA0, s29;
	v8 =	vld.idx.msk [tilespmem:v9+s18+$0x0], $0xffff  }
0x1ef: {  	v9 =	vadd.s32 s28, v1;
	_ =	sdelay $0x3  }
0x1f0: {  	[tilespmem:s0+$0xFFFFFFD0] =	vst v8  }
0x1f1: {  	v8 =	vld.idx.msk [tilespmem:v9+s18+$0x0], $0xffff  }
0x1f2: {  	v9 =	vadd.s32 s28, v2;
	_ =	sdelay $0x3  }
0x1f3: {  	[tilespmem:s1+$0xFFFFFFE0] =	vst v8  }
0x1f4: {  	v8 =	vld.idx.msk [tilespmem:v9+s18+$0x0], $0xffff  }
0x1f5: {  	v9 =	vadd.s32 s28, v3;
	_ =	sdelay $0x3  }
0x1f6: {  	[tilespmem:s4+$0xFFFFFFE0] =	vst v8  }
0x1f7: {  	s28 =	sadd.s32 $0xFFFFFFD0, s29;
	v8 =	vld.idx.msk [tilespmem:v9+s18+$0x0], $0xffff  }
0x1f8: {  	v9 =	vadd.s32 s28, v1;
	_ =	sdelay $0x3  }
0x1f9: {  	[tilespmem:s0+$0xFFFFFFE0] =	vst v8  }
0x1fa: {  	v8 =	vld.idx.msk [tilespmem:v9+s18+$0x0], $0xffff  }
0x1fb: {  	v9 =	vadd.s32 s28, v2;
	_ =	sdelay $0x3  }
0x1fc: {  	[tilespmem:s1+$0xFFFFFFF0] =	vst v8  }
0x1fd: {  	v8 =	vld.idx.msk [tilespmem:v9+s18+$0x0], $0xffff  }
0x1fe: {  	v9 =	vadd.s32 s28, v3;
	_ =	sdelay $0x3  }
0x1ff: {  	[tilespmem:s4+$0xFFFFFFF0] =	vst v8  }
0x200: {  	v8 =	vld.idx.msk [tilespmem:v9+s18+$0x0], $0xffff  }
0x201: {  	v9 =	vadd.s32 s29, v1;
	_ =	sdelay $0x3  }
0x202: {  	[tilespmem:s0+$0xFFFFFFF0] =	vst v8  }
0x203: {  	v8 =	vld.idx.msk [tilespmem:v9+s18+$0x0], $0xffff  }
0x204: {  	v9 =	vadd.s32 s29, v2;
	_ =	sdelay $0x3  }
0x205: {  	[tilespmem:s1+$0x0] =	vst v8  }
0x206: {  	v8 =	vld.idx.msk [tilespmem:v9+s18+$0x0], $0xffff  }
0x207: {  	v9 =	vadd.s32 s29, v3;
	_ =	sdelay $0x3  }
0x208: {  	[tilespmem:s4+$0x0] =	vst v8  }
0x209: {  	v8 =	vld.idx.msk [tilespmem:v9+s18+$0x0], $0xffff;
	_ =	sdelay $0x3  }
0x20a: {  	s4 =	simm.s32 $0x0  }
0x20b: {  	[tilespmem:s0+$0x0] =	vst v8;
	v8 =	vor.u32 s4, v1  }
0x20c: {  	[tilespmem:s18], [sflag:$0x1] =	stream.linear.gather [hbm4b:s9+s2], $0xC00, $0x38;
	[tilespmem:$0xD500] =	vst v63  }
0x20d: {  	_ =	swait.ge [sflag:s3], $0xC00  }
0x20e: {  	[sflag:s3] =	ssyncset.done $0x0  }
0x20f: {  	[sflag:s3] =	ssyncadd.s32 $0xFFFFF400  }
0x210: {  	v8 =	vld.idx.msk [tilespmem:v8+s18+$0x0], $0xffff  }
0x211: {  	v9 =	vor.u32 s4, v2;
	_ =	sdelay $0x2  }
0x212: {  	s1 =	simm.s32 $0x1030  }
0x213: {  	[tilespmem:s1+$0xFFFFFFD0] =	vst v8  }
0x214: {  	v8 =	vld.idx.msk [tilespmem:v9+s18+$0x0], $0xffff  }
0x215: {  	v9 =	vor.u32 s4, v3;
	_ =	sdelay $0x2  }
0x216: {  	s28 =	simm.s32 $0x3030  }
0x217: {  	[tilespmem:s28+$0xFFFFFFD0] =	vst v8  }
0x218: {  	s25 =	simm.s32 $0x30;
	v8 =	vld.idx.msk [tilespmem:v9+s18+$0x0], $0xffff  }
0x219: {  	v9 =	vadd.s32 s25, v1;
	_ =	sdelay $0x2  }
0x21a: {  	s30 =	simm.s32 $0x5030  }
0x21b: {  	[tilespmem:s30+$0xFFFFFFD0] =	vst v8  }
0x21c: {  	v8 =	vld.idx.msk [tilespmem:v9+s18+$0x0], $0xffff  }
0x21d: {  	v9 =	vadd.s32 s25, v2;
	_ =	sdelay $0x3  }
0x21e: {  	[tilespmem:s1+$0xFFFFFFE0] =	vst v8  }
0x21f: {  	v8 =	vld.idx.msk [tilespmem:v9+s18+$0x0], $0xffff  }
0x220: {  	v9 =	vadd.s32 s25, v3;
	_ =	sdelay $0x3  }
0x221: {  	[tilespmem:s28+$0xFFFFFFE0] =	vst v8  }
0x222: {  	s4 =	simm.s32 $0x60;
	v8 =	vld.idx.msk [tilespmem:v9+s18+$0x0], $0xffff  }
0x223: {  	v9 =	vadd.s32 s4, v1;
	_ =	sdelay $0x3  }
0x224: {  	[tilespmem:s30+$0xFFFFFFE0] =	vst v8  }
0x225: {  	v8 =	vld.idx.msk [tilespmem:v9+s18+$0x0], $0xffff  }
0x226: {  	v9 =	vadd.s32 s4, v2;
	_ =	sdelay $0x3  }
0x227: {  	[tilespmem:s1+$0xFFFFFFF0] =	vst v8  }
0x228: {  	v8 =	vld.idx.msk [tilespmem:v9+s18+$0x0], $0xffff  }
0x229: {  	v9 =	vadd.s32 s4, v3;
	_ =	sdelay $0x3  }
0x22a: {  	[tilespmem:s28+$0xFFFFFFF0] =	vst v8  }
0x22b: {  	s25 =	simm.s32 $0x90;
	v8 =	vld.idx.msk [tilespmem:v9+s18+$0x0], $0xffff  }
0x22c: {  	v9 =	vadd.s32 s25, v1;
	_ =	sdelay $0x3  }
0x22d: {  	[tilespmem:s30+$0xFFFFFFF0] =	vst v8  }
0x22e: {  	v8 =	vld.idx.msk [tilespmem:v9+s18+$0x0], $0xffff  }
0x22f: {  	v9 =	vadd.s32 s25, v2;
	_ =	sdelay $0x3  }
0x230: {  	[tilespmem:s1+$0x0] =	vst v8  }
0x231: {  	v8 =	vld.idx.msk [tilespmem:v9+s18+$0x0], $0xffff  }
0x232: {  	v9 =	vadd.s32 s25, v3;
	_ =	sdelay $0x3  }
0x233: {  	[tilespmem:s28+$0x0] =	vst v8  }
0x234: {  	s25 =	simm.s32 $0xC0;
	v8 =	vld.idx.msk [tilespmem:v9+s18+$0x0], $0xffff  }
0x235: {  	v9 =	vor.u32 s25, v1;
	_ =	sdelay $0x2  }
0x236: {  	s31 =	simm.s32 $0x4;
	s29 =	simm.s32 $0x150;
	s0 =	simm.s32 $0x5070  }
.LBB2_10:
0x237: {  	s31 =	sadd.s32 $0x4, s31;
	[tilespmem:s30+$0x0] =	vst v8;
	s1 =	sadd.s32 $0x40, s1;
	s28 =	sadd.s32 $0x40, s28  }
0x238: {  	s30 =	smov.u32 s0;
	p0 =	slt.u32 s31, $0x3C;
	v8 =	vld.idx.msk [tilespmem:v9+s18+$0x0], $0xffff;
	_ =	sdelay $0x1  }
0x239: {  	v9 =	vor.u32 s25, v2;
	_ =	sdelay $0x3  }
0x23a: {  	[tilespmem:s1+$0xFFFFFFD0] =	vst v8  }
0x23b: {  	v8 =	vld.idx.msk [tilespmem:v9+s18+$0x0], $0xffff;
	_ =	sdelay $0x1  }
0x23c: {  	v9 =	vor.u32 s25, v3;
	_ =	sdelay $0x3  }
0x23d: {  	[tilespmem:s28+$0xFFFFFFD0] =	vst v8  }
0x23e: {  	v8 =	vld.idx.msk [tilespmem:v9+s18+$0x0], $0xffff  }
0x23f: {  	s25 =	sadd.s32 $0xFFFFFFA0, s29  }
0x240: {  	v9 =	vadd.s32 s25, v1;
	_ =	sdelay $0x3  }
0x241: {  	[tilespmem:s0+$0xFFFFFFD0] =	vst v8  }
0x242: {  	v8 =	vld.idx.msk [tilespmem:v9+s18+$0x0], $0xffff;
	_ =	sdelay $0x1  }
0x243: {  	v9 =	vadd.s32 s25, v2;
	_ =	sdelay $0x3  }
0x244: {  	[tilespmem:s1+$0xFFFFFFE0] =	vst v8  }
0x245: {  	v8 =	vld.idx.msk [tilespmem:v9+s18+$0x0], $0xffff;
	_ =	sdelay $0x1  }
0x246: {  	v9 =	vadd.s32 s25, v3;
	_ =	sdelay $0x3  }
0x247: {  	[tilespmem:s28+$0xFFFFFFE0] =	vst v8  }
0x248: {  	v8 =	vld.idx.msk [tilespmem:v9+s18+$0x0], $0xffff  }
0x249: {  	s25 =	sadd.s32 $0xFFFFFFD0, s29  }
0x24a: {  	v9 =	vadd.s32 s25, v1;
	_ =	sdelay $0x3  }
0x24b: {  	[tilespmem:s0+$0xFFFFFFE0] =	vst v8  }
0x24c: {  	v8 =	vld.idx.msk [tilespmem:v9+s18+$0x0], $0xffff;
	_ =	sdelay $0x1  }
0x24d: {  	v9 =	vadd.s32 s25, v2;
	_ =	sdelay $0x3  }
0x24e: {  	[tilespmem:s1+$0xFFFFFFF0] =	vst v8  }
0x24f: {  	v8 =	vld.idx.msk [tilespmem:v9+s18+$0x0], $0xffff;
	_ =	sdelay $0x1  }
0x250: {  	v9 =	vadd.s32 s25, v3;
	_ =	sdelay $0x3  }
0x251: {  	[tilespmem:s28+$0xFFFFFFF0] =	vst v8  }
0x252: {  	v8 =	vld.idx.msk [tilespmem:v9+s18+$0x0], $0xffff;
	_ =	sdelay $0x1  }
0x253: {  	v9 =	vadd.s32 s29, v1;
	_ =	sdelay $0x3  }
0x254: {  	[tilespmem:s0+$0xFFFFFFF0] =	vst v8  }
0x255: {  	v8 =	vld.idx.msk [tilespmem:v9+s18+$0x0], $0xffff;
	_ =	sdelay $0x1  }
0x256: {  	v9 =	vadd.s32 s29, v2;
	_ =	sdelay $0x3  }
0x257: {  	[tilespmem:s1+$0x0] =	vst v8  }
0x258: {  	v8 =	vld.idx.msk [tilespmem:v9+s18+$0x0], $0xffff;
	_ =	sdelay $0x1  }
0x259: {  	v9 =	vadd.s32 s29, v3;
	_ =	sdelay $0x3  }
0x25a: {  	[tilespmem:s28+$0x0] =	vst v8  }
0x25b: {  	s29 =	sadd.s32 $0xC0, s29;
	v8 =	vld.idx.msk [tilespmem:v9+s18+$0x0], $0xffff  }
.Ltmp4:
0x25c: {  	s25 =	sadd.s32 $0xFFFFFF70, s29;
	(pc) =	sbr.rel @p0 .LBB2_10-.Ltmp4, $2  }
0x25d: {  	v9 =	vor.u32 s25, v1;
	_ =	sdelay $0x2  }
0x25e: {  	s0 =	sadd.s32 $0x40, s0  }
0x25f: {  	_ =	sdelay $0x2  }
0x260: {  	[tilespmem:s30+$0x0] =	vst v8  }
0x261: {  	v8 =	vld.idx.msk [tilespmem:v9+s18+$0x0], $0xffff  }
0x262: {  	v9 =	vor.u32 s25, v2;
	_ =	sdelay $0x2  }
0x263: {  	s1 =	sadd.s32 $0x40, s1  }
0x264: {  	[tilespmem:s1+$0xFFFFFFD0] =	vst v8  }
0x265: {  	v8 =	vld.idx.msk [tilespmem:v9+s18+$0x0], $0xffff  }
0x266: {  	v9 =	vor.u32 s25, v3;
	_ =	sdelay $0x2  }
0x267: {  	s4 =	sadd.s32 $0x40, s28  }
0x268: {  	[tilespmem:s4+$0xFFFFFFD0] =	vst v8  }
0x269: {  	s28 =	sadd.s32 $0xFFFFFFA0, s29;
	v8 =	vld.idx.msk [tilespmem:v9+s18+$0x0], $0xffff  }
0x26a: {  	v9 =	vadd.s32 s28, v1;
	_ =	sdelay $0x3  }
0x26b: {  	[tilespmem:s0+$0xFFFFFFD0] =	vst v8  }
0x26c: {  	v8 =	vld.idx.msk [tilespmem:v9+s18+$0x0], $0xffff  }
0x26d: {  	v9 =	vadd.s32 s28, v2;
	_ =	sdelay $0x3  }
0x26e: {  	[tilespmem:s1+$0xFFFFFFE0] =	vst v8  }
0x26f: {  	v8 =	vld.idx.msk [tilespmem:v9+s18+$0x0], $0xffff  }
0x270: {  	v9 =	vadd.s32 s28, v3;
	_ =	sdelay $0x3  }
0x271: {  	[tilespmem:s4+$0xFFFFFFE0] =	vst v8  }
0x272: {  	s28 =	sadd.s32 $0xFFFFFFD0, s29;
	v8 =	vld.idx.msk [tilespmem:v9+s18+$0x0], $0xffff  }
0x273: {  	v9 =	vadd.s32 s28, v1;
	_ =	sdelay $0x3  }
0x274: {  	[tilespmem:s0+$0xFFFFFFE0] =	vst v8  }
0x275: {  	v8 =	vld.idx.msk [tilespmem:v9+s18+$0x0], $0xffff  }
0x276: {  	v9 =	vadd.s32 s28, v2;
	_ =	sdelay $0x3  }
0x277: {  	[tilespmem:s1+$0xFFFFFFF0] =	vst v8  }
0x278: {  	v8 =	vld.idx.msk [tilespmem:v9+s18+$0x0], $0xffff  }
0x279: {  	v9 =	vadd.s32 s28, v3;
	_ =	sdelay $0x3  }
0x27a: {  	[tilespmem:s4+$0xFFFFFFF0] =	vst v8  }
0x27b: {  	v8 =	vld.idx.msk [tilespmem:v9+s18+$0x0], $0xffff  }
0x27c: {  	v9 =	vadd.s32 s29, v1;
	_ =	sdelay $0x3  }
0x27d: {  	[tilespmem:s0+$0xFFFFFFF0] =	vst v8  }
0x27e: {  	v8 =	vld.idx.msk [tilespmem:v9+s18+$0x0], $0xffff  }
0x27f: {  	v9 =	vadd.s32 s29, v2;
	_ =	sdelay $0x3  }
0x280: {  	[tilespmem:s1+$0x0] =	vst v8  }
0x281: {  	v8 =	vld.idx.msk [tilespmem:v9+s18+$0x0], $0xffff  }
0x282: {  	v9 =	vadd.s32 s29, v3;
	_ =	sdelay $0x3  }
0x283: {  	[tilespmem:s4+$0x0] =	vst v8  }
0x284: {  	v8 =	vld.idx.msk [tilespmem:v9+s18+$0x0], $0xffff;
	_ =	sdelay $0x3  }
0x285: {  	s4 =	simm.s32 $0x0  }
0x286: {  	[tilespmem:s0+$0x0] =	vst v8;
	v8 =	vor.u32 s4, v1  }
0x287: {  	[tilespmem:s18], [sflag:$0x1] =	stream.linear.gather [hbm4b:s10+s2], $0xC00, $0x38;
	[tilespmem:$0xD500] =	vst v63  }
0x288: {  	_ =	swait.ge [sflag:s3], $0xC00  }
0x289: {  	[sflag:s3] =	ssyncset.done $0x0  }
0x28a: {  	[sflag:s3] =	ssyncadd.s32 $0xFFFFF400  }
0x28b: {  	v8 =	vld.idx.msk [tilespmem:v8+s18+$0x0], $0xffff  }
0x28c: {  	v9 =	vor.u32 s4, v2;
	_ =	sdelay $0x2  }
0x28d: {  	s1 =	simm.s32 $0x1430  }
0x28e: {  	[tilespmem:s1+$0xFFFFFFD0] =	vst v8  }
0x28f: {  	v8 =	vld.idx.msk [tilespmem:v9+s18+$0x0], $0xffff  }
0x290: {  	v9 =	vor.u32 s4, v3;
	_ =	sdelay $0x2  }
0x291: {  	s28 =	simm.s32 $0x3430  }
0x292: {  	[tilespmem:s28+$0xFFFFFFD0] =	vst v8  }
0x293: {  	s25 =	simm.s32 $0x30;
	v8 =	vld.idx.msk [tilespmem:v9+s18+$0x0], $0xffff  }
0x294: {  	v9 =	vadd.s32 s25, v1;
	_ =	sdelay $0x2  }
0x295: {  	s30 =	simm.s32 $0x5430  }
0x296: {  	[tilespmem:s30+$0xFFFFFFD0] =	vst v8  }
0x297: {  	v8 =	vld.idx.msk [tilespmem:v9+s18+$0x0], $0xffff  }
0x298: {  	v9 =	vadd.s32 s25, v2;
	_ =	sdelay $0x3  }
0x299: {  	[tilespmem:s1+$0xFFFFFFE0] =	vst v8  }
0x29a: {  	v8 =	vld.idx.msk [tilespmem:v9+s18+$0x0], $0xffff  }
0x29b: {  	v9 =	vadd.s32 s25, v3;
	_ =	sdelay $0x3  }
0x29c: {  	[tilespmem:s28+$0xFFFFFFE0] =	vst v8  }
0x29d: {  	s4 =	simm.s32 $0x60;
	v8 =	vld.idx.msk [tilespmem:v9+s18+$0x0], $0xffff  }
0x29e: {  	v9 =	vadd.s32 s4, v1;
	_ =	sdelay $0x3  }
0x29f: {  	[tilespmem:s30+$0xFFFFFFE0] =	vst v8  }
0x2a0: {  	v8 =	vld.idx.msk [tilespmem:v9+s18+$0x0], $0xffff  }
0x2a1: {  	v9 =	vadd.s32 s4, v2;
	_ =	sdelay $0x3  }
0x2a2: {  	[tilespmem:s1+$0xFFFFFFF0] =	vst v8  }
0x2a3: {  	v8 =	vld.idx.msk [tilespmem:v9+s18+$0x0], $0xffff  }
0x2a4: {  	v9 =	vadd.s32 s4, v3;
	_ =	sdelay $0x3  }
0x2a5: {  	[tilespmem:s28+$0xFFFFFFF0] =	vst v8  }
0x2a6: {  	s25 =	simm.s32 $0x90;
	v8 =	vld.idx.msk [tilespmem:v9+s18+$0x0], $0xffff  }
0x2a7: {  	v9 =	vadd.s32 s25, v1;
	_ =	sdelay $0x3  }
0x2a8: {  	[tilespmem:s30+$0xFFFFFFF0] =	vst v8  }
0x2a9: {  	v8 =	vld.idx.msk [tilespmem:v9+s18+$0x0], $0xffff  }
0x2aa: {  	v9 =	vadd.s32 s25, v2;
	_ =	sdelay $0x3  }
0x2ab: {  	[tilespmem:s1+$0x0] =	vst v8  }
0x2ac: {  	v8 =	vld.idx.msk [tilespmem:v9+s18+$0x0], $0xffff  }
0x2ad: {  	v9 =	vadd.s32 s25, v3;
	_ =	sdelay $0x3  }
0x2ae: {  	[tilespmem:s28+$0x0] =	vst v8  }
0x2af: {  	s25 =	simm.s32 $0xC0;
	v8 =	vld.idx.msk [tilespmem:v9+s18+$0x0], $0xffff  }
0x2b0: {  	v9 =	vor.u32 s25, v1;
	_ =	sdelay $0x2  }
0x2b1: {  	s31 =	simm.s32 $0x4;
	s29 =	simm.s32 $0x150;
	s0 =	simm.s32 $0x5470  }
.LBB2_12:
0x2b2: {  	s31 =	sadd.s32 $0x4, s31;
	[tilespmem:s30+$0x0] =	vst v8;
	s1 =	sadd.s32 $0x40, s1;
	s28 =	sadd.s32 $0x40, s28  }
0x2b3: {  	s30 =	smov.u32 s0;
	p0 =	slt.u32 s31, $0x3C;
	v8 =	vld.idx.msk [tilespmem:v9+s18+$0x0], $0xffff;
	_ =	sdelay $0x1  }
0x2b4: {  	v9 =	vor.u32 s25, v2;
	_ =	sdelay $0x3  }
0x2b5: {  	[tilespmem:s1+$0xFFFFFFD0] =	vst v8  }
0x2b6: {  	v8 =	vld.idx.msk [tilespmem:v9+s18+$0x0], $0xffff;
	_ =	sdelay $0x1  }
0x2b7: {  	v9 =	vor.u32 s25, v3;
	_ =	sdelay $0x3  }
0x2b8: {  	[tilespmem:s28+$0xFFFFFFD0] =	vst v8  }
0x2b9: {  	v8 =	vld.idx.msk [tilespmem:v9+s18+$0x0], $0xffff  }
0x2ba: {  	s25 =	sadd.s32 $0xFFFFFFA0, s29  }
0x2bb: {  	v9 =	vadd.s32 s25, v1;
	_ =	sdelay $0x3  }
0x2bc: {  	[tilespmem:s0+$0xFFFFFFD0] =	vst v8  }
0x2bd: {  	v8 =	vld.idx.msk [tilespmem:v9+s18+$0x0], $0xffff;
	_ =	sdelay $0x1  }
0x2be: {  	v9 =	vadd.s32 s25, v2;
	_ =	sdelay $0x3  }
0x2bf: {  	[tilespmem:s1+$0xFFFFFFE0] =	vst v8  }
0x2c0: {  	v8 =	vld.idx.msk [tilespmem:v9+s18+$0x0], $0xffff;
	_ =	sdelay $0x1  }
0x2c1: {  	v9 =	vadd.s32 s25, v3;
	_ =	sdelay $0x3  }
0x2c2: {  	[tilespmem:s28+$0xFFFFFFE0] =	vst v8  }
0x2c3: {  	v8 =	vld.idx.msk [tilespmem:v9+s18+$0x0], $0xffff  }
0x2c4: {  	s25 =	sadd.s32 $0xFFFFFFD0, s29  }
0x2c5: {  	v9 =	vadd.s32 s25, v1;
	_ =	sdelay $0x3  }
0x2c6: {  	[tilespmem:s0+$0xFFFFFFE0] =	vst v8  }
0x2c7: {  	v8 =	vld.idx.msk [tilespmem:v9+s18+$0x0], $0xffff;
	_ =	sdelay $0x1  }
0x2c8: {  	v9 =	vadd.s32 s25, v2;
	_ =	sdelay $0x3  }
0x2c9: {  	[tilespmem:s1+$0xFFFFFFF0] =	vst v8  }
0x2ca: {  	v8 =	vld.idx.msk [tilespmem:v9+s18+$0x0], $0xffff;
	_ =	sdelay $0x1  }
0x2cb: {  	v9 =	vadd.s32 s25, v3;
	_ =	sdelay $0x3  }
0x2cc: {  	[tilespmem:s28+$0xFFFFFFF0] =	vst v8  }
0x2cd: {  	v8 =	vld.idx.msk [tilespmem:v9+s18+$0x0], $0xffff;
	_ =	sdelay $0x1  }
0x2ce: {  	v9 =	vadd.s32 s29, v1;
	_ =	sdelay $0x3  }
0x2cf: {  	[tilespmem:s0+$0xFFFFFFF0] =	vst v8  }
0x2d0: {  	v8 =	vld.idx.msk [tilespmem:v9+s18+$0x0], $0xffff;
	_ =	sdelay $0x1  }
0x2d1: {  	v9 =	vadd.s32 s29, v2;
	_ =	sdelay $0x3  }
0x2d2: {  	[tilespmem:s1+$0x0] =	vst v8  }
0x2d3: {  	v8 =	vld.idx.msk [tilespmem:v9+s18+$0x0], $0xffff;
	_ =	sdelay $0x1  }
0x2d4: {  	v9 =	vadd.s32 s29, v3;
	_ =	sdelay $0x3  }
0x2d5: {  	[tilespmem:s28+$0x0] =	vst v8  }
0x2d6: {  	s29 =	sadd.s32 $0xC0, s29;
	v8 =	vld.idx.msk [tilespmem:v9+s18+$0x0], $0xffff  }
.Ltmp5:
0x2d7: {  	s25 =	sadd.s32 $0xFFFFFF70, s29;
	(pc) =	sbr.rel @p0 .LBB2_12-.Ltmp5, $2  }
0x2d8: {  	v9 =	vor.u32 s25, v1;
	_ =	sdelay $0x2  }
0x2d9: {  	s0 =	sadd.s32 $0x40, s0  }
0x2da: {  	_ =	sdelay $0x2  }
0x2db: {  	[tilespmem:s30+$0x0] =	vst v8  }
0x2dc: {  	v8 =	vld.idx.msk [tilespmem:v9+s18+$0x0], $0xffff  }
0x2dd: {  	v9 =	vor.u32 s25, v2;
	_ =	sdelay $0x2  }
0x2de: {  	s1 =	sadd.s32 $0x40, s1  }
0x2df: {  	[tilespmem:s1+$0xFFFFFFD0] =	vst v8  }
0x2e0: {  	v8 =	vld.idx.msk [tilespmem:v9+s18+$0x0], $0xffff  }
0x2e1: {  	v9 =	vor.u32 s25, v3;
	_ =	sdelay $0x2  }
0x2e2: {  	s4 =	sadd.s32 $0x40, s28  }
0x2e3: {  	[tilespmem:s4+$0xFFFFFFD0] =	vst v8  }
0x2e4: {  	s28 =	sadd.s32 $0xFFFFFFA0, s29;
	v8 =	vld.idx.msk [tilespmem:v9+s18+$0x0], $0xffff  }
0x2e5: {  	v9 =	vadd.s32 s28, v1;
	_ =	sdelay $0x3  }
0x2e6: {  	[tilespmem:s0+$0xFFFFFFD0] =	vst v8  }
0x2e7: {  	v8 =	vld.idx.msk [tilespmem:v9+s18+$0x0], $0xffff  }
0x2e8: {  	v9 =	vadd.s32 s28, v2;
	_ =	sdelay $0x3  }
0x2e9: {  	[tilespmem:s1+$0xFFFFFFE0] =	vst v8  }
0x2ea: {  	v8 =	vld.idx.msk [tilespmem:v9+s18+$0x0], $0xffff  }
0x2eb: {  	v9 =	vadd.s32 s28, v3;
	_ =	sdelay $0x3  }
0x2ec: {  	[tilespmem:s4+$0xFFFFFFE0] =	vst v8  }
0x2ed: {  	s28 =	sadd.s32 $0xFFFFFFD0, s29;
	v8 =	vld.idx.msk [tilespmem:v9+s18+$0x0], $0xffff  }
0x2ee: {  	v9 =	vadd.s32 s28, v1;
	_ =	sdelay $0x3  }
0x2ef: {  	[tilespmem:s0+$0xFFFFFFE0] =	vst v8  }
0x2f0: {  	v8 =	vld.idx.msk [tilespmem:v9+s18+$0x0], $0xffff  }
0x2f1: {  	v9 =	vadd.s32 s28, v2;
	_ =	sdelay $0x3  }
0x2f2: {  	[tilespmem:s1+$0xFFFFFFF0] =	vst v8  }
0x2f3: {  	v8 =	vld.idx.msk [tilespmem:v9+s18+$0x0], $0xffff  }
0x2f4: {  	v9 =	vadd.s32 s28, v3;
	_ =	sdelay $0x3  }
0x2f5: {  	[tilespmem:s4+$0xFFFFFFF0] =	vst v8  }
0x2f6: {  	v8 =	vld.idx.msk [tilespmem:v9+s18+$0x0], $0xffff  }
0x2f7: {  	v9 =	vadd.s32 s29, v1;
	_ =	sdelay $0x3  }
0x2f8: {  	[tilespmem:s0+$0xFFFFFFF0] =	vst v8  }
0x2f9: {  	v8 =	vld.idx.msk [tilespmem:v9+s18+$0x0], $0xffff  }
0x2fa: {  	v9 =	vadd.s32 s29, v2;
	_ =	sdelay $0x3  }
0x2fb: {  	[tilespmem:s1+$0x0] =	vst v8  }
0x2fc: {  	v8 =	vld.idx.msk [tilespmem:v9+s18+$0x0], $0xffff  }
0x2fd: {  	v9 =	vadd.s32 s29, v3;
	_ =	sdelay $0x3  }
0x2fe: {  	[tilespmem:s4+$0x0] =	vst v8  }
0x2ff: {  	v8 =	vld.idx.msk [tilespmem:v9+s18+$0x0], $0xffff;
	_ =	sdelay $0x3  }
0x300: {  	s4 =	simm.s32 $0x0  }
0x301: {  	[tilespmem:s0+$0x0] =	vst v8;
	v8 =	vor.u32 s4, v1  }
0x302: {  	[tilespmem:s18], [sflag:$0x1] =	stream.linear.gather [hbm4b:s11+s2], $0xC00, $0x38;
	[tilespmem:$0xD500] =	vst v63  }
0x303: {  	_ =	swait.ge [sflag:s3], $0xC00  }
0x304: {  	[sflag:s3] =	ssyncset.done $0x0  }
0x305: {  	[sflag:s3] =	ssyncadd.s32 $0xFFFFF400  }
0x306: {  	v8 =	vld.idx.msk [tilespmem:v8+s18+$0x0], $0xffff  }
0x307: {  	v9 =	vor.u32 s4, v2;
	_ =	sdelay $0x2  }
0x308: {  	s1 =	simm.s32 $0x1830  }
0x309: {  	[tilespmem:s1+$0xFFFFFFD0] =	vst v8  }
0x30a: {  	v8 =	vld.idx.msk [tilespmem:v9+s18+$0x0], $0xffff  }
0x30b: {  	v9 =	vor.u32 s4, v3;
	_ =	sdelay $0x2  }
0x30c: {  	s28 =	simm.s32 $0x3830  }
0x30d: {  	[tilespmem:s28+$0xFFFFFFD0] =	vst v8  }
0x30e: {  	s25 =	simm.s32 $0x30;
	v8 =	vld.idx.msk [tilespmem:v9+s18+$0x0], $0xffff  }
0x30f: {  	v9 =	vadd.s32 s25, v1;
	_ =	sdelay $0x2  }
0x310: {  	s30 =	simm.s32 $0x5830  }
0x311: {  	[tilespmem:s30+$0xFFFFFFD0] =	vst v8  }
0x312: {  	v8 =	vld.idx.msk [tilespmem:v9+s18+$0x0], $0xffff  }
0x313: {  	v9 =	vadd.s32 s25, v2;
	_ =	sdelay $0x3  }
0x314: {  	[tilespmem:s1+$0xFFFFFFE0] =	vst v8  }
0x315: {  	v8 =	vld.idx.msk [tilespmem:v9+s18+$0x0], $0xffff  }
0x316: {  	v9 =	vadd.s32 s25, v3;
	_ =	sdelay $0x3  }
0x317: {  	[tilespmem:s28+$0xFFFFFFE0] =	vst v8  }
0x318: {  	s4 =	simm.s32 $0x60;
	v8 =	vld.idx.msk [tilespmem:v9+s18+$0x0], $0xffff  }
0x319: {  	v9 =	vadd.s32 s4, v1;
	_ =	sdelay $0x3  }
0x31a: {  	[tilespmem:s30+$0xFFFFFFE0] =	vst v8  }
0x31b: {  	v8 =	vld.idx.msk [tilespmem:v9+s18+$0x0], $0xffff  }
0x31c: {  	v9 =	vadd.s32 s4, v2;
	_ =	sdelay $0x3  }
0x31d: {  	[tilespmem:s1+$0xFFFFFFF0] =	vst v8  }
0x31e: {  	v8 =	vld.idx.msk [tilespmem:v9+s18+$0x0], $0xffff  }
0x31f: {  	v9 =	vadd.s32 s4, v3;
	_ =	sdelay $0x3  }
0x320: {  	[tilespmem:s28+$0xFFFFFFF0] =	vst v8  }
0x321: {  	s25 =	simm.s32 $0x90;
	v8 =	vld.idx.msk [tilespmem:v9+s18+$0x0], $0xffff  }
0x322: {  	v9 =	vadd.s32 s25, v1;
	_ =	sdelay $0x3  }
0x323: {  	[tilespmem:s30+$0xFFFFFFF0] =	vst v8  }
0x324: {  	v8 =	vld.idx.msk [tilespmem:v9+s18+$0x0], $0xffff  }
0x325: {  	v9 =	vadd.s32 s25, v2;
	_ =	sdelay $0x3  }
0x326: {  	[tilespmem:s1+$0x0] =	vst v8  }
0x327: {  	v8 =	vld.idx.msk [tilespmem:v9+s18+$0x0], $0xffff  }
0x328: {  	v9 =	vadd.s32 s25, v3;
	_ =	sdelay $0x3  }
0x329: {  	[tilespmem:s28+$0x0] =	vst v8  }
0x32a: {  	s25 =	simm.s32 $0xC0;
	v8 =	vld.idx.msk [tilespmem:v9+s18+$0x0], $0xffff  }
0x32b: {  	v9 =	vor.u32 s25, v1;
	_ =	sdelay $0x2  }
0x32c: {  	s31 =	simm.s32 $0x4;
	s29 =	simm.s32 $0x150;
	s0 =	simm.s32 $0x5870  }
.LBB2_14:
0x32d: {  	s31 =	sadd.s32 $0x4, s31;
	[tilespmem:s30+$0x0] =	vst v8;
	s1 =	sadd.s32 $0x40, s1;
	s28 =	sadd.s32 $0x40, s28  }
0x32e: {  	s30 =	smov.u32 s0;
	p0 =	slt.u32 s31, $0x3C;
	v8 =	vld.idx.msk [tilespmem:v9+s18+$0x0], $0xffff;
	_ =	sdelay $0x1  }
0x32f: {  	v9 =	vor.u32 s25, v2;
	_ =	sdelay $0x3  }
0x330: {  	[tilespmem:s1+$0xFFFFFFD0] =	vst v8  }
0x331: {  	v8 =	vld.idx.msk [tilespmem:v9+s18+$0x0], $0xffff;
	_ =	sdelay $0x1  }
0x332: {  	v9 =	vor.u32 s25, v3;
	_ =	sdelay $0x3  }
0x333: {  	[tilespmem:s28+$0xFFFFFFD0] =	vst v8  }
0x334: {  	v8 =	vld.idx.msk [tilespmem:v9+s18+$0x0], $0xffff  }
0x335: {  	s25 =	sadd.s32 $0xFFFFFFA0, s29  }
0x336: {  	v9 =	vadd.s32 s25, v1;
	_ =	sdelay $0x3  }
0x337: {  	[tilespmem:s0+$0xFFFFFFD0] =	vst v8  }
0x338: {  	v8 =	vld.idx.msk [tilespmem:v9+s18+$0x0], $0xffff;
	_ =	sdelay $0x1  }
0x339: {  	v9 =	vadd.s32 s25, v2;
	_ =	sdelay $0x3  }
0x33a: {  	[tilespmem:s1+$0xFFFFFFE0] =	vst v8  }
0x33b: {  	v8 =	vld.idx.msk [tilespmem:v9+s18+$0x0], $0xffff;
	_ =	sdelay $0x1  }
0x33c: {  	v9 =	vadd.s32 s25, v3;
	_ =	sdelay $0x3  }
0x33d: {  	[tilespmem:s28+$0xFFFFFFE0] =	vst v8  }
0x33e: {  	v8 =	vld.idx.msk [tilespmem:v9+s18+$0x0], $0xffff  }
0x33f: {  	s25 =	sadd.s32 $0xFFFFFFD0, s29  }
0x340: {  	v9 =	vadd.s32 s25, v1;
	_ =	sdelay $0x3  }
0x341: {  	[tilespmem:s0+$0xFFFFFFE0] =	vst v8  }
0x342: {  	v8 =	vld.idx.msk [tilespmem:v9+s18+$0x0], $0xffff;
	_ =	sdelay $0x1  }
0x343: {  	v9 =	vadd.s32 s25, v2;
	_ =	sdelay $0x3  }
0x344: {  	[tilespmem:s1+$0xFFFFFFF0] =	vst v8  }
0x345: {  	v8 =	vld.idx.msk [tilespmem:v9+s18+$0x0], $0xffff;
	_ =	sdelay $0x1  }
0x346: {  	v9 =	vadd.s32 s25, v3;
	_ =	sdelay $0x3  }
0x347: {  	[tilespmem:s28+$0xFFFFFFF0] =	vst v8  }
0x348: {  	v8 =	vld.idx.msk [tilespmem:v9+s18+$0x0], $0xffff;
	_ =	sdelay $0x1  }
0x349: {  	v9 =	vadd.s32 s29, v1;
	_ =	sdelay $0x3  }
0x34a: {  	[tilespmem:s0+$0xFFFFFFF0] =	vst v8  }
0x34b: {  	v8 =	vld.idx.msk [tilespmem:v9+s18+$0x0], $0xffff;
	_ =	sdelay $0x1  }
0x34c: {  	v9 =	vadd.s32 s29, v2;
	_ =	sdelay $0x3  }
0x34d: {  	[tilespmem:s1+$0x0] =	vst v8  }
0x34e: {  	v8 =	vld.idx.msk [tilespmem:v9+s18+$0x0], $0xffff;
	_ =	sdelay $0x1  }
0x34f: {  	v9 =	vadd.s32 s29, v3;
	_ =	sdelay $0x3  }
0x350: {  	[tilespmem:s28+$0x0] =	vst v8  }
0x351: {  	s29 =	sadd.s32 $0xC0, s29;
	v8 =	vld.idx.msk [tilespmem:v9+s18+$0x0], $0xffff  }
.Ltmp6:
0x352: {  	s25 =	sadd.s32 $0xFFFFFF70, s29;
	(pc) =	sbr.rel @p0 .LBB2_14-.Ltmp6, $2  }
0x353: {  	v9 =	vor.u32 s25, v1;
	_ =	sdelay $0x2  }
0x354: {  	s0 =	sadd.s32 $0x40, s0  }
0x355: {  	_ =	sdelay $0x2  }
0x356: {  	[tilespmem:s30+$0x0] =	vst v8  }
0x357: {  	v8 =	vld.idx.msk [tilespmem:v9+s18+$0x0], $0xffff  }
0x358: {  	v9 =	vor.u32 s25, v2;
	_ =	sdelay $0x2  }
0x359: {  	s1 =	sadd.s32 $0x40, s1  }
0x35a: {  	[tilespmem:s1+$0xFFFFFFD0] =	vst v8  }
0x35b: {  	v8 =	vld.idx.msk [tilespmem:v9+s18+$0x0], $0xffff  }
0x35c: {  	v9 =	vor.u32 s25, v3;
	_ =	sdelay $0x2  }
0x35d: {  	s4 =	sadd.s32 $0x40, s28  }
0x35e: {  	[tilespmem:s4+$0xFFFFFFD0] =	vst v8  }
0x35f: {  	s28 =	sadd.s32 $0xFFFFFFA0, s29;
	v8 =	vld.idx.msk [tilespmem:v9+s18+$0x0], $0xffff  }
0x360: {  	v9 =	vadd.s32 s28, v1;
	_ =	sdelay $0x3  }
0x361: {  	[tilespmem:s0+$0xFFFFFFD0] =	vst v8  }
0x362: {  	v8 =	vld.idx.msk [tilespmem:v9+s18+$0x0], $0xffff  }
0x363: {  	v9 =	vadd.s32 s28, v2;
	_ =	sdelay $0x3  }
0x364: {  	[tilespmem:s1+$0xFFFFFFE0] =	vst v8  }
0x365: {  	v8 =	vld.idx.msk [tilespmem:v9+s18+$0x0], $0xffff  }
0x366: {  	v9 =	vadd.s32 s28, v3;
	_ =	sdelay $0x3  }
0x367: {  	[tilespmem:s4+$0xFFFFFFE0] =	vst v8  }
0x368: {  	s28 =	sadd.s32 $0xFFFFFFD0, s29;
	v8 =	vld.idx.msk [tilespmem:v9+s18+$0x0], $0xffff  }
0x369: {  	v9 =	vadd.s32 s28, v1;
	_ =	sdelay $0x3  }
0x36a: {  	[tilespmem:s0+$0xFFFFFFE0] =	vst v8  }
0x36b: {  	v8 =	vld.idx.msk [tilespmem:v9+s18+$0x0], $0xffff  }
0x36c: {  	v9 =	vadd.s32 s28, v2;
	_ =	sdelay $0x3  }
0x36d: {  	[tilespmem:s1+$0xFFFFFFF0] =	vst v8  }
0x36e: {  	v8 =	vld.idx.msk [tilespmem:v9+s18+$0x0], $0xffff  }
0x36f: {  	v9 =	vadd.s32 s28, v3;
	_ =	sdelay $0x3  }
0x370: {  	[tilespmem:s4+$0xFFFFFFF0] =	vst v8  }
0x371: {  	v8 =	vld.idx.msk [tilespmem:v9+s18+$0x0], $0xffff  }
0x372: {  	v9 =	vadd.s32 s29, v1;
	_ =	sdelay $0x3  }
0x373: {  	[tilespmem:s0+$0xFFFFFFF0] =	vst v8  }
0x374: {  	v8 =	vld.idx.msk [tilespmem:v9+s18+$0x0], $0xffff  }
0x375: {  	v9 =	vadd.s32 s29, v2;
	_ =	sdelay $0x3  }
0x376: {  	[tilespmem:s1+$0x0] =	vst v8  }
0x377: {  	v8 =	vld.idx.msk [tilespmem:v9+s18+$0x0], $0xffff  }
0x378: {  	v9 =	vadd.s32 s29, v3;
	_ =	sdelay $0x3  }
0x379: {  	[tilespmem:s4+$0x0] =	vst v8  }
0x37a: {  	v8 =	vld.idx.msk [tilespmem:v9+s18+$0x0], $0xffff;
	_ =	sdelay $0x3  }
0x37b: {  	s4 =	simm.s32 $0x0  }
0x37c: {  	[tilespmem:s0+$0x0] =	vst v8;
	v8 =	vor.u32 s4, v1  }
0x37d: {  	[tilespmem:s18], [sflag:$0x1] =	stream.linear.gather [hbm4b:s12+s2], $0xC00, $0x38;
	[tilespmem:$0xD500] =	vst v63  }
0x37e: {  	_ =	swait.ge [sflag:s3], $0xC00  }
0x37f: {  	[sflag:s3] =	ssyncset.done $0x0  }
0x380: {  	[sflag:s3] =	ssyncadd.s32 $0xFFFFF400  }
0x381: {  	v8 =	vld.idx.msk [tilespmem:v8+s18+$0x0], $0xffff  }
0x382: {  	v9 =	vor.u32 s4, v2;
	_ =	sdelay $0x2  }
0x383: {  	s1 =	simm.s32 $0x1C30  }
0x384: {  	[tilespmem:s1+$0xFFFFFFD0] =	vst v8  }
0x385: {  	v8 =	vld.idx.msk [tilespmem:v9+s18+$0x0], $0xffff  }
0x386: {  	v9 =	vor.u32 s4, v3;
	_ =	sdelay $0x2  }
0x387: {  	s28 =	simm.s32 $0x3C30  }
0x388: {  	[tilespmem:s28+$0xFFFFFFD0] =	vst v8  }
0x389: {  	s25 =	simm.s32 $0x30;
	v8 =	vld.idx.msk [tilespmem:v9+s18+$0x0], $0xffff  }
0x38a: {  	v9 =	vadd.s32 s25, v1;
	_ =	sdelay $0x2  }
0x38b: {  	s30 =	simm.s32 $0x5C30  }
0x38c: {  	[tilespmem:s30+$0xFFFFFFD0] =	vst v8  }
0x38d: {  	v8 =	vld.idx.msk [tilespmem:v9+s18+$0x0], $0xffff  }
0x38e: {  	v9 =	vadd.s32 s25, v2;
	_ =	sdelay $0x3  }
0x38f: {  	[tilespmem:s1+$0xFFFFFFE0] =	vst v8  }
0x390: {  	v8 =	vld.idx.msk [tilespmem:v9+s18+$0x0], $0xffff  }
0x391: {  	v9 =	vadd.s32 s25, v3;
	_ =	sdelay $0x3  }
0x392: {  	[tilespmem:s28+$0xFFFFFFE0] =	vst v8  }
0x393: {  	s4 =	simm.s32 $0x60;
	v8 =	vld.idx.msk [tilespmem:v9+s18+$0x0], $0xffff  }
0x394: {  	v9 =	vadd.s32 s4, v1;
	_ =	sdelay $0x3  }
0x395: {  	[tilespmem:s30+$0xFFFFFFE0] =	vst v8  }
0x396: {  	v8 =	vld.idx.msk [tilespmem:v9+s18+$0x0], $0xffff  }
0x397: {  	v9 =	vadd.s32 s4, v2;
	_ =	sdelay $0x3  }
0x398: {  	[tilespmem:s1+$0xFFFFFFF0] =	vst v8  }
0x399: {  	v8 =	vld.idx.msk [tilespmem:v9+s18+$0x0], $0xffff  }
0x39a: {  	v9 =	vadd.s32 s4, v3;
	_ =	sdelay $0x3  }
0x39b: {  	[tilespmem:s28+$0xFFFFFFF0] =	vst v8  }
0x39c: {  	s25 =	simm.s32 $0x90;
	v8 =	vld.idx.msk [tilespmem:v9+s18+$0x0], $0xffff  }
0x39d: {  	v9 =	vadd.s32 s25, v1;
	_ =	sdelay $0x3  }
0x39e: {  	[tilespmem:s30+$0xFFFFFFF0] =	vst v8  }
0x39f: {  	v8 =	vld.idx.msk [tilespmem:v9+s18+$0x0], $0xffff  }
0x3a0: {  	v9 =	vadd.s32 s25, v2;
	_ =	sdelay $0x3  }
0x3a1: {  	[tilespmem:s1+$0x0] =	vst v8  }
0x3a2: {  	v8 =	vld.idx.msk [tilespmem:v9+s18+$0x0], $0xffff  }
0x3a3: {  	v9 =	vadd.s32 s25, v3;
	_ =	sdelay $0x3  }
0x3a4: {  	[tilespmem:s28+$0x0] =	vst v8  }
0x3a5: {  	s25 =	simm.s32 $0xC0;
	v8 =	vld.idx.msk [tilespmem:v9+s18+$0x0], $0xffff  }
0x3a6: {  	v9 =	vor.u32 s25, v1;
	_ =	sdelay $0x2  }
0x3a7: {  	s31 =	simm.s32 $0x4;
	s29 =	simm.s32 $0x150;
	s0 =	simm.s32 $0x5C70  }
.LBB2_16:
0x3a8: {  	s31 =	sadd.s32 $0x4, s31;
	[tilespmem:s30+$0x0] =	vst v8;
	s1 =	sadd.s32 $0x40, s1;
	s28 =	sadd.s32 $0x40, s28  }
0x3a9: {  	s30 =	smov.u32 s0;
	p0 =	slt.u32 s31, $0x3C;
	v8 =	vld.idx.msk [tilespmem:v9+s18+$0x0], $0xffff;
	_ =	sdelay $0x1  }
0x3aa: {  	v9 =	vor.u32 s25, v2;
	_ =	sdelay $0x3  }
0x3ab: {  	[tilespmem:s1+$0xFFFFFFD0] =	vst v8  }
0x3ac: {  	v8 =	vld.idx.msk [tilespmem:v9+s18+$0x0], $0xffff;
	_ =	sdelay $0x1  }
0x3ad: {  	v9 =	vor.u32 s25, v3;
	_ =	sdelay $0x3  }
0x3ae: {  	[tilespmem:s28+$0xFFFFFFD0] =	vst v8  }
0x3af: {  	v8 =	vld.idx.msk [tilespmem:v9+s18+$0x0], $0xffff  }
0x3b0: {  	s25 =	sadd.s32 $0xFFFFFFA0, s29  }
0x3b1: {  	v9 =	vadd.s32 s25, v1;
	_ =	sdelay $0x3  }
0x3b2: {  	[tilespmem:s0+$0xFFFFFFD0] =	vst v8  }
0x3b3: {  	v8 =	vld.idx.msk [tilespmem:v9+s18+$0x0], $0xffff;
	_ =	sdelay $0x1  }
0x3b4: {  	v9 =	vadd.s32 s25, v2;
	_ =	sdelay $0x3  }
0x3b5: {  	[tilespmem:s1+$0xFFFFFFE0] =	vst v8  }
0x3b6: {  	v8 =	vld.idx.msk [tilespmem:v9+s18+$0x0], $0xffff;
	_ =	sdelay $0x1  }
0x3b7: {  	v9 =	vadd.s32 s25, v3;
	_ =	sdelay $0x3  }
0x3b8: {  	[tilespmem:s28+$0xFFFFFFE0] =	vst v8  }
0x3b9: {  	v8 =	vld.idx.msk [tilespmem:v9+s18+$0x0], $0xffff  }
0x3ba: {  	s25 =	sadd.s32 $0xFFFFFFD0, s29  }
0x3bb: {  	v9 =	vadd.s32 s25, v1;
	_ =	sdelay $0x3  }
0x3bc: {  	[tilespmem:s0+$0xFFFFFFE0] =	vst v8  }
0x3bd: {  	v8 =	vld.idx.msk [tilespmem:v9+s18+$0x0], $0xffff;
	_ =	sdelay $0x1  }
0x3be: {  	v9 =	vadd.s32 s25, v2;
	_ =	sdelay $0x3  }
0x3bf: {  	[tilespmem:s1+$0xFFFFFFF0] =	vst v8  }
0x3c0: {  	v8 =	vld.idx.msk [tilespmem:v9+s18+$0x0], $0xffff;
	_ =	sdelay $0x1  }
0x3c1: {  	v9 =	vadd.s32 s25, v3;
	_ =	sdelay $0x3  }
0x3c2: {  	[tilespmem:s28+$0xFFFFFFF0] =	vst v8  }
0x3c3: {  	v8 =	vld.idx.msk [tilespmem:v9+s18+$0x0], $0xffff;
	_ =	sdelay $0x1  }
0x3c4: {  	v9 =	vadd.s32 s29, v1;
	_ =	sdelay $0x3  }
0x3c5: {  	[tilespmem:s0+$0xFFFFFFF0] =	vst v8  }
0x3c6: {  	v8 =	vld.idx.msk [tilespmem:v9+s18+$0x0], $0xffff;
	_ =	sdelay $0x1  }
0x3c7: {  	v9 =	vadd.s32 s29, v2;
	_ =	sdelay $0x3  }
0x3c8: {  	[tilespmem:s1+$0x0] =	vst v8  }
0x3c9: {  	v8 =	vld.idx.msk [tilespmem:v9+s18+$0x0], $0xffff;
	_ =	sdelay $0x1  }
0x3ca: {  	v9 =	vadd.s32 s29, v3;
	_ =	sdelay $0x3  }
0x3cb: {  	[tilespmem:s28+$0x0] =	vst v8  }
0x3cc: {  	s29 =	sadd.s32 $0xC0, s29;
	v8 =	vld.idx.msk [tilespmem:v9+s18+$0x0], $0xffff  }
.Ltmp7:
0x3cd: {  	s25 =	sadd.s32 $0xFFFFFF70, s29;
	(pc) =	sbr.rel @p0 .LBB2_16-.Ltmp7, $2  }
0x3ce: {  	v9 =	vor.u32 s25, v1;
	_ =	sdelay $0x2  }
0x3cf: {  	s0 =	sadd.s32 $0x40, s0  }
0x3d0: {  	_ =	sdelay $0x2  }
0x3d1: {  	[tilespmem:s30+$0x0] =	vst v8  }
0x3d2: {  	v8 =	vld.idx.msk [tilespmem:v9+s18+$0x0], $0xffff  }
0x3d3: {  	v9 =	vor.u32 s25, v2;
	_ =	sdelay $0x2  }
0x3d4: {  	s1 =	sadd.s32 $0x40, s1  }
0x3d5: {  	[tilespmem:s1+$0xFFFFFFD0] =	vst v8  }
0x3d6: {  	v8 =	vld.idx.msk [tilespmem:v9+s18+$0x0], $0xffff  }
0x3d7: {  	v9 =	vor.u32 s25, v3;
	_ =	sdelay $0x2  }
0x3d8: {  	s31 =	sadd.s32 $0x40, s28  }
0x3d9: {  	[tilespmem:s31+$0xFFFFFFD0] =	vst v8  }
0x3da: {  	s28 =	sadd.s32 $0xFFFFFFA0, s29;
	v8 =	vld.idx.msk [tilespmem:v9+s18+$0x0], $0xffff  }
0x3db: {  	v9 =	vadd.s32 s28, v1;
	_ =	sdelay $0x3  }
0x3dc: {  	[tilespmem:s0+$0xFFFFFFD0] =	vst v8  }
0x3dd: {  	v8 =	vld.idx.msk [tilespmem:v9+s18+$0x0], $0xffff  }
0x3de: {  	v9 =	vadd.s32 s28, v2;
	_ =	sdelay $0x3  }
0x3df: {  	[tilespmem:s1+$0xFFFFFFE0] =	vst v8  }
0x3e0: {  	v8 =	vld.idx.msk [tilespmem:v9+s18+$0x0], $0xffff  }
0x3e1: {  	v9 =	vadd.s32 s28, v3;
	_ =	sdelay $0x3  }
0x3e2: {  	[tilespmem:s31+$0xFFFFFFE0] =	vst v8  }
0x3e3: {  	s28 =	sadd.s32 $0xFFFFFFD0, s29;
	v8 =	vld.idx.msk [tilespmem:v9+s18+$0x0], $0xffff  }
0x3e4: {  	v9 =	vadd.s32 s28, v1;
	_ =	sdelay $0x3  }
0x3e5: {  	[tilespmem:s0+$0xFFFFFFE0] =	vst v8  }
0x3e6: {  	v8 =	vld.idx.msk [tilespmem:v9+s18+$0x0], $0xffff  }
0x3e7: {  	v9 =	vadd.s32 s28, v2;
	_ =	sdelay $0x3  }
0x3e8: {  	[tilespmem:s1+$0xFFFFFFF0] =	vst v8  }
0x3e9: {  	v8 =	vld.idx.msk [tilespmem:v9+s18+$0x0], $0xffff  }
0x3ea: {  	v9 =	vadd.s32 s28, v3;
	_ =	sdelay $0x3  }
0x3eb: {  	[tilespmem:s31+$0xFFFFFFF0] =	vst v8  }
0x3ec: {  	v8 =	vld.idx.msk [tilespmem:v9+s18+$0x0], $0xffff  }
0x3ed: {  	v9 =	vadd.s32 s29, v1;
	_ =	sdelay $0x3  }
0x3ee: {  	[tilespmem:s0+$0xFFFFFFF0] =	vst v8  }
0x3ef: {  	v8 =	vld.idx.msk [tilespmem:v9+s18+$0x0], $0xffff  }
0x3f0: {  	v9 =	vadd.s32 s29, v2;
	_ =	sdelay $0x3  }
0x3f1: {  	[tilespmem:s1+$0x0] =	vst v8  }
0x3f2: {  	v8 =	vld.idx.msk [tilespmem:v9+s18+$0x0], $0xffff  }
0x3f3: {  	v9 =	vadd.s32 s29, v3;
	_ =	sdelay $0x3  }
0x3f4: {  	[tilespmem:s31+$0x0] =	vst v8  }
0x3f5: {  	v8 =	vld.idx.msk [tilespmem:v9+s18+$0x0], $0xffff;
	_ =	sdelay $0x3  }
0x3f6: {  	s28 =	simm.s32 $0x0  }
0x3f7: {  	[tilespmem:s0+$0x0] =	vst v8;
	v8 =	vadd.s32 s28, v1  }
0x3f8: {  	[tilespmem:s18], [sflag:$0x1] =	stream.linear.gather [hbm4b:s13+s28], $0x300, $0x38;
	[tilespmem:$0xD500] =	vst v63  }
0x3f9: {  	_ =	swait.ge [sflag:s3], $0x300  }
0x3fa: {  	[sflag:s3] =	ssyncset.done $0x0  }
0x3fb: {  	[sflag:s3] =	ssyncadd.s32 $0xFFFFFD00  }
0x3fc: {  	v8 =	vld.idx.msk [tilespmem:v8+s18+$0x0], $0xffff  }
0x3fd: {  	v9 =	vadd.s32 s28, v2;
	_ =	sdelay $0x2  }
0x3fe: {  	s4 =	simm.s32 $0x6000  }
0x3ff: {  	[tilespmem:s4+$0x0] =	vst v8  }
0x400: {  	v8 =	vld.idx.msk [tilespmem:v9+s18+$0x0], $0xffff  }
0x401: {  	v9 =	vadd.s32 s28, v3;
	_ =	sdelay $0x2  }
0x402: {  	s25 =	simm.s32 $0x6100  }
0x403: {  	[tilespmem:s25+$0x0] =	vst v8  }
0x404: {  	s31 =	simm.s32 $0x30;
	v8 =	vld.idx.msk [tilespmem:v9+s18+$0x0], $0xffff  }
0x405: {  	v9 =	vadd.s32 s31, v1;
	_ =	sdelay $0x2  }
0x406: {  	s0 =	simm.s32 $0x6200  }
0x407: {  	[tilespmem:s0+$0x0] =	vst v8  }
0x408: {  	v8 =	vld.idx.msk [tilespmem:v9+s18+$0x0], $0xffff  }
0x409: {  	v9 =	vadd.s32 s31, v2;
	_ =	sdelay $0x2  }
0x40a: {  	s1 =	simm.s32 $0x6010  }
0x40b: {  	[tilespmem:s1+$0x0] =	vst v8  }
0x40c: {  	v8 =	vld.idx.msk [tilespmem:v9+s18+$0x0], $0xffff  }
0x40d: {  	v9 =	vadd.s32 s31, v3;
	_ =	sdelay $0x2  }
0x40e: {  	s25 =	simm.s32 $0x6110  }
0x40f: {  	[tilespmem:s25+$0x0] =	vst v8  }
0x410: {  	s29 =	simm.s32 $0x60;
	v8 =	vld.idx.msk [tilespmem:v9+s18+$0x0], $0xffff  }
0x411: {  	s30 =	simm.s32 $0x90;
	v9 =	vadd.s32 s29, v1  }
.LBB2_18:
0x412: {  	p0 =	sne.s32 s30, $0x2D0;
	_ =	sdelay $0x1  }
0x413: {  	s0 =	sadd.s32 $0x10, s0  }
0x414: {  	[tilespmem:s0+$0x0] =	vst v8  }
0x415: {  	v8 =	vld.idx.msk [tilespmem:v9+s18+$0x0], $0xffff;
	_ =	sdelay $0x1  }
0x416: {  	v9 =	vadd.s32 s29, v2;
	_ =	sdelay $0x2  }
0x417: {  	s1 =	sadd.s32 $0x10, s1  }
0x418: {  	[tilespmem:s1+$0x0] =	vst v8  }
0x419: {  	v8 =	vld.idx.msk [tilespmem:v9+s18+$0x0], $0xffff;
	_ =	sdelay $0x1  }
0x41a: {  	v9 =	vadd.s32 s29, v3;
	s29 =	smov.u32 s30;
	_ =	sdelay $0x2  }
.Ltmp8:
0x41b: {  	s25 =	sadd.s32 $0x10, s25;
	(pc) =	sbr.rel @p0 .LBB2_18-.Ltmp8, $3  }
0x41c: {  	[tilespmem:s25+$0x0] =	vst v8  }
0x41d: {  	v8 =	vld.idx.msk [tilespmem:v9+s18+$0x0], $0xffff;
	_ =	sdelay $0x1  }
0x41e: {  	s30 =	sadd.s32 $0x30, s30;
	v9 =	vadd.s32 s29, v1  }
0x41f: {  	_ =	sdelay $0x1  }
0x420: {  	s0 =	sadd.s32 $0x10, s0  }
0x421: {  	[tilespmem:s0+$0x0] =	vst v8  }
0x422: {  	v8 =	vld.idx.msk [tilespmem:v9+s18+$0x0], $0xffff  }
0x423: {  	v62 =	vadd.s32 s29, v2;
	_ =	sdelay $0x2  }
0x424: {  	s1 =	sadd.s32 $0x10, s1  }
0x425: {  	[tilespmem:s1+$0x0] =	vst v8  }
0x426: {  	v8 =	vld.idx.msk [tilespmem:v62+s18+$0x0], $0xffff  }
0x427: {  	v63 =	vadd.s32 s29, v3;
	_ =	sdelay $0x2  }
0x428: {  	s31 =	sadd.s32 $0x10, s25  }
0x429: {  	[tilespmem:s31+$0x0] =	vst v8  }
0x42a: {  	v8 =	vld.idx.msk [tilespmem:v63+s18+$0x0], $0xffff;
	_ =	sdelay $0x3  }
0x42b: {  	s0 =	sadd.s32 $0x10, s0  }
0x42c: {  	[tilespmem:s0+$0x0] =	vst v8  }
.LBB2_20:
0x42d: {  	v8 =	vmov s28;
	_ =	sdelay $0x4  }
0x42e: {  	v9 =	vld.idx.msk [tilespmem:v8+s17+$0x0], $0xffff  }
0x42f: {  	v10 =	vld.idx.msk [tilespmem:v8+s19+$0x0], $0xffff  }
0x430: {  	s0 =	simm.s32 $0x0;
	s29 =	simm.s32 $0x40;
	s30 =	simm.s32 $0x4040;
	v11 =	vld.idx.msk [tilespmem:v8+s20+$0x0], $0xffff  }
0x431: {  	s31 =	simm.s32 $0x2040;
	s1 =	simm.s32 $0x40;
	s25 =	simm.s32 $0x0;
	v12 =	vld.idx.msk [tilespmem:v8+s21+$0x0], $0xffff  }
.LBB2_21:
0x432: {  	v13 =	vld [tilespmem:s29+$0xFFFFFFC0]  }
0x433: {  	v14 =	vld [tilespmem:s31+$0xFFFFFFC0];
	_ =	sdelay $0x1  }
0x434: {  	v15 =	vld [tilespmem:s30+$0xFFFFFFC0];
	_ =	sdelay $0x2  }
0x435: {  	v13 =	vsub.f32 v13, v10;
	v14 =	vsub.f32 v14, v11;
	_ =	sdelay $0x1  }
0x436: {  	v15 =	vsub.f32 v15, v12;
	v13 =	vmul.f32 v13, v13;
	v14 =	vmul.f32 v14, v14;
	_ =	sdelay $0x1  }
0x437: {  	v13 =	vadd.f32 v14, v13;
	v14 =	vmul.f32 v15, v15;
	_ =	sdelay $0x1  }
0x438: {  	s4 =	sadd.s32 $0xFFFFFFC0, s1;
	v13 =	vadd.f32 v14, v13  }
0x439: {  	v14 =	vor.u32 s4, v0  }
0x43a: {  	vm2 =	vne.s32 v14, v9;
	vm1 =	vlt.f32 v13, $1.599999960e-01  }
0x43b: {  	vm1 =	vmand vm2, vm1  }
0x43c: {  	[tilespmem:s25+$0x6400] =	vst.msk vm1, v14;
	v13 =	vmpcnt.ones.xlane vm1  }
0x43d: {  	v14 =	vld [tilespmem:s29+$0xFFFFFFD0]  }
0x43e: {  	(v2sf) =	vpush v13, $0x0;
	v13 =	vld [tilespmem:s31+$0xFFFFFFD0];
	_ =	sdelay $0x1  }
0x43f: {  	v15 =	vld [tilespmem:s30+$0xFFFFFFD0];
	_ =	sdelay $0x2  }
0x440: {  	v14 =	vsub.f32 v14, v10;
	v13 =	vsub.f32 v13, v11;
	_ =	sdelay $0x1  }
0x441: {  	v15 =	vsub.f32 v15, v12;
	v14 =	vmul.f32 v14, v14;
	v13 =	vmul.f32 v13, v13;
	_ =	sdelay $0x1  }
0x442: {  	v13 =	vadd.f32 v13, v14;
	v14 =	vmul.f32 v15, v15;
	_ =	sdelay $0x1  }
0x443: {  	s4 =	sadd.s32 $0xFFFFFFD0, s1;
	v13 =	vadd.f32 v14, v13  }
0x444: {  	v14 =	vor.u32 s4, v0  }
0x445: {  	vm2 =	vne.s32 v14, v9;
	vm1 =	vlt.f32 v13, $1.599999960e-01  }
0x446: {  	vm1 =	vmand vm2, vm1  }
0x447: {  	s4 =	spop (v2sf);
	v13 =	vmpcnt.ones.xlane vm1  }
0x448: {  	s4 =	sadd.s32 s25, s4  }
0x449: {  	[tilespmem:s4+$0x6400] =	vst.msk vm1, v14;
	(v2sf) =	vpush v13, $0x0  }
0x44a: {  	v13 =	vld [tilespmem:s29+$0xFFFFFFE0]  }
0x44b: {  	v14 =	vld [tilespmem:s31+$0xFFFFFFE0];
	_ =	sdelay $0x1  }
0x44c: {  	v15 =	vld [tilespmem:s30+$0xFFFFFFE0];
	_ =	sdelay $0x2  }
0x44d: {  	v13 =	vsub.f32 v13, v10;
	v14 =	vsub.f32 v14, v11;
	_ =	sdelay $0x1  }
0x44e: {  	v15 =	vsub.f32 v15, v12;
	v13 =	vmul.f32 v13, v13;
	v14 =	vmul.f32 v14, v14;
	_ =	sdelay $0x1  }
0x44f: {  	v13 =	vadd.f32 v14, v13;
	v14 =	vmul.f32 v15, v15;
	_ =	sdelay $0x1  }
0x450: {  	s25 =	sadd.s32 $0xFFFFFFE0, s1;
	v13 =	vadd.f32 v14, v13  }
0x451: {  	v14 =	vor.u32 s25, v0  }
0x452: {  	vm2 =	vne.s32 v14, v9;
	vm1 =	vlt.f32 v13, $1.599999960e-01;
	s25 =	spop (v2sf)  }
0x453: {  	vm1 =	vmand vm2, vm1;
	s4 =	sadd.s32 s4, s25  }
0x454: {  	v13 =	vmpcnt.ones.xlane vm1;
	[tilespmem:s4+$0x6400] =	vst.msk vm1, v14  }
0x455: {  	v14 =	vld [tilespmem:s29+$0xFFFFFFF0]  }
0x456: {  	(v2sf) =	vpush v13, $0x0;
	v13 =	vld [tilespmem:s31+$0xFFFFFFF0];
	_ =	sdelay $0x1  }
0x457: {  	v15 =	vld [tilespmem:s30+$0xFFFFFFF0];
	_ =	sdelay $0x2  }
0x458: {  	v14 =	vsub.f32 v14, v10;
	v13 =	vsub.f32 v13, v11;
	_ =	sdelay $0x1  }
0x459: {  	v15 =	vsub.f32 v15, v12;
	v14 =	vmul.f32 v14, v14;
	v13 =	vmul.f32 v13, v13;
	_ =	sdelay $0x1  }
0x45a: {  	v13 =	vadd.f32 v13, v14;
	v14 =	vmul.f32 v15, v15;
	_ =	sdelay $0x1  }
0x45b: {  	s25 =	sadd.s32 $0xFFFFFFF0, s1;
	v13 =	vadd.f32 v14, v13  }
0x45c: {  	v14 =	vor.u32 s25, v0  }
0x45d: {  	vm2 =	vne.s32 v14, v9;
	vm1 =	vlt.f32 v13, $1.599999960e-01  }
0x45e: {  	vm1 =	vmand vm2, vm1  }
0x45f: {  	s25 =	spop (v2sf);
	v13 =	vmpcnt.ones.xlane vm1  }
0x460: {  	s4 =	sadd.s32 s4, s25  }
0x461: {  	[tilespmem:s4+$0x6400] =	vst.msk vm1, v14;
	(v2sf) =	vpush v13, $0x0  }
0x462: {  	v13 =	vld [tilespmem:s29+$0x0]  }
0x463: {  	v14 =	vld [tilespmem:s31+$0x0];
	_ =	sdelay $0x1  }
0x464: {  	v15 =	vld [tilespmem:s30+$0x0];
	_ =	sdelay $0x2  }
0x465: {  	v13 =	vsub.f32 v13, v10;
	v14 =	vsub.f32 v14, v11;
	_ =	sdelay $0x1  }
0x466: {  	v15 =	vsub.f32 v15, v12;
	v13 =	vmul.f32 v13, v13;
	v14 =	vmul.f32 v14, v14;
	_ =	sdelay $0x1  }
0x467: {  	v13 =	vadd.f32 v14, v13;
	v14 =	vmul.f32 v15, v15;
	_ =	sdelay $0x1  }
0x468: {  	v13 =	vadd.f32 v14, v13  }
0x469: {  	v14 =	vor.u32 s1, v0  }
0x46a: {  	vm2 =	vne.s32 v14, v9;
	vm1 =	vlt.f32 v13, $1.599999960e-01;
	s25 =	spop (v2sf)  }
0x46b: {  	vm1 =	vmand vm2, vm1;
	s4 =	sadd.s32 s4, s25  }
0x46c: {  	v13 =	vmpcnt.ones.xlane vm1;
	[tilespmem:s4+$0x6400] =	vst.msk vm1, v14  }
0x46d: {  	v14 =	vld [tilespmem:s29+$0x10]  }
0x46e: {  	(v2sf) =	vpush v13, $0x0;
	v13 =	vld [tilespmem:s31+$0x10];
	_ =	sdelay $0x1  }
0x46f: {  	v15 =	vld [tilespmem:s30+$0x10];
	_ =	sdelay $0x2  }
0x470: {  	v14 =	vsub.f32 v14, v10;
	v13 =	vsub.f32 v13, v11;
	_ =	sdelay $0x1  }
0x471: {  	v15 =	vsub.f32 v15, v12;
	v14 =	vmul.f32 v14, v14;
	v13 =	vmul.f32 v13, v13;
	_ =	sdelay $0x1  }
0x472: {  	v13 =	vadd.f32 v13, v14;
	v14 =	vmul.f32 v15, v15;
	_ =	sdelay $0x1  }
0x473: {  	s25 =	sadd.s32 $0x10, s1;
	v13 =	vadd.f32 v14, v13  }
0x474: {  	v14 =	vor.u32 s25, v0  }
0x475: {  	vm2 =	vne.s32 v14, v9;
	vm1 =	vlt.f32 v13, $1.599999960e-01  }
0x476: {  	vm1 =	vmand vm2, vm1  }
0x477: {  	s25 =	spop (v2sf);
	v13 =	vmpcnt.ones.xlane vm1  }
0x478: {  	s4 =	sadd.s32 s4, s25  }
0x479: {  	[tilespmem:s4+$0x6400] =	vst.msk vm1, v14;
	(v2sf) =	vpush v13, $0x0  }
0x47a: {  	v13 =	vld [tilespmem:s29+$0x20]  }
0x47b: {  	v14 =	vld [tilespmem:s31+$0x20];
	_ =	sdelay $0x1  }
0x47c: {  	v15 =	vld [tilespmem:s30+$0x20];
	_ =	sdelay $0x2  }
0x47d: {  	v13 =	vsub.f32 v13, v10;
	v14 =	vsub.f32 v14, v11;
	_ =	sdelay $0x1  }
0x47e: {  	v15 =	vsub.f32 v15, v12;
	v13 =	vmul.f32 v13, v13;
	v14 =	vmul.f32 v14, v14;
	_ =	sdelay $0x1  }
0x47f: {  	v13 =	vadd.f32 v14, v13;
	v14 =	vmul.f32 v15, v15;
	_ =	sdelay $0x1  }
0x480: {  	s25 =	sadd.s32 $0x20, s1;
	v13 =	vadd.f32 v14, v13  }
0x481: {  	v14 =	vor.u32 s25, v0  }
0x482: {  	vm2 =	vne.s32 v14, v9;
	vm1 =	vlt.f32 v13, $1.599999960e-01;
	s25 =	spop (v2sf)  }
0x483: {  	vm1 =	vmand vm2, vm1;
	s4 =	sadd.s32 s4, s25  }
0x484: {  	[tilespmem:s4+$0x6400] =	vst.msk vm1, v14  }
0x485: {  	v13 =	vld [tilespmem:s29+$0x30]  }
0x486: {  	v14 =	vld [tilespmem:s31+$0x30];
	_ =	sdelay $0x1  }
0x487: {  	v15 =	vld [tilespmem:s30+$0x30];
	_ =	sdelay $0x2  }
0x488: {  	v13 =	vsub.f32 v13, v10;
	v14 =	vsub.f32 v14, v11;
	_ =	sdelay $0x1  }
0x489: {  	v15 =	vsub.f32 v15, v12;
	v13 =	vmul.f32 v13, v13;
	v14 =	vmul.f32 v14, v14;
	_ =	sdelay $0x1  }
0x48a: {  	v13 =	vadd.f32 v14, v13;
	v14 =	vmul.f32 v15, v15;
	_ =	sdelay $0x1  }
0x48b: {  	s25 =	sadd.s32 $0x30, s1;
	v13 =	vadd.f32 v14, v13  }
0x48c: {  	v14 =	vor.u32 s25, v0  }
0x48d: {  	vm3 =	vne.s32 v14, v9;
	vm2 =	vlt.f32 v13, $1.599999960e-01  }
0x48e: {  	v13 =	vmpcnt.ones.xlane vm1;
	vm1 =	vmand vm3, vm2  }
0x48f: {  	v15 =	vmpcnt.ones.xlane vm1  }
0x490: {  	(v2sf) =	vpush v13, $0x0  }
0x491: {  	(v2sf) =	vpush v15, $0x0;
	_ =	sdelay $0xd  }
0x492: {  	s25 =	spop (v2sf)  }
0x493: {  	s4 =	sadd.s32 s4, s25;
	s25 =	spop (v2sf)  }
0x494: {  	p0 =	sgt.u32 s0, $0x3E;
	s25 =	sadd.s32 s4, s25  }
0x495: {  	p1 =	slt.s32 @!p0 s25, $0x20  }
0x496: {  	p0 =	por p0, !p1  }
.Ltmp9:
0x497: {  	_ = 	snop;
	(pc) =	sbr.rel @!p0 .LBB2_21-.Ltmp9, $3  }
0x498: {  	_ =	sdelay $0x1  }
0x499: {  	s0 =	sadd.s32 $0x1, s0;
	s1 =	sadd.s32 $0x80, s1  }
0x49a: {  	s30 =	sadd.s32 $0x80, s30;
	s31 =	sadd.s32 $0x80, s31;
	s29 =	sadd.s32 $0x80, s29;
	[tilespmem:s4+$0x6400] =	vst.msk vm1, v14  }
0x49b: {  	_ =	sdelay $0x2  }
0x49c: {  	v10 =	vld.msk [tilespmem:$0x6400 ss:$0x0], $0xffff  }
0x49d: {  	v11 =	vld.idx.msk [tilespmem:v4+s22+$0x0], $0xffff;
	s0 =	smul.u32 $0x21, s28;
	_ =	sdelay $0x1  }
0x49e: {  	v12 =	vmov s25;
	v13 =	vld.idx.msk [tilespmem:v6+s22+$0x0], $0xffff;
	v14 =	vadd.s32 s0, v0;
	s1 =	sadd.s32 $0x10, s0  }
0x49f: {  	v15 =	vld.idx.msk [tilespmem:v7+s22+$0x0], $0xffff;
	vm1 =	vgt.s32 v12, $0x0;
	s0 =	sadd.s32 $0x20, s0;
	v16 =	vadd.s32 s1, v0  }
0x4a0: {  	v17 =	vadd.s32 s0, v0;
	v10 =	vnsel vm1, $0x0, v10;
	vm1 =	vgt.s32 v12, v5  }
0x4a1: {  	v11 =	vsel vm1, v11, v10;
	vm1 =	vlt.s32 v12, $0x20  }
0x4a2: {  	s28 =	sadd.s32 $0x1, s28;
	v9 =	vsel vm0, v9, v11;
	v62 =	vnsel vm1, $0x20, v12;
	vm1 =	vgt.s32 v12, v6  }
0x4a3: {  	p0 =	sne.s32 s28, $0x100;
	v12 =	vsel vm1, v13, v10;
	vm1 =	vgt.s32 v62, v7;
	[tilespmem:v14+s23+$0x0] =	vst.idx.msk $0xffff, v9  }
.Ltmp10:
0x4a4: {  	v63 =	vsel vm1, v15, v10;
	[tilespmem:v16+s23+$0x0] =	vst.idx.msk $0xffff, v12;
	(pc) =	sbr.rel @p0 .LBB2_20-.Ltmp10, $4  }
0x4a5: {  	[tilespmem:v17+s23+$0x0] =	vst.idx.msk $0x1, v63  }
0x4a6: {  	[tilespmem:v14+s24+$0x0] =	vst.idx.msk $0xffff, v8  }
0x4a7: {  	[tilespmem:v16+s24+$0x0] =	vst.idx.msk $0xffff, v8  }
0x4a8: {  	[tilespmem:v17+s24+$0x0] =	vst.idx.msk $0x1, v8  }
0x4a9: {  	s0 =	simm.s32 $0x0  }
0x4aa: {  	v8 =	vld [tilespmem:s0+$0x6500]  }
0x4ab: {  	s1 =	simm.s32 $0x40  }
.LBB2_24:
0x4ac: {  	p0 =	sne.s32 s1, $0x83C0  }
.Ltmp11:
0x4ad: {  	_ = 	snop;
	(pc) =	sbr.rel @p0 .LBB2_24-.Ltmp11, $4  }
0x4ae: {  	_ = 	snop  }
0x4af: {  	s4 =	sshra.s32 s1, $0x2;
	s1 =	sadd.s32 $0x40, s1;
	v9 =	vcvt.s32.f32 v8  }
0x4b0: {  	v8 =	vld [tilespmem:s4+$0x6500]  }
0x4b1: {  	[tilespmem:s0+$0xA800] =	vst v9;
	s0 =	smov.u32 s4  }
0x4b2: {  	_ =	sdelay $0x2  }
0x4b3: {  	v8 =	vcvt.s32.f32 v8;
	_ =	sdelay $0x1  }
0x4b4: {  	s31 =	simm.s32 $0xA800;
	[tilespmem:s0+$0xA800] =	vst v8  }
0x4b5: {  	[hbm4b:s14+s2] =	stream.linear.scatter [tilespmem:s31], [sflag:$0x1], $0x2100, $0x38;
	[tilespmem:$0xD500] =	vst v63  }
0x4b6: {  	s26 =	sadd.s32 $0x1, s26;
	_ =	swait.ge [sflag:s3], $0x2100  }
0x4b7: {  	p0 =	sne.s32 s26, s16;
	[sflag:s3] =	ssyncset.done $0x0  }
.Ltmp12:
0x4b8: {  	[sflag:s3] =	ssyncadd.s32 $0xFFFFDF00;
	(pc) =	sbr.rel @p0 .LBB2_1-.Ltmp12, $4  }
0x4b9: {  	[hbm4b:s15+s2] =	stream.linear.scatter [tilespmem:s23], [sflag:$0x1], $0x2110, $0x38;
	[tilespmem:$0xD500] =	vst v63  }
0x4ba: {  	_ =	swait.ge [sflag:s3], $0x2110  }
0x4bb: {  	[sflag:s3] =	ssyncset.done $0x0  }
0x4bc: {  	[sflag:s3] =	ssyncadd.s32 $0xFFFFDEF0  }
0x4bd: {  	_ =	sfence.sel $0x180000  }
0x4be: {  	[bflag:$0x0] =	sbarrier.arrive $0xFFFF  }
0x4bf: {  	_ =	strace $0x9000004A  }
0x4c0: {  	s0 =	stileid.u32;
	[bflag:$0x2] =	sbarrier.arrive $0xFFFF  }
0x4c1: {  	p0 =	sne.s32 s0, $0x0;
	s0 =	rddreg [dreg:$0x2]  }
0x4c2: {  	s0 =	sadd.s32 @!p0 $0x100000, s0  }
0x4c3: {  	[sflag:s0] =	ssyncadd.tile.s32 @!p0 $0x1;
	_ =	shalt  }
.Lfunc_end2:
_tile_overlayer_lowered:
.L_overlay_start_2:
0x4c4: {  	(tag) =	ssettag $0x2  }
0x4c5: {  	s0 =	rddreg [dreg:$0x0];
	s2 =	stileid.u32  }
0x4c6: {  	s1 =	rddreg [dreg:$0x1];
	p0 =	sne.s32 s2, $0x0  }
0x4c7: {  	s3 =	rddreg [dreg:$0x2];
	[bflag:$0x3] =	sbarrier.arrive $0xFFFF;
	s2 =	simm.s32 @!p0 $0x1C01  }
0x4c8: {  	[timem:s3], [sflag:s2] =	dma.local @!p0 [hbm:s0], s1  }
0x4c9: {  	s0 =	simm.s32 @!p0 $0x1  }
0x4ca: {  	_ =	swait.ge @!p0 [sflag:s0], s1  }
0x4cb: {  	s1 =	ssub.s32 @!p0 $0x0, s1;
	[sflag:s0] =	ssyncset.done @!p0 $0x0  }
0x4cc: {  	[sflag:s0] =	ssyncadd.s32 @!p0 s1  }
0x4cd: {  	[bflag:$0x3] =	sbarrier.arrive $0xFFFF  }
0x4ce: {  	_ =	shalt  }

// kernel: sparse-core-data-format-call.1.cloned.1.call-start
scs
called_computation.1_lowered:
.L_overlay_start_0:
0x0: {  	s2 =	sld [smem:$0x3FD9]  }
0x1: {  	s3 =	sld [smem:$0x3FFE];
	_ =	sdelay $0x1  }
0x2: {  	s1 =	srdreg.scid  }
0x3: {  	s0 =	sand.u32 $0x1, s1  }
0x4: {  	s18 =	sshll.u32 s0, $0xA;
	s2 =	sadd.s32 s3, s2  }
0x5: {  	s2 =	sadd.s32 s2, s18  }
0x6: {  	[smem:$0x3FC4] =	sst s2  }
0x7: {  	_ = 	snop  }
0x8: {  	s2 =	sld [smem:$0x3FC7];
	(tm) =	ssettm $0x1  }
0x9: {  	s19 =	sld [smem:$0x3FFB];
	_ =	sdelay $0x3  }
0xa: {  	_ =	strace s19  }
0xb: {  	s3 =	sld [smem:$0x3FFC];
	_ =	sdelay $0x3  }
0xc: {  	_ =	strace s3  }
0xd: {  	s3 =	sld [smem:$0x3FFD];
	_ =	sdelay $0x3  }
0xe: {  	_ =	strace s3  }
0xf: {  	_ =	strace $0x8FFFFFFF  }
0x10: {  	s20 =	sld [smem:$0x3FDB];
	_ =	sdelay $0x1  }
0x11: {  	s4 =	simm.s32 $_scs_section_size  }
0x12: {  	s5 =	simm.s32 $_size__tile_overlayer_lowered;
	s6 =	simm.s32 $_tile_overlayer_lowered  }
0x13: {  	s23 =	simm.s32 $0x1BFF;
	s22 =	sshll.u32 s6, $0x1;
	s3 =	sadd.s32 s4, s20  }
0x14: {  	s7 =	simm.s32 $0x0;
	s21 =	sshll.u32 s5, $0x1;
	s5 =	sadd.s32 s22, s3  }
0x15: {  	[timem:s7], [sflag:s23] =	dma.local [hbm:s5], s21  }
0x16: {  	_ =	swait.ge [sflag:s23], s21  }
0x17: {  	s4 =	ssub.s32 $0x0, s21;
	[sflag:s23] =	ssyncset.done $0x0  }
0x18: {  	[sflag:s23] =	ssyncadd.s32 s4;
	_ =	sdelay $0x1  }
0x19: {  	s24 =	simm.s32 $0x1B8B  }
0x1a: {  	_ =	swait.ge [sflag:s24], $0x1  }
0x1b: {  	[sflag:s24] =	ssyncset.done $0x0  }
0x1c: {  	s26 =	simm.s32 $0x1B8E;
	s25 =	sld [smem:$0x3FFE];
	[sflag:s24] =	ssyncadd.s32 $0xFFFFFFFF  }
0x1d: {  	s27 =	simm.s32 $execute0_lowered;
	[smem:$0x3FD2] =	sst s26  }
0x1e: {  	s5 =	sshll.u32 s27, $0x1;
	_ =	strace $0x80000046;
	[dreg:$0x1] =	wrdreg $0xFFFFFFFF  }
0x1f: {  	s28 =	simm.s32 $_size_execute0_lowered;
	s3 =	sadd.s32 s3, s5;
	[dreg:$0x0] =	wrdreg $0x0  }
0x20: {  	s5 =	sshll.u32 s28, $0x1;
	[dreg:$0x2] =	wrdreg s3  }
0x21: {  	[dreg:$0x3] =	wrdreg s5  }
0x22: {  	[dreg:$0x4] =	wrdreg $0xC0  }
0x23: {  	_ =	task [dreg:s7], $0x5FFFF  }
0x24: {  	[dreg:$0x1] =	wrdreg $0xFFFFFFFF  }
0x25: {  	[dreg:$0x0] =	wrdreg $0x60  }
0x26: {  	[dreg:$0x2] =	wrdreg s2  }
0x27: {  	[dreg:$0x3] =	wrdreg s25  }
0x28: {  	[dreg:$0x4] =	wrdreg $0x9  }
0x29: {  	_ =	task.clear_ibuf [dreg:s7], $0x5FFFF;
	_ =	strace $0x90000046  }
0x2a: {  	s29 =	simm.s32 $0x9;
	_ =	strace $0x80000048  }
0x2b: {  	_ =	swait.ge [sflag:s29], $0x1  }
0x2c: {  	[sflag:s29] =	ssyncadd.s32 $0xFFFFFFFF  }
0x2d: {  	_ =	strace $0x90000048  }
0x2e: {  	_ =	sfence  }
0x2f: {  	s30 =	sld [smem:$0x0];
	_ =	sdelay $0x2  }
0x30: {  	s31 =	sshll.u32 s1, $0xD;
	s1 =	sshrl.u32 s1, $0x2  }
0x31: {  	s3 =	sand.u32 $0x4000, s31;
	s1 =	sadd.s32 s1, s30  }
0x32: {  	s0 =	sor.u32 s3, s0;
	s1 =	sshll.u32 s1, $0x11  }
0x33: {  	s0 =	sor.u32 s1, s0  }
0x34: {  	s0 =	sadd.s32 $0x8F2B, s0  }
0x35: {  	[sflag:s0] =	ssyncadd.remote.s32 $0x1  }
0x36: {  	_ =	sfence.sel $0xFFFF  }
0x37: {  	[dreg:$0x0] =	wrdreg $0xFFFFFFFF;
	(pc) =	sbr.abs _section_cstart, $3  }
0x38: {  	[dreg:$0x1] =	wrdreg $0xFFFFFFFF  }
0x39: {  	_ =	task.clear_ibuf [dreg:s7], $0x2FFFF;
	_ =	strace $0x9FFFFFFF  }
0x3a: {  	(tm) =	ssettm $0x7FFFFFFF  }
0x3b: {  	_ =	shalt  }
tec
execute0_lowered:
.L_overlay_start_1:
0x0: {  	(tag) =	ssettag $0x1  }
0x1: {  	s2 =	rddreg [dreg:$0x0]  }
0x2: {  	s1 =	rddreg [dreg:$0x1]  }
0x3: {  	s0 =	rddreg [dreg:$0x2];
	_ =	strace $0x80000047;
	s4 =	srdreg.scid  }
0x4: {  	s6 =	simm.s32 $0x2;
	s11 =	simm.s32 $0x0;
	p0 =	por $0x0, $0x0  }
.Ltmp0:
0x5: {  	s7 =	simm.s32 $0x2000;
	s12 =	simm.s32 $0x0;
	(pc) =	sbr.rel .LBB1_1-.Ltmp0, $4  }
0x6: {  	s9 =	simm.s32 $0x0;
	s3 =	sadd.s32 $0x1600, s1;
	s5 =	sshll.u32 s4, $0x4  }
0x7: {  	s1 =	stileid.u32;
	s4 =	simm.s32 $0x1;
	s5 =	sand.u32 $0x10, s5  }
0x8: {  	s8 =	simm.s32 $0x0;
	[sflag:s4] =	ssyncpa.u1 $0x0;
	s5 =	sor.u32 s1, s5  }
0x9: {  	[sflag:s6] =	ssyncpa.u1 $0x0;
	s6 =	simm.s32 $0x800;
	s10 =	smov.u32 s5  }
.LBB1_7:
0xa: {  	s13 =	sadd.s32 $0x10, s9  }
0xb: {  	s11 =	sadd.s32 $0x20, s10;
	s15 =	smov.u32 s10;
	p2 =	sgt.s32 s13, $0x3F  }
0xc: {  	p1 =	slt.u32 s8, $0x2;
	s15 =	smov.u32 @p2 s11  }
0xd: {  	s8 =	sadd.s32 $0x1, s8;
	s13 =	simm.s32 @p2 $0x0;
	p2 =	sgt.s32 s15, $0x7F  }
0xe: {  	s15 =	smov.u32 @p2 s5;
	p2 =	sne.s32 s8, $0x12  }
.Ltmp1:
0xf: {  	_ = 	snop;
	(pc) =	sbr.rel @!p2 .LBB1_8-.Ltmp1, $4  }
0x10: {  	s14 =	simm.s32 @!p1 $0x2  }
0x11: {  	s12 =	smov.u32 s10;
	_ =	swait.ge @!p1 [sflag:s14], $0x4000  }
0x12: {  	p0 =	por !p0, !p0;
	s11 =	smov.u32 s9;
	[sflag:s14] =	ssyncset.done @!p1 $0x0  }
0x13: {  	s9 =	smov.u32 s13;
	[sflag:s14] =	ssyncadd.s32 @!p1 $0xFFFFC000;
	s10 =	smov.u32 s15  }
.LBB1_1:
0x14: {  	p1 =	sgt.u32 s8, $0xF  }
0x15: {  	s13 =	sxor.u32 @!p1 $0xFFFFFFFF, s8;
	s14 =	sshll.u32 @!p1 s10, $0xD  }
0x16: {  	s15 =	sshll.u32 @!p1 s9, $0x7;
	s13 =	sshll.u32 @!p1 s13, $0xE;
	s14 =	sadd.s32 @!p1 s2, s14  }
0x17: {  	s13 =	sand.u32 @!p1 $0x4000, s13;
	s14 =	sadd.s32 @!p1 s15, s14;
	s15 =	simm.s32 @!p1 $0x0  }
0x18: {  	[tilespmem:s13], [sflag:$0x1] =	stream.linear.gather @!p1 [hbm4b:s14+s15], $0x4000, $0x38;
	[tilespmem:$0x10000] =	vst v63  }
0x19: {  	p1 =	seq.s32 s8, $0x0  }
0x1a: {  	p2 =	seq.s32 @!p1 s8, $0x11  }
0x1b: {  	p1 =	por p1, p2  }
.Ltmp2:
0x1c: {  	_ = 	snop;
	(pc) =	sbr.rel @p1 .LBB1_7-.Ltmp2, $1  }
0x1d: {  	_ =	sdelay $0x3  }
0x1e: {  	s13 =	simm.s32 $0x1;
	_ =	swait.ge [sflag:s4], $0x4000;
	s16 =	sshll.u32 s8, $0xE  }
0x1f: {  	s13 =	simm.s32 @!p0 $0x0;
	[sflag:s4] =	ssyncset.done $0x0;
	s31 =	sand.u32 $0x4000, s16  }
0x20: {  	s16 =	simm.s32 $0x0;
	s14 =	sshll.u32 s13, $0xE;
	[sflag:s4] =	ssyncadd.s32 $0xFFFFC000  }
0x21: {  	s13 =	sor.u32 $0x8040, s14;
	s15 =	sor.u32 $0x40, s14;
	s14 =	sor.u32 $0x8000, s31  }
.LBB1_3:
0x22: {  	v0 =	vmov s15;
	_ =	sdelay $0x3  }
0x23: {  	s18 =	simm.s32 $0x0  }
0x24: {  	v6 =	vld.idx.msk [tilespmem:v0+s18+$0x30 ss:$0x1], $0xffff  }
0x25: {  	v7 =	vld.idx.msk [tilespmem:v0+s18+$0xFFFFFFC0 ss:$0x1], $0xffff  }
0x26: {  	v5 =	vld.idx.msk [tilespmem:v0+s18+$0xFFFFFFD0 ss:$0x1], $0xffff  }
0x27: {  	v4 =	vld.idx.msk [tilespmem:v0+s18+$0xFFFFFFE0 ss:$0x1], $0xffff  }
0x28: {  	v3 =	vld.idx.msk [tilespmem:v0+s18+$0xFFFFFFF0 ss:$0x1], $0xffff  }
0x29: {  	v1 =	vld.idx.msk [tilespmem:v0+s18+$0x0 ss:$0x1], $0xffff  }
0x2a: {  	v2 =	vld.idx.msk [tilespmem:v0+s18+$0x10 ss:$0x1], $0xffff;
	[tilespmem:s13+$0x30] =	vst v6  }
0x2b: {  	s17 =	simm.s32 $0x80;
	s19 =	simm.s32 $0x400;
	[tilespmem:s13+$0xFFFFFFC0] =	vst v7;
	v6 =	vld.idx.msk [tilespmem:v0+s18+$0x20 ss:$0x1], $0xffff;
	s18 =	smov.u32 s13  }
.LBB1_4:
0x2c: {  	p1 =	sne.s32 s19, $0xE00;
	v7 =	vld.idx.msk [tilespmem:v0+s17+$0x30 ss:$0x1], $0xffff;
	[tilespmem:s18+$0xFFFFFFD0] =	vst v5  }
0x2d: {  	v8 =	vld.idx.msk [tilespmem:v0+s17+$0xFFFFFFC0 ss:$0x1], $0xffff;
	[tilespmem:s18+$0xFFFFFFE0] =	vst v4  }
0x2e: {  	v5 =	vld.idx.msk [tilespmem:v0+s17+$0xFFFFFFD0 ss:$0x1], $0xffff;
	[tilespmem:s18+$0xFFFFFFF0] =	vst v3  }
.Ltmp3:
0x2f: {  	v4 =	vld.idx.msk [tilespmem:v0+s17+$0xFFFFFFE0 ss:$0x1], $0xffff;
	[tilespmem:s18+$0x0] =	vst v1;
	(pc) =	sbr.rel @p1 .LBB1_4-.Ltmp3, $4  }
0x30: {  	v3 =	vld.idx.msk [tilespmem:v0+s17+$0xFFFFFFF0 ss:$0x1], $0xffff;
	[tilespmem:s18+$0x10] =	vst v2  }
0x31: {  	v1 =	vld.idx.msk [tilespmem:v0+s17+$0x0 ss:$0x1], $0xffff;
	[tilespmem:s18+$0x20] =	vst v6;
	s18 =	sadd.s32 $0x800, s18  }
0x32: {  	v2 =	vld.idx.msk [tilespmem:v0+s17+$0x10 ss:$0x1], $0xffff;
	[tilespmem:s18+$0x30] =	vst v7  }
0x33: {  	[tilespmem:s18+$0xFFFFFFC0] =	vst v8;
	v6 =	vld.idx.msk [tilespmem:v0+s17+$0x20 ss:$0x1], $0xffff;
	s17 =	sshra.s32 s19, $0x2;
	s19 =	sadd.s32 $0x200, s19  }
0x34: {  	_ =	sdelay $0x2  }
0x35: {  	[tilespmem:s18+$0xFFFFFFD0] =	vst v5  }
0x36: {  	v56 =	vld.idx.msk [tilespmem:v0+s17+$0x30 ss:$0x1], $0xffff;
	[tilespmem:s18+$0xFFFFFFE0] =	vst v4  }
0x37: {  	v57 =	vld.idx.msk [tilespmem:v0+s17+$0xFFFFFFC0 ss:$0x1], $0xffff;
	[tilespmem:s18+$0xFFFFFFF0] =	vst v3  }
0x38: {  	v58 =	vld.idx.msk [tilespmem:v0+s17+$0xFFFFFFD0 ss:$0x1], $0xffff;
	[tilespmem:s18+$0x0] =	vst v1  }
0x39: {  	v59 =	vld.idx.msk [tilespmem:v0+s17+$0xFFFFFFE0 ss:$0x1], $0xffff;
	[tilespmem:s18+$0x10] =	vst v2  }
0x3a: {  	v60 =	vld.idx.msk [tilespmem:v0+s17+$0xFFFFFFF0 ss:$0x1], $0xffff;
	s31 =	sadd.s32 $0x800, s18;
	[tilespmem:s18+$0x20] =	vst v6  }
0x3b: {  	v61 =	vld.idx.msk [tilespmem:v0+s17+$0x0 ss:$0x1], $0xffff;
	[tilespmem:s31+$0x30] =	vst v56  }
0x3c: {  	v62 =	vld.idx.msk [tilespmem:v0+s17+$0x10 ss:$0x1], $0xffff;
	s16 =	sadd.s32 $0x1, s16;
	[tilespmem:s31+$0xFFFFFFC0] =	vst v57  }
0x3d: {  	v63 =	vld.idx.msk [tilespmem:v0+s17+$0x20 ss:$0x1], $0xffff;
	p1 =	sne.s32 s16, $0x10;
	[tilespmem:s31+$0xFFFFFFD0] =	vst v58  }
.Ltmp4:
0x3e: {  	[tilespmem:s31+$0xFFFFFFE0] =	vst v59;
	(pc) =	sbr.rel @p1 .LBB1_3-.Ltmp4, $4  }
0x3f: {  	[tilespmem:s31+$0xFFFFFFF0] =	vst v60  }
0x40: {  	[tilespmem:s31+$0x0] =	vst v61  }
0x41: {  	[tilespmem:s31+$0x10] =	vst v62  }
0x42: {  	s13 =	sadd.s32 $0x80, s13;
	s15 =	sadd.s32 $0x400, s15;
	[tilespmem:s31+$0x20] =	vst v63  }
.Ltmp5:
0x43: {  	(pc) =	sbr.rel .LBB1_7-.Ltmp5, $4  }
0x44: {  	s12 =	sshll.u32 s12, $0xD;
	s11 =	sshll.u32 s11, $0x4  }
0x45: {  	s11 =	sand.u32 $0x3F0, s11;
	s12 =	sadd.s32 s3, s12  }
0x46: {  	s11 =	sadd.s32 s11, s12  }
0x47: {  	[hbm4b:s11+s6] =	stream.strided.scatter [tilespmem:s14], [sflag:$0x2], $0x4000, s7, s6, $0x38;
	[tilespmem:$0x10000] =	vst v63  }
.LBB1_8:
0x48: {  	_ =	sfence.sel $0x180000  }
0x49: {  	s2 =	simm.s32 $0x1;
	[bflag:$0x0] =	sbarrier.arrive $0xFFFF  }
0x4a: {  	s31 =	simm.s32 $0x2;
	[sflag:s2] =	ssyncpa.u1 $0x1  }
0x4b: {  	[sflag:s31] =	ssyncpa.u1 $0x1  }
0x4c: {  	p0 =	sne.s32 s1, $0x0;
	_ =	strace $0x90000047  }
0x4d: {  	s0 =	sadd.s32 @!p0 $0x100000, s0;
	[bflag:$0x2] =	sbarrier.arrive $0xFFFF  }
0x4e: {  	[sflag:s0] =	ssyncadd.tile.s32 @!p0 $0x1;
	_ =	shalt  }
.Lfunc_end1:
_tile_overlayer_lowered:
.L_overlay_start_2:
0x4f: {  	(tag) =	ssettag $0x2  }
0x50: {  	s0 =	rddreg [dreg:$0x0];
	s2 =	stileid.u32  }
0x51: {  	s1 =	rddreg [dreg:$0x1];
	p0 =	sne.s32 s2, $0x0  }
0x52: {  	s3 =	rddreg [dreg:$0x2];
	[bflag:$0x3] =	sbarrier.arrive $0xFFFF;
	s2 =	simm.s32 @!p0 $0x1C01  }
0x53: {  	[timem:s3], [sflag:s2] =	dma.local @!p0 [hbm:s0], s1  }
0x54: {  	s0 =	simm.s32 @!p0 $0x1  }
0x55: {  	_ =	swait.ge @!p0 [sflag:s0], s1  }
0x56: {  	s1 =	ssub.s32 @!p0 $0x0, s1;
	[sflag:s0] =	ssyncset.done @!p0 $0x0  }
0x57: {  	[sflag:s0] =	ssyncadd.s32 @!p0 s1  }
0x58: {  	[bflag:$0x3] =	sbarrier.arrive $0xFFFF  }
0x59: {  	_ =	shalt  }

// kernel: sparse-core-data-format-call.cloned.1.call-start
scs
called_computation_lowered:
.L_overlay_start_0:
0x0: {  	s2 =	sld [smem:$0x3FD9]  }
0x1: {  	s3 =	sld [smem:$0x3FFE];
	_ =	sdelay $0x1  }
0x2: {  	s1 =	srdreg.scid  }
0x3: {  	s0 =	sand.u32 $0x1, s1  }
0x4: {  	s18 =	sshll.u32 s0, $0xA;
	s2 =	sadd.s32 s3, s2  }
0x5: {  	s2 =	sadd.s32 s2, s18  }
0x6: {  	[smem:$0x3FC4] =	sst s2  }
0x7: {  	_ = 	snop  }
0x8: {  	s2 =	sld [smem:$0x3FD0];
	(tm) =	ssettm $0x1  }
0x9: {  	s19 =	sld [smem:$0x3FFB];
	_ =	sdelay $0x3  }
0xa: {  	_ =	strace s19  }
0xb: {  	s3 =	sld [smem:$0x3FFC];
	_ =	sdelay $0x3  }
0xc: {  	_ =	strace s3  }
0xd: {  	s3 =	sld [smem:$0x3FFD];
	_ =	sdelay $0x3  }
0xe: {  	_ =	strace s3  }
0xf: {  	_ =	strace $0x8FFFFFFF  }
0x10: {  	s20 =	sld [smem:$0x3FDB];
	_ =	sdelay $0x1  }
0x11: {  	s4 =	simm.s32 $_scs_section_size  }
0x12: {  	s5 =	simm.s32 $_size__tile_overlayer_lowered;
	s6 =	simm.s32 $_tile_overlayer_lowered  }
0x13: {  	s23 =	simm.s32 $0x1BFF;
	s22 =	sshll.u32 s6, $0x1;
	s3 =	sadd.s32 s4, s20  }
0x14: {  	s7 =	simm.s32 $0x0;
	s21 =	sshll.u32 s5, $0x1;
	s5 =	sadd.s32 s22, s3  }
0x15: {  	[timem:s7], [sflag:s23] =	dma.local [hbm:s5], s21  }
0x16: {  	_ =	swait.ge [sflag:s23], s21  }
0x17: {  	s4 =	ssub.s32 $0x0, s21;
	[sflag:s23] =	ssyncset.done $0x0  }
0x18: {  	[sflag:s23] =	ssyncadd.s32 s4;
	_ =	sdelay $0x1  }
0x19: {  	s24 =	simm.s32 $0x1B8B  }
0x1a: {  	_ =	swait.ge [sflag:s24], $0x1  }
0x1b: {  	[sflag:s24] =	ssyncset.done $0x0  }
0x1c: {  	s26 =	simm.s32 $0x1B8E;
	s25 =	sld [smem:$0x3FFE];
	[sflag:s24] =	ssyncadd.s32 $0xFFFFFFFF  }
0x1d: {  	s27 =	simm.s32 $execute0_lowered;
	[smem:$0x3FD2] =	sst s26  }
0x1e: {  	s5 =	sshll.u32 s27, $0x1;
	_ =	strace $0x8000004C;
	[dreg:$0x1] =	wrdreg $0xFFFFFFFF  }
0x1f: {  	s28 =	simm.s32 $_size_execute0_lowered;
	s3 =	sadd.s32 s3, s5;
	[dreg:$0x0] =	wrdreg $0x0  }
0x20: {  	s5 =	sshll.u32 s28, $0x1;
	[dreg:$0x2] =	wrdreg s3  }
0x21: {  	[dreg:$0x3] =	wrdreg s5  }
0x22: {  	[dreg:$0x4] =	wrdreg $0xC0  }
0x23: {  	_ =	task [dreg:s7], $0x5FFFF  }
0x24: {  	[dreg:$0x1] =	wrdreg $0xFFFFFFFF  }
0x25: {  	[dreg:$0x0] =	wrdreg $0x60  }
0x26: {  	[dreg:$0x2] =	wrdreg s25  }
0x27: {  	[dreg:$0x3] =	wrdreg s2  }
0x28: {  	[dreg:$0x4] =	wrdreg $0x9  }
0x29: {  	_ =	task.clear_ibuf [dreg:s7], $0x5FFFF;
	_ =	strace $0x9000004C  }
0x2a: {  	s29 =	simm.s32 $0x9;
	_ =	strace $0x8000004E  }
0x2b: {  	_ =	swait.ge [sflag:s29], $0x1  }
0x2c: {  	[sflag:s29] =	ssyncadd.s32 $0xFFFFFFFF  }
0x2d: {  	_ =	strace $0x9000004E  }
0x2e: {  	_ =	sfence  }
0x2f: {  	s30 =	sld [smem:$0x0];
	_ =	sdelay $0x2  }
0x30: {  	s31 =	sshll.u32 s1, $0xD;
	s1 =	sshrl.u32 s1, $0x2  }
0x31: {  	s3 =	sand.u32 $0x4000, s31;
	s1 =	sadd.s32 s1, s30  }
0x32: {  	s0 =	sor.u32 s3, s0;
	s1 =	sshll.u32 s1, $0x11  }
0x33: {  	s0 =	sor.u32 s1, s0  }
0x34: {  	s0 =	sadd.s32 $0x8F2B, s0  }
0x35: {  	[sflag:s0] =	ssyncadd.remote.s32 $0x1  }
0x36: {  	_ =	sfence.sel $0xFFFF  }
0x37: {  	[dreg:$0x0] =	wrdreg $0xFFFFFFFF;
	(pc) =	sbr.abs _section_cstart, $3  }
0x38: {  	[dreg:$0x1] =	wrdreg $0xFFFFFFFF  }
0x39: {  	_ =	task.clear_ibuf [dreg:s7], $0x2FFFF;
	_ =	strace $0x9FFFFFFF  }
0x3a: {  	(tm) =	ssettm $0x7FFFFFFF  }
0x3b: {  	_ =	shalt  }
tec
execute0_lowered:
.L_overlay_start_1:
0x0: {  	(tag) =	ssettag $0x1  }
0x1: {  	s0 =	stileid.u32  }
0x2: {  	s1 =	srdreg.scid;
	s5 =	rddreg [dreg:$0x0];
	s7 =	simm.s32 $0x1  }
0x3: {  	s8 =	simm.s32 $0x1;
	s31 =	simm.s32 $0x2;
	s18 =	simm.s32 $0x0  }
0x4: {  	s2 =	sshll.u32 s0, $0x5;
	s1 =	sshll.u32 s1, $0x9;
	s3 =	sshll.u32 s0, $0x1  }
0x5: {  	s10 =	simm.s32 $0x100;
	s2 =	sor.u32 s2, s1;
	s1 =	sand.u32 $0x6, s3  }
0x6: {  	s11 =	simm.s32 $0x2000;
	s2 =	sand.u32 $0x380, s2;
	s3 =	ssub.s32 $0x8, s1  }
0x7: {  	s17 =	simm.s32 $0x0;
	s4 =	sand.u32 $0x6, s3;
	s6 =	ssub.s32 $0x400, s2  }
0x8: {  	s19 =	simm.s32 $0x0;
	p0 =	sne.s32 s4, $0x0;
	s29 =	sand.u32 $0x380, s6  }
0x9: {  	s12 =	simm.s32 $0x0;
	s7 =	simm.s32 @!p0 $0x0;
	p0 =	sne.s32 s29, $0x0  }
0xa: {  	s3 =	sshrl.u32 s3, $0x3;
	s6 =	sshrl.u32 s6, $0xA;
	s8 =	simm.s32 @!p0 $0x0  }
0xb: {  	s13 =	simm.s32 $0x0;
	s7 =	sadd.s32 s7, s3;
	s6 =	sadd.s32 s8, s6  }
0xc: {  	s14 =	simm.s32 $0x0;
	s16 =	simm.s32 $0x0;
	s6 =	smul.u32 s6, s7  }
.Ltmp0:
0xd: {  	s15 =	smov.u32 s1;
	s4 =	rddreg [dreg:$0x1];
	(pc) =	sbr.rel .LBB1_1-.Ltmp0, $4  }
0xe: {  	s30 =	sshll.u32 s2, $0x4;
	s3 =	rddreg [dreg:$0x2];
	_ =	strace $0x8000004D  }
0xf: {  	s8 =	sadd.s32 s30, s5;
	s5 =	simm.s32 $0x1;
	s6 =	smul.u32 $0x86, s6  }
0x10: {  	p0 =	por $0x0, $0x0;
	[sflag:s5] =	ssyncpa.u1 $0x0;
	s7 =	sadd.s32 $0x1600, s8  }
0x11: {  	s8 =	sadd.s32 $0x219600, s8;
	[sflag:s31] =	ssyncpa.u1 $0x0;
	s9 =	sor.u32 $0x1, s6  }
.LBB1_7:
0x12: {  	p1 =	slt.u32 s16, $0x2  }
0x13: {  	p2 =	sgt.s32 @!p1 s18, $0x85  }
0x14: {  	s19 =	smov.u32 s18;
	s20 =	sshra.s32 @!p1 s18, $0x1F;
	p2 =	por !p2, p1  }
0x15: {  	s21 =	sshra.s32 @!p1 s17, $0x1F;
	s19 =	simm.s32 @p2 $0x85;
	p2 =	sgt.s32 @!p1 s17, $0x6  }
0x16: {  	s18 =	sand.u32 @!p1 s20, s18;
	s20 =	smov.u32 s17;
	p2 =	por !p2, p1  }
0x17: {  	s17 =	sand.u32 @!p1 s21, s17;
	s18 =	ssub.s32 @!p1 s19, s18;
	s20 =	simm.s32 @p2 $0x6  }
0x18: {  	s21 =	smov.u32 s15;
	s19 =	sadd.s32 @!p1 $0xFFFFFF7B, s18;
	s17 =	ssub.s32 @!p1 s20, s17  }
0x19: {  	s18 =	ssub.s32 @!p1 $0x86, s18;
	p2 =	sgt.s32 @!p1 s19, $0x0;
	s17 =	sadd.s32 @!p1 $0xFFFFFFFA, s17  }
0x1a: {  	s18 =	smul.u32 @!p1 $0x21, s18;
	p3 =	sgt.s32 @!p1 s17, $0x1;
	s17 =	sshll.u32 @!p1 s17, $0x7  }
0x1b: {  	p2 =	por !p2, p1;
	s17 =	ssub.s32 @!p1 $0x100, s17;
	p3 =	por !p3, p1  }
0x1c: {  	s20 =	sadd.s32 $0x1, s14;
	s18 =	simm.s32 @!p2 $0x0;
	s17 =	simm.s32 @!p3 $0x0  }
0x1d: {  	p2 =	sgt.s32 s20, $0x85;
	s17 =	smul.u32 @!p1 s18, s17;
	s18 =	sadd.s32 $0x8, s15  }
0x1e: {  	s21 =	smov.u32 @p2 s18  }
0x1f: {  	s20 =	simm.s32 @p2 $0x0;
	p2 =	sgt.s32 s21, $0x7  }
0x20: {  	p0 =	por !p0, !p0;
	s21 =	smov.u32 @p2 s1;
	p2 =	sne.s32 s16, s9  }
.Ltmp1:
0x21: {  	s19 =	simm.s32 @!p1 $0x2;
	s18 =	smov.u32 s12;
	(pc) =	sbr.rel @!p2 .LBB1_8-.Ltmp1, $4  }
0x22: {  	s12 =	smov.u32 s14;
	s14 =	smov.u32 s20;
	s17 =	sand.u32 @!p1 $0x3FFFFF80, s17  }
0x23: {  	_ =	swait.ge @!p1 [sflag:s19], s17;
	s22 =	ssub.s32 @!p1 $0x0, s17;
	s17 =	smov.u32 s13  }
0x24: {  	s16 =	sadd.s32 $0x1, s16;
	s13 =	smov.u32 s15;
	[sflag:s19] =	ssyncset.done @!p1 $0x0  }
0x25: {  	s15 =	smov.u32 s21;
	[sflag:s19] =	ssyncadd.s32 @!p1 s22;
	s19 =	smov.u32 s2  }
.LBB1_1:
0x26: {  	p1 =	sge.u32 s16, s6  }
0x27: {  	s21 =	smul.u32 @!p1 $0x218000, s15  }
0x28: {  	s20 =	sxor.u32 @!p1 $0xFFFFFFFF, s16;
	s22 =	sshll.u32 @!p1 s14, $0xE;
	s24 =	simm.s32 @!p1 $0x40  }
0x29: {  	s25 =	simm.s32 @!p1 $0x80;
	s20 =	sshll.u32 @!p1 s20, $0xE;
	s23 =	sadd.s32 @!p1 s21, s22  }
0x2a: {  	s20 =	sand.u32 @!p1 $0x4000, s20;
	s21 =	sadd.s32 @!p1 s21, s8;
	s23 =	sadd.s32 @!p1 s7, s23  }
0x2b: {  	[tilespmem:s20], [sflag:$0x1] =	stream.strided.gather @!p1 [hbm4b:s23+s24], $0x2000, s25, s24, $0x38;
	[tilespmem:$0x10100] =	vst v63  }
0x2c: {  	s31 =	sadd.s32 $0xFFFFFFFF, s16;
	s21 =	sadd.s32 @!p1 s22, s21;
	s20 =	sor.u32 @!p1 $0x2000, s20  }
0x2d: {  	[tilespmem:s20], [sflag:$0x1] =	stream.strided.gather @!p1 [hbm4b:s21+s24], $0x2000, s25, s24, $0x38;
	[tilespmem:$0x10100] =	vst v63  }
0x2e: {  	p1 =	sge.u32 s31, s6  }
.Ltmp2:
0x2f: {  	_ = 	snop;
	(pc) =	sbr.rel @p1 .LBB1_7-.Ltmp2, $1  }
0x30: {  	_ =	sdelay $0x3  }
0x31: {  	s20 =	simm.s32 $0x1;
	s22 =	sand.u32 $0x1, s16  }
0x32: {  	_ =	swait.ge [sflag:s5], $0x4000;
	s20 =	simm.s32 @!p0 $0x0;
	s22 =	smul.u32 $0x10200, s22  }
0x33: {  	p2 =	por $0x1, $0x1;
	[sflag:s5] =	ssyncset.done $0x0;
	s21 =	smul.u32 $0x10200, s20  }
0x34: {  	s23 =	sshll.u32 s20, $0x10;
	[sflag:s5] =	ssyncadd.s32 $0xFFFFC000;
	s30 =	sshrl.u32 s22, $0x2  }
0x35: {  	s31 =	sshrl.u32 s23, $0x2;
	s23 =	simm.s32 $0x0;
	s21 =	sshrl.u32 s21, $0x2  }
0x36: {  	s20 =	sor.u32 $0x8000, s30;
	s22 =	sadd.s32 $0x20, s31;
	s21 =	sor.u32 $0x8000, s21  }
.LBB1_3:
0x37: {  	s24 =	sshll.u32 s23, $0xD  }
0x38: {  	s24 =	sand.u32 $0x3FFFE000, s24  }
0x39: {  	s26 =	sadd.s32 s24, s22  }
0x3a: {  	s31 =	smul.u32 $0x204, s23;
	v3 =	vld [tilespmem:s26+$0x10]  }
0x3b: {  	v1 =	vld [tilespmem:s26+$0xFFFFFFF0]  }
0x3c: {  	s23 =	sshra.s32 s31, $0x2;
	v0 =	vld [tilespmem:s26+$0x0]  }
0x3d: {  	s23 =	sadd.s32 s23, s21;
	v2 =	vld [tilespmem:s26+$0xFFFFFFE0]  }
0x3e: {  	s24 =	sadd.s32 $0x0, s23  }
0x3f: {  	p1 =	por p2, p2;
	s25 =	simm.s32 $0x4;
	s26 =	sadd.s32 $0x40, s26;
	[tilespmem:s24+$0x3060 ss:$0x102] =	vst.msk $0xffff, v3  }
.LBB1_4:
0x40: {  	v3 =	vld [tilespmem:s26+$0x10];
	p2 =	sne.s32 s25, $0x1FC;
	[tilespmem:s24+$0x1020 ss:$0x102] =	vst.msk $0xffff, v1;
	s27 =	smov.u32 s25;
	s25 =	sadd.s32 $0x4, s25  }
.Ltmp3:
0x41: {  	v1 =	vld [tilespmem:s26+$0xFFFFFFF0];
	[tilespmem:s24+$0x2040 ss:$0x102] =	vst.msk $0xffff, v0;
	(pc) =	sbr.rel @p2 .LBB1_4-.Ltmp3, $4  }
0x42: {  	v0 =	vld [tilespmem:s26+$0x0];
	[tilespmem:s24+$0x0 ss:$0x102] =	vst.msk $0xffff, v2  }
0x43: {  	s24 =	sshra.s32 s27, $0x2;
	v2 =	vld [tilespmem:s26+$0xFFFFFFE0]  }
0x44: {  	s24 =	sadd.s32 s24, s23  }
0x45: {  	s26 =	sadd.s32 $0x40, s26;
	[tilespmem:s24+$0x3060 ss:$0x102] =	vst.msk $0xffff, v3  }
.Ltmp4:
0x46: {  	(pc) =	sbr.rel @p1 .LBB1_3-.Ltmp4, $4  }
0x47: {  	_ = 	snop  }
0x48: {  	[tilespmem:s24+$0x1020 ss:$0x102] =	vst.msk $0xffff, v1  }
0x49: {  	[tilespmem:s24+$0x2040 ss:$0x102] =	vst.msk $0xffff, v0  }
0x4a: {  	s23 =	simm.s32 $0x1;
	p2 =	por $0x0, $0x0;
	[tilespmem:s24+$0x0 ss:$0x102] =	vst.msk $0xffff, v2  }
0x4b: {  	p1 =	sgt.s32 s12, $0x85;
	s21 =	smov.u32 s12  }
0x4c: {  	s22 =	sshra.s32 s12, $0x1F;
	s23 =	smov.u32 s13;
	s24 =	sshra.s32 s13, $0x1F  }
0x4d: {  	s21 =	simm.s32 @!p1 $0x85;
	s22 =	sand.u32 s22, s12;
	p1 =	sgt.s32 s13, $0x6  }
0x4e: {  	s27 =	sand.u32 s24, s13;
	s21 =	ssub.s32 s21, s22;
	s23 =	simm.s32 @!p1 $0x6  }
0x4f: {  	s22 =	ssub.s32 s23, s27;
	s28 =	ssub.s32 $0x86, s21  }
0x50: {  	s21 =	sadd.s32 $0xFFFFFF7B, s21;
	s23 =	smul.u32 $0x21, s28;
	s22 =	sadd.s32 $0xFFFFFFFA, s22  }
0x51: {  	s30 =	smul.u32 $0x8400, s12;
	p1 =	sgt.s32 s21, $0x0;
	s29 =	sshll.u32 s22, $0x7  }
0x52: {  	s23 =	simm.s32 @p1 $0x0;
	p1 =	sgt.s32 s22, $0x1;
	s21 =	ssub.s32 $0x100, s29  }
.Ltmp5:
0x53: {  	s21 =	simm.s32 @p1 $0x0;
	(pc) =	sbr.rel .LBB1_7-.Ltmp5, $4  }
0x54: {  	s31 =	sshll.u32 s13, $0x4;
	s19 =	sadd.s32 s4, s19;
	s21 =	smul.u32 s23, s21  }
0x55: {  	s19 =	sadd.s32 s30, s19;
	s23 =	sand.u32 $0x70, s31  }
0x56: {  	s19 =	sadd.s32 s23, s19;
	s21 =	sand.u32 $0x3FFFFF80, s21  }
0x57: {  	[hbm4b:s19+s10] =	stream.strided.scatter [tilespmem:s20], [sflag:$0x2], s21, s11, s10, $0x20;
	[tilespmem:$0x10100] =	vst v63  }
.LBB1_8:
0x58: {  	_ =	sfence.sel $0x180000  }
0x59: {  	s1 =	simm.s32 $0x1;
	[bflag:$0x0] =	sbarrier.arrive $0xFFFF  }
0x5a: {  	s31 =	simm.s32 $0x2;
	[sflag:s1] =	ssyncpa.u1 $0x1  }
0x5b: {  	[sflag:s31] =	ssyncpa.u1 $0x1  }
0x5c: {  	p0 =	sne.s32 s0, $0x0;
	_ =	strace $0x9000004D  }
0x5d: {  	s0 =	sadd.s32 @!p0 $0x100000, s3;
	[bflag:$0x2] =	sbarrier.arrive $0xFFFF  }
0x5e: {  	[sflag:s0] =	ssyncadd.tile.s32 @!p0 $0x1;
	_ =	shalt  }
.Lfunc_end1:
_tile_overlayer_lowered:
.L_overlay_start_2:
0x5f: {  	(tag) =	ssettag $0x2  }
0x60: {  	s0 =	rddreg [dreg:$0x0];
	s2 =	stileid.u32  }
0x61: {  	s1 =	rddreg [dreg:$0x1];
	p0 =	sne.s32 s2, $0x0  }
0x62: {  	s3 =	rddreg [dreg:$0x2];
	[bflag:$0x3] =	sbarrier.arrive $0xFFFF;
	s2 =	simm.s32 @!p0 $0x1C01  }
0x63: {  	[timem:s3], [sflag:s2] =	dma.local @!p0 [hbm:s0], s1  }
0x64: {  	s0 =	simm.s32 @!p0 $0x1  }
0x65: {  	_ =	swait.ge @!p0 [sflag:s0], s1  }
0x66: {  	s1 =	ssub.s32 @!p0 $0x0, s1;
	[sflag:s0] =	ssyncset.done @!p0 $0x0  }
0x67: {  	[sflag:s0] =	ssyncadd.s32 @!p0 s1  }
0x68: {  	[bflag:$0x3] =	sbarrier.arrive $0xFFFF  }
0x69: {  	_ =	shalt  }

</sc_bundles>
